<compile_context>
chip_gen: v7x
topology: tpu7x:2x2x1
jax: 0.10.2.dev20260603
libtpu: 0.0.44.dev20260713+nightly
codegen_flags: <defaults>
</compile_context>

<pallas_src>
import jax
import jax.numpy as jnp
from jax import lax
from jax.experimental import pallas as pl
from jax.experimental.pallas import tpu as pltpu
from jax.experimental.pallas import tpu_sc as plsc

N = 10000
E = 160000
D = 256
DH = 512

NC = 2
NS = 16
L = 16

ECH = 80
ECHUNKS = 2048
E_PAD = ECHUNKS * ECH
TRASH = N
ACC_R = 10080

_MESH = plsc.VectorSubcoreMesh(core_axis_name="c", subcore_axis_name="s")

_DW = 128
_DCPT = ECHUNKS // NC // NS


def _deg_body(src_hbm, dst_hbm, out_hbm, islab_s, islab_d, sbuf, dbuf, table,
              asem):
    cid = lax.axis_index("c")
    sid = lax.axis_index("s")

    zeros = jnp.zeros((L,), jnp.float32)
    lanes = lax.iota(jnp.int32, L)
    onehot = jnp.where(lanes == 0, 1.0, 0.0).astype(jnp.float32)

    def _zb(i, _):
        r = i // (_DW // L)
        g = i % (_DW // L)
        sbuf[r, pl.ds(g * L, L)] = zeros
        dbuf[r, pl.ds(g * L, L)] = zeros
        return 0

    lax.fori_loop(0, ECH * (_DW // L), _zb, 0)

    def _zacc(k, _):
        ch = sid + k * NS

        @pl.when(ch < ACC_R // ECH)
        def _():
            pltpu.sync_copy(sbuf, table.at[pl.ds(ch * ECH, ECH)])

        return 0

    lax.fori_loop(0, (ACC_R // ECH + NS - 1) // NS, _zacc, 0)

    start = cid * (ECHUNKS // NC) + sid * _DCPT
    pltpu.sync_copy(src_hbm.at[pl.ds(start, _DCPT)], islab_s)
    pltpu.sync_copy(dst_hbm.at[pl.ds(start, _DCPT)], islab_d)

    def _mk(r, _):
        sbuf[r, pl.ds(0, L)] = onehot
        dbuf[r, pl.ds(L, L)] = onehot
        return 0

    lax.fori_loop(0, ECH, _mk, 0)
    plsc.subcore_barrier()

    def _prime(j, _):
        pltpu.async_copy(sbuf, table.at[islab_s.at[j]], asem, add=True)
        pltpu.async_copy(dbuf, table.at[islab_d.at[j]], asem, add=True)
        return 0

    lax.fori_loop(0, 4, _prime, 0)

    def _chunk(j, _):
        pltpu.async_copy(sbuf, table.at[islab_s.at[j]], asem, add=True)
        pltpu.async_copy(dbuf, table.at[islab_d.at[j]], asem, add=True)
        pltpu.make_async_copy(sbuf, table.at[islab_s.at[0]], asem).wait()
        pltpu.make_async_copy(dbuf, table.at[islab_d.at[0]], asem).wait()
        return 0

    lax.fori_loop(4, _DCPT, _chunk, 0)

    def _drain(j, _):
        pltpu.make_async_copy(sbuf, table.at[islab_s.at[0]], asem).wait()
        pltpu.make_async_copy(dbuf, table.at[islab_d.at[0]], asem).wait()
        return 0

    lax.fori_loop(0, 4, _drain, 0)
    plsc.subcore_barrier()

    @pl.when(sid < 10)
    def _():
        pltpu.sync_copy(table.at[pl.ds(sid * 1000, 1000)],
                        out_hbm.at[cid, pl.ds(sid * 1000, 1000)])


_deg_call = pl.kernel(
    _deg_body,
    out_type=jax.ShapeDtypeStruct((NC, N, _DW), jnp.float32),
    mesh=_MESH,
    scratch_types=[
        pltpu.VMEM((_DCPT, ECH), jnp.int32),
        pltpu.VMEM((_DCPT, ECH), jnp.int32),
        pltpu.VMEM((ECH, _DW), jnp.float32),
        pltpu.VMEM((ECH, _DW), jnp.float32),
        pltpu.VMEM_SHARED((ACC_R, _DW), jnp.float32),
        pltpu.SemaphoreType.DMA,
    ],
)

_RB = 1000


def _scale_body(dgp_ref, feat_ref, out_ref):
    deg_o = dgp_ref[0, :, 0] + dgp_ref[1, :, 0]
    scale = lax.rsqrt(jnp.maximum(deg_o, 1.0))
    out_ref[0] = feat_ref[...] * scale[:, None]


_scale_call = pl.pallas_call(
    _scale_body,
    grid=(N // _RB, 2),
    in_specs=[
        pl.BlockSpec((NC, _RB, _DW), lambda i, j: (0, i, 0)),
        pl.BlockSpec((_RB, 128), lambda i, j: (i, j)),
    ],
    out_specs=pl.BlockSpec((1, _RB, 128), lambda i, j: (j, i, 0)),
    out_shape=jax.ShapeDtypeStruct((2, N, 128), jnp.float32),
)

_ACPT = ECHUNKS // NS


def _agg_body(h0, h1, src_hbm, dst_hbm, out_hbm,
              islab_s, islab_d, buf0, buf1, buf2, acc,
              gsem0, gsem1, gsem2, ssem0, ssem1, ssem2):
    cid = lax.axis_index("c")
    sid = lax.axis_index("s")

    zeros = jnp.zeros((L,), jnp.float32)

    def _zrows(i, _):
        r = i // (128 // L)
        c = i % (128 // L)
        buf0[r, pl.ds(c * L, L)] = zeros
        return 0

    lax.fori_loop(0, ECH * (128 // L), _zrows, 0)

    def _zacc(k, _):
        ch = sid + k * NS

        @pl.when(ch < ACC_R // ECH)
        def _():
            pltpu.sync_copy(buf0, acc.at[pl.ds(ch * ECH, ECH)])

        return 0

    lax.fori_loop(0, (ACC_R // ECH + NS - 1) // NS, _zacc, 0)

    plsc.subcore_barrier()

    _HALF = _ACPT // 2

    def _run(table):
        bufs = (buf0, buf1, buf2)
        gsems = (gsem0, gsem1, gsem2)
        ssems = (ssem0, ssem1, ssem2)

        for half in range(2):
            base = sid * _ACPT + half * _HALF
            pltpu.sync_copy(src_hbm.at[pl.ds(base, _HALF)], islab_s)
            pltpu.sync_copy(dst_hbm.at[pl.ds(base, _HALF)], islab_d)
            pltpu.async_copy(table.at[islab_s.at[0]], buf0, gsem0)
            pltpu.async_copy(table.at[islab_s.at[1]], buf1, gsem1)

            def _grp(g, _):
                for r in range(3):
                    j = g * 3 + r
                    b, gs, ss = bufs[r], gsems[r], ssems[r]
                    nb = bufs[(r + 2) % 3]
                    ns = ssems[(r + 2) % 3]
                    ng = gsems[(r + 2) % 3]
                    pltpu.make_async_copy(
                        table.at[islab_s.at[j]], b, gs).wait()
                    pltpu.async_copy(b, acc.at[islab_d.at[j]], ss, add=True)

                    @pl.when(j + 2 < _HALF)
                    def _(j=j, nb=nb, ns=ns, ng=ng):
                        @pl.when(j >= 1)
                        def _():
                            pltpu.make_async_copy(
                                nb, acc.at[islab_d.at[j]], ns).wait()

                        pltpu.async_copy(table.at[islab_s.at[j + 2]], nb, ng)

                return 0

            lax.fori_loop(0, _HALF // 3, _grp, 0)
            jt = _HALF - 1
            pltpu.make_async_copy(table.at[islab_s.at[jt]], buf0, gsem0).wait()
            pltpu.async_copy(buf0, acc.at[islab_d.at[jt]], ssem0, add=True)
            for r in range(3):
                pltpu.make_async_copy(
                    bufs[r], acc.at[islab_d.at[0]], ssems[r]).wait()

    @pl.when(cid == 0)
    def _():
        _run(h0)

    @pl.when(cid == 1)
    def _():
        _run(h1)

    plsc.subcore_barrier()

    @pl.when(sid < 10)
    def _():
        pltpu.sync_copy(acc.at[pl.ds(sid * 1000, 1000)],
                        out_hbm.at[cid, pl.ds(sid * 1000, 1000)])


_agg_call = pl.kernel(
    _agg_body,
    out_type=jax.ShapeDtypeStruct((NC, N, 128), jnp.float32),
    mesh=_MESH,
    scratch_types=[
        pltpu.VMEM((_ACPT // 2, ECH), jnp.int32),
        pltpu.VMEM((_ACPT // 2, ECH), jnp.int32),
        pltpu.VMEM((ECH, 128), jnp.float32),
        pltpu.VMEM((ECH, 128), jnp.float32),
        pltpu.VMEM((ECH, 128), jnp.float32),
        pltpu.VMEM_SHARED((ACC_R, 128), jnp.float32),
        pltpu.SemaphoreType.DMA,
        pltpu.SemaphoreType.DMA,
        pltpu.SemaphoreType.DMA,
        pltpu.SemaphoreType.DMA,
        pltpu.SemaphoreType.DMA,
        pltpu.SemaphoreType.DMA,
    ],
)



def _mm_body(a0_ref, a1_ref, dgp_ref, w0_ref, w1_ref, b_ref, out_ref):
    deg_i = dgp_ref[0, :, L] + dgp_ref[1, :, L]
    scale = lax.rsqrt(jnp.maximum(deg_i, 1.0))
    x0 = a0_ref[...] * scale[:, None]
    x1 = a1_ref[...] * scale[:, None]
    y = (jnp.dot(x0, w0_ref[...], preferred_element_type=jnp.float32)
         + jnp.dot(x1, w1_ref[...], preferred_element_type=jnp.float32)
         + b_ref[...])
    out_ref[...] = jnp.maximum(y, 0.0)


_mm_call = pl.pallas_call(
    _mm_body,
    grid=(N // _RB,),
    in_specs=[
        pl.BlockSpec((_RB, 128), lambda i: (i, 0)),
        pl.BlockSpec((_RB, 128), lambda i: (i, 0)),
        pl.BlockSpec((NC, _RB, _DW), lambda i: (0, i, 0)),
        pl.BlockSpec((128, DH), lambda i: (0, 0)),
        pl.BlockSpec((128, DH), lambda i: (0, 0)),
        pl.BlockSpec((1, DH), lambda i: (0, 0)),
    ],
    out_specs=pl.BlockSpec((_RB, DH), lambda i: (i, 0)),
    out_shape=jax.ShapeDtypeStruct((N, DH), jnp.float32),
)


def kernel(features, edge_index, W, b):
    src = edge_index[0].astype(jnp.int32)
    dst = edge_index[1].astype(jnp.int32)
    pad = E_PAD - E
    trash = jnp.full((pad,), TRASH, jnp.int32)
    src_deg = jnp.concatenate([src, trash]).reshape(ECHUNKS, ECH)
    dst_pad = jnp.concatenate([dst, trash]).reshape(ECHUNKS, ECH)
    src_agg = jnp.concatenate(
        [src, jnp.zeros((pad,), jnp.int32)]).reshape(ECHUNKS, ECH)
    dgp = _deg_call(src_deg, dst_pad)
    h_split = _scale_call(dgp, features)
    agg = _agg_call(h_split[0], h_split[1], src_agg, dst_pad)
    return _mm_call(agg[0], agg[1], dgp,
                    W[:128], W[128:], b.reshape(1, DH))

# --- scband reference (transcript-rebuilt; emitter-appended) ---
"""Pipeline reference for scband-encoder-927712936229 (READ-ONLY COPY).

The authoritative reference and input builder live on the scoring server;
editing this copy changes nothing except your own understanding.
"""

import jax, jax.numpy as jnp
import numpy as np

N_NODES = 10000
N_EDGES = 160000
D_IN = 256
D_HID = 512


def setup_inputs(seed: int = 0) -> dict:
    key = jax.random.key(seed)
    k1, k2, k3 = jax.random.split(key, 3)
    features = jax.random.normal(k1, (N_NODES, D_IN), dtype=jnp.float32)
    edge_index = jax.random.randint(k2, (2, N_EDGES), 0, N_NODES).astype(jnp.int64)
    # GraphConv learned parameters (DGL GraphConv: weight [in, out], bias [out])
    W = jax.random.normal(k3, (D_IN, D_HID), dtype=jnp.float32) * (1.0 / np.sqrt(D_IN))
    b = jnp.zeros((D_HID,), dtype=jnp.float32)
    return {"features": features, "edge_index": edge_index, "W": W, "b": b}


def reference(features, edge_index, W, b):
    # Encoder.forward(features, corrupt=False) -> GCN(g, in_feats, n_hidden, relu)
    # Single DGL GraphConv layer with symmetric ('both') normalization:
    #   h = relu( D_in^{-1/2} A (D_out^{-1/2} X) W + b )
    src = edge_index[0]
    dst = edge_index[1]
    ones = jnp.ones((src.shape[0],), dtype=features.dtype)
    deg_out = jax.ops.segment_sum(ones, src, num_segments=N_NODES)
    deg_in = jax.ops.segment_sum(ones, dst, num_segments=N_NODES)
    norm_out = jax.lax.rsqrt(jnp.maximum(deg_out, 1.0))
    norm_in = jax.lax.rsqrt(jnp.maximum(deg_in, 1.0))
    h = features * norm_out[:, None]
    msg = jnp.take(h, src, axis=0)                      # gather (SparseCore)
    agg = jax.ops.segment_sum(msg, dst, num_segments=N_NODES)  # scatter-add
    agg = agg * norm_in[:, None]
    out = jnp.maximum(agg @ W + b, 0.0)                 # relu activation
    return out

if __name__ == "__main__":
    import jax
    _d = setup_inputs()
    print(jax.jit(kernel)(*tuple(_d.values())))

</pallas_src>

<mosaic_0001>
#map = affine_map<(d0, d1) -> (0, 0)>
#map1 = affine_map<(d0, d1) -> (0, 0, 0)>
module attributes {stable_mosaic.version = 14 : i64} {
  func.func @_deg_body(%arg0: i32, %arg1: i32, %arg2: memref<2048x80xi32, #tpu.memory_space<hbm>>, %arg3: memref<2048x80xi32, #tpu.memory_space<hbm>>, %arg4: memref<2x10000x128xf32, #tpu.memory_space<hbm>>, %arg5: memref<64x80xi32, #tpu.memory_space<vmem>>, %arg6: memref<64x80xi32, #tpu.memory_space<vmem>>, %arg7: memref<80x128xf32, #tpu.memory_space<vmem>>, %arg8: memref<80x128xf32, #tpu.memory_space<vmem>>, %arg9: memref<10080x128xf32, #tpu.memory_space<vmem_shared>>, %arg10: memref<!tpu.dma_semaphore, #tpu.memory_space<semaphore_mem>>) attributes {dimension_semantics = [#tpu.dimension_semantics<core_parallel>, #tpu.dimension_semantics<subcore_parallel>], iteration_bounds = array<i64: 2, 16>, scalar_prefetch = 0 : i64, scratch_operands = 6 : i64, tpu.core_type = #tpu.core_type<sc_vector_subcore>, window_params = [{transform_indices = #map}, {transform_indices = #map}, {transform_indices = #map1}]} {
    %broadcast_in_dim3A = arith.constant 0.000000e+00 : f32
    %broadcast_in_dim3A_0 = vector.broadcast %broadcast_in_dim3A : f32 to vector<16xf32>
    %iota3A = tpu.iota {dimensions = array<i32: 0>} : vector<16xi32>
    %eq3A = arith.constant 0 : i32
    %eq3A_1 = vector.broadcast %eq3A : i32 to vector<16xi32>
    %eq3A_2 = arith.cmpi eq, %iota3A, %eq3A_1 : vector<16xi32>
    %jit3A = arith.constant 1.000000e+00 : f32
    %jit3A_3 = arith.constant 0.000000e+00 : f32
    %broadcast_in_dim3A_4 = vector.broadcast %jit3A : f32 to vector<16xf32>
    %broadcast_in_dim3A_5 = vector.broadcast %jit3A_3 : f32 to vector<16xf32>
    %select_n3A = arith.select %eq3A_2, %broadcast_in_dim3A_4, %broadcast_in_dim3A_5 : vector<16xi1>, vector<16xf32>
    %scan3A = arith.constant 0 : i32
    %scan3A_6 = arith.constant 0 : i32
    %scan3A_7 = arith.constant 640 : i32
    %scan3A_8 = arith.addi %scan3A_6, %scan3A_7 : i32
    %scan3A_9 = arith.constant 1 : i32
    %scan3A_10 = scf.for %scan3A_53 = %scan3A_6 to %scan3A_8 step %scan3A_9 iter_args(%scan3A_54 = %scan3A) -> (i32)  : i32 {
      %jit3A_55 = arith.constant 8 : i32
      %div3A = arith.divsi %scan3A_53, %jit3A_55 : i32
      %sign3A = arith.constant 0 : i32
      %sign3A_56 = arith.cmpi sgt, %scan3A_53, %sign3A : i32
      %sign3A_57 = arith.extui %sign3A_56 : i1 to i32
      %sign3A_58 = arith.constant 0 : i32
      %sign3A_59 = arith.cmpi slt, %scan3A_53, %sign3A_58 : i32
      %sign3A_60 = arith.extui %sign3A_59 : i1 to i32
      %sign3A_61 = arith.subi %sign3A_57, %sign3A_60 : i32
      %sign3A_62 = arith.constant 0 : i32
      %sign3A_63 = arith.cmpi sgt, %jit3A_55, %sign3A_62 : i32
      %sign3A_64 = arith.extui %sign3A_63 : i1 to i32
      %sign3A_65 = arith.constant 0 : i32
      %sign3A_66 = arith.cmpi slt, %jit3A_55, %sign3A_65 : i32
      %sign3A_67 = arith.extui %sign3A_66 : i1 to i32
      %sign3A_68 = arith.subi %sign3A_64, %sign3A_67 : i32
      %ne3A = arith.cmpi ne, %sign3A_61, %sign3A_68 : i32
      %rem3A = arith.remsi %scan3A_53, %jit3A_55 : i32
      %ne3A_69 = arith.constant 0 : i32
      %ne3A_70 = arith.cmpi ne, %rem3A, %ne3A_69 : i32
      %and3A = arith.andi %ne3A, %ne3A_70 : i1
      %sub3A = arith.constant 1 : i32
      %sub3A_71 = arith.subi %div3A, %sub3A : i32
      %select_n3A_72 = arith.select %and3A, %sub3A_71, %div3A : i32
      %jit3A_73 = arith.constant 8 : i32
      %eq3A_74 = arith.constant 0 : i32
      %eq3A_75 = arith.cmpi eq, %jit3A_73, %eq3A_74 : i32
      %jit3A_76 = arith.constant 1 : i32
      %select_n3A_77 = arith.select %eq3A_75, %jit3A_76, %jit3A_73 : i32
      %rem3A_78 = arith.remsi %scan3A_53, %select_n3A_77 : i32
      %ne3A_79 = arith.constant 0 : i32
      %ne3A_80 = arith.cmpi ne, %rem3A_78, %ne3A_79 : i32
      %lt3A_81 = arith.constant 0 : i32
      %lt3A_82 = arith.cmpi slt, %rem3A_78, %lt3A_81 : i32
      %lt3A_83 = arith.constant 0 : i32
      %lt3A_84 = arith.cmpi slt, %select_n3A_77, %lt3A_83 : i32
      %ne3A_85 = arith.xori %lt3A_82, %lt3A_84 : i1
      %and3A_86 = arith.andi %ne3A_85, %ne3A_80 : i1
      %add3A_87 = arith.addi %rem3A_78, %select_n3A_77 : i32
      %select_n3A_88 = arith.select %and3A_86, %add3A_87, %rem3A_78 : i32
      %mul3A_89 = arith.constant 16 : i32
      %mul3A_90 = arith.muli %select_n3A_88, %mul3A_89 : i32
      %swap3A = arith.index_cast %select_n3A_72 : i32 to index
      %swap3A_91 = arith.index_cast %mul3A_90 : i32 to index
      %swap3A_92 = tpu.vector_load %arg7[%swap3A, %swap3A_91] {strides = array<i32>} : memref<80x128xf32, #tpu.memory_space<vmem>>, vector<1x16xf32>,
      %swap3A_93 = vector.shape_cast %swap3A_92 : vector<1x16xf32> to vector<16xf32>
      %swap3A_94 = vector.shape_cast %broadcast_in_dim3A_0 : vector<16xf32> to vector<1x16xf32>
      tpu.vector_store %arg7[%swap3A, %swap3A_91], %swap3A_94 {strides = array<i32>} : memref<80x128xf32, #tpu.memory_space<vmem>>, vector<1x16xf32>,
      %mul3A_95 = arith.constant 16 : i32
      %mul3A_96 = arith.muli %select_n3A_88, %mul3A_95 : i32
      %swap3A_97 = arith.index_cast %select_n3A_72 : i32 to index
      %swap3A_98 = arith.index_cast %mul3A_96 : i32 to index
      %swap3A_99 = tpu.vector_load %arg8[%swap3A_97, %swap3A_98] {strides = array<i32>} : memref<80x128xf32, #tpu.memory_space<vmem>>, vector<1x16xf32>,
      %swap3A_100 = vector.shape_cast %swap3A_99 : vector<1x16xf32> to vector<16xf32>
      %swap3A_101 = vector.shape_cast %broadcast_in_dim3A_0 : vector<16xf32> to vector<1x16xf32>
      tpu.vector_store %arg8[%swap3A_97, %swap3A_98], %swap3A_101 {strides = array<i32>} : memref<80x128xf32, #tpu.memory_space<vmem>>, vector<1x16xf32>,
      %scan3A_102 = arith.constant 0 : i32
      scf.yield %scan3A_102 : i32
    }
    %scan3A_11 = arith.constant 640 : i32
    %scan3A_12 = arith.constant 0 : i32
    %scan3A_13 = arith.constant 0 : i32
    %scan3A_14 = arith.constant 8 : i32
    %scan3A_15 = arith.addi %scan3A_13, %scan3A_14 : i32
    %scan3A_16 = arith.constant 1 : i32
    %scan3A_17 = scf.for %scan3A_53 = %scan3A_13 to %scan3A_15 step %scan3A_16 iter_args(%scan3A_54 = %scan3A_12) -> (i32)  : i32 {
      %mul3A_55 = arith.constant 16 : i32
      %mul3A_56 = arith.muli %scan3A_53, %mul3A_55 : i32
      %add3A_57 = arith.addi %arg1, %mul3A_56 : i32
      %lt3A_58 = arith.constant 126 : i32
      %lt3A_59 = arith.cmpi slt, %add3A_57, %lt3A_58 : i32
      %convert_element_type3A_60 = arith.extui %lt3A_59 : i1 to i32
      %cond3A_61 = arith.constant 0 : i32
      %cond3A_62 = arith.cmpi ne, %convert_element_type3A_60, %cond3A_61 : i32
      scf.if %cond3A_62 {
        %mul3A_64 = arith.constant 80 : i32
        %mul3A_65 = arith.muli %add3A_57, %mul3A_64 : i32
        "tpu.region"() ({
          %run_scoped3A = tpu.sem_alloc : memref<!tpu.dma_semaphore, #tpu.memory_space<semaphore_mem>>
          %dma_start3A = arith.constant 0 : i32
          %dma_start3A_66 = tpu.memref_slice %arg9[%mul3A_65, %dma_start3A] : memref<10080x128xf32, #tpu.memory_space<vmem_shared>> -> memref<80x128xf32, #tpu.memory_space<vmem_shared>>
          %dma_start3A_67 = arith.constant 0 : i32
          %dma_start3A_68 = tpu.memref_slice %arg9[%mul3A_65, %dma_start3A_67] : memref<10080x128xf32, #tpu.memory_space<vmem_shared>> -> memref<80x128xf32, #tpu.memory_space<vmem_shared>>
          tpu.enqueue_dma source(%arg7 : memref<80x128xf32, #tpu.memory_space<vmem>>) target(%dma_start3A_68 : memref<80x128xf32, #tpu.memory_space<vmem_shared>>) target_semaphore(%run_scoped3A : memref<!tpu.dma_semaphore, #tpu.memory_space<semaphore_mem>>)
          %dma_wait3A = arith.constant 0 : i32
          %dma_wait3A_69 = tpu.memref_slice %arg9[%mul3A_65, %dma_wait3A] : memref<10080x128xf32, #tpu.memory_space<vmem_shared>> -> memref<80x128xf32, #tpu.memory_space<vmem_shared>>
          %dma_wait3A_70 = arith.constant 0 : i32
          %dma_wait3A_71 = tpu.memref_slice %arg9[%mul3A_65, %dma_wait3A_70] : memref<10080x128xf32, #tpu.memory_space<vmem_shared>> -> memref<80x128xf32, #tpu.memory_space<vmem_shared>>
          tpu.wait_dma2 semaphore(%run_scoped3A : memref<!tpu.dma_semaphore, #tpu.memory_space<semaphore_mem>>) src(%arg7 : memref<80x128xf32, #tpu.memory_space<vmem>>) dst(%dma_wait3A_71 : memref<80x128xf32, #tpu.memory_space<vmem_shared>>)
          tpu.yield
        }) : () -> ()
      } else {
      }
      %scan3A_63 = arith.constant 0 : i32
      scf.yield %scan3A_63 : i32
    }
    %scan3A_18 = arith.constant 8 : i32
    %mul3A = arith.constant 1024 : i32
    %mul3A_19 = arith.muli %arg0, %mul3A : i32
    %mul3A_20 = arith.constant 64 : i32
    %mul3A_21 = arith.muli %arg1, %mul3A_20 : i32
    %add3A = arith.addi %mul3A_19, %mul3A_21 : i32
    "tpu.region"() ({
      %run_scoped3A = tpu.sem_alloc : memref<!tpu.dma_semaphore, #tpu.memory_space<semaphore_mem>>
      %dma_start3A = arith.constant 0 : i32
      %dma_start3A_53 = tpu.memref_slice %arg2[%add3A, %dma_start3A] : memref<2048x80xi32, #tpu.memory_space<hbm>> -> memref<64x80xi32, #tpu.memory_space<hbm>>
      %dma_start3A_54 = arith.constant 0 : i32
      %dma_start3A_55 = tpu.memref_slice %arg2[%add3A, %dma_start3A_54] : memref<2048x80xi32, #tpu.memory_space<hbm>> -> memref<64x80xi32, #tpu.memory_space<hbm>>
      tpu.enqueue_dma source(%dma_start3A_55 : memref<64x80xi32, #tpu.memory_space<hbm>>) target(%arg5 : memref<64x80xi32, #tpu.memory_space<vmem>>) target_semaphore(%run_scoped3A : memref<!tpu.dma_semaphore, #tpu.memory_space<semaphore_mem>>)
      %dma_wait3A = arith.constant 0 : i32
      %dma_wait3A_56 = tpu.memref_slice %arg2[%add3A, %dma_wait3A] : memref<2048x80xi32, #tpu.memory_space<hbm>> -> memref<64x80xi32, #tpu.memory_space<hbm>>
      %dma_wait3A_57 = arith.constant 0 : i32
      %dma_wait3A_58 = tpu.memref_slice %arg2[%add3A, %dma_wait3A_57] : memref<2048x80xi32, #tpu.memory_space<hbm>> -> memref<64x80xi32, #tpu.memory_space<hbm>>
      tpu.wait_dma2 semaphore(%run_scoped3A : memref<!tpu.dma_semaphore, #tpu.memory_space<semaphore_mem>>) src(%dma_wait3A_58 : memref<64x80xi32, #tpu.memory_space<hbm>>) dst(%arg5 : memref<64x80xi32, #tpu.memory_space<vmem>>)
      tpu.yield
    }) : () -> ()
    "tpu.region"() ({
      %run_scoped3A = tpu.sem_alloc : memref<!tpu.dma_semaphore, #tpu.memory_space<semaphore_mem>>
      %dma_start3A = arith.constant 0 : i32
      %dma_start3A_53 = tpu.memref_slice %arg3[%add3A, %dma_start3A] : memref<2048x80xi32, #tpu.memory_space<hbm>> -> memref<64x80xi32, #tpu.memory_space<hbm>>
      %dma_start3A_54 = arith.constant 0 : i32
      %dma_start3A_55 = tpu.memref_slice %arg3[%add3A, %dma_start3A_54] : memref<2048x80xi32, #tpu.memory_space<hbm>> -> memref<64x80xi32, #tpu.memory_space<hbm>>
      tpu.enqueue_dma source(%dma_start3A_55 : memref<64x80xi32, #tpu.memory_space<hbm>>) target(%arg6 : memref<64x80xi32, #tpu.memory_space<vmem>>) target_semaphore(%run_scoped3A : memref<!tpu.dma_semaphore, #tpu.memory_space<semaphore_mem>>)
      %dma_wait3A = arith.constant 0 : i32
      %dma_wait3A_56 = tpu.memref_slice %arg3[%add3A, %dma_wait3A] : memref<2048x80xi32, #tpu.memory_space<hbm>> -> memref<64x80xi32, #tpu.memory_space<hbm>>
      %dma_wait3A_57 = arith.constant 0 : i32
      %dma_wait3A_58 = tpu.memref_slice %arg3[%add3A, %dma_wait3A_57] : memref<2048x80xi32, #tpu.memory_space<hbm>> -> memref<64x80xi32, #tpu.memory_space<hbm>>
      tpu.wait_dma2 semaphore(%run_scoped3A : memref<!tpu.dma_semaphore, #tpu.memory_space<semaphore_mem>>) src(%dma_wait3A_58 : memref<64x80xi32, #tpu.memory_space<hbm>>) dst(%arg6 : memref<64x80xi32, #tpu.memory_space<vmem>>)
      tpu.yield
    }) : () -> ()
    %scan3A_22 = arith.constant 0 : i32
    %scan3A_23 = arith.constant 0 : i32
    %scan3A_24 = arith.constant 80 : i32
    %scan3A_25 = arith.addi %scan3A_23, %scan3A_24 : i32
    %scan3A_26 = arith.constant 1 : i32
    %scan3A_27 = scf.for %scan3A_53 = %scan3A_23 to %scan3A_25 step %scan3A_26 iter_args(%scan3A_54 = %scan3A_22) -> (i32)  : i32 {
      %swap3A = arith.index_cast %scan3A_53 : i32 to index
      %swap3A_55 = arith.constant 0 : index
      %swap3A_56 = tpu.vector_load %arg7[%swap3A, %swap3A_55] {strides = array<i32>} : memref<80x128xf32, #tpu.memory_space<vmem>>, vector<1x16xf32>,
      %swap3A_57 = vector.shape_cast %swap3A_56 : vector<1x16xf32> to vector<16xf32>
      %swap3A_58 = vector.shape_cast %select_n3A : vector<16xf32> to vector<1x16xf32>
      tpu.vector_store %arg7[%swap3A, %swap3A_55], %swap3A_58 {strides = array<i32>} : memref<80x128xf32, #tpu.memory_space<vmem>>, vector<1x16xf32>,
      %swap3A_59 = arith.index_cast %scan3A_53 : i32 to index
      %swap3A_60 = arith.constant 16 : index
      %swap3A_61 = tpu.vector_load %arg8[%swap3A_59, %swap3A_60] {strides = array<i32>} : memref<80x128xf32, #tpu.memory_space<vmem>>, vector<1x16xf32>,
      %swap3A_62 = vector.shape_cast %swap3A_61 : vector<1x16xf32> to vector<16xf32>
      %swap3A_63 = vector.shape_cast %select_n3A : vector<16xf32> to vector<1x16xf32>
      tpu.vector_store %arg8[%swap3A_59, %swap3A_60], %swap3A_63 {strides = array<i32>} : memref<80x128xf32, #tpu.memory_space<vmem>>, vector<1x16xf32>,
      %scan3A_64 = arith.constant 0 : i32
      scf.yield %scan3A_64 : i32
    }
    %scan3A_28 = arith.constant 80 : i32
    %barrier3A = arith.constant 0 : index
    tpu.barrier barrier_id(%barrier3A)
    %scan3A_29 = arith.constant 0 : i32
    %scan3A_30 = arith.constant 0 : i32
    %scan3A_31 = arith.constant 4 : i32
    %scan3A_32 = arith.addi %scan3A_30, %scan3A_31 : i32
    %scan3A_33 = arith.constant 1 : i32
    %scan3A_34 = scf.for %scan3A_53 = %scan3A_30 to %scan3A_32 step %scan3A_33 iter_args(%scan3A_54 = %scan3A_29) -> (i32)  : i32 {
      %dma_start3A = arith.constant 0 : i32
      %dma_start3A_55 = tpu.memref_slice %arg5[%scan3A_53, %dma_start3A] : memref<64x80xi32, #tpu.memory_space<vmem>> -> memref<1x80xi32, #tpu.memory_space<vmem>>
      %dma_start3A_56 = tpu.memref_squeeze %dma_start3A_55 : memref<1x80xi32, #tpu.memory_space<vmem>> -> memref<80xi32, #tpu.memory_space<vmem>>
      %dma_start3A_57 = arith.constant 0 : i32
      %dma_start3A_58 = arith.constant 0 : i32
      %dma_start3A_59 = tpu.memref_slice %arg9[%dma_start3A_57, %dma_start3A_58] : memref<10080x128xf32, #tpu.memory_space<vmem_shared>> -> memref<10080x128xf32, #tpu.memory_space<vmem_shared>>
      tpu.enqueue_indirect_dma source(%arg7 : memref<80x128xf32, #tpu.memory_space<vmem>>) target(%dma_start3A_59 : memref<10080x128xf32, #tpu.memory_space<vmem_shared>>) offsets(%dma_start3A_56 : memref<80xi32, #tpu.memory_space<vmem>>) semaphore(%arg10 : memref<!tpu.dma_semaphore, #tpu.memory_space<semaphore_mem>>) {add = true}
      %dma_start3A_60 = arith.constant 0 : i32
      %dma_start3A_61 = tpu.memref_slice %arg6[%scan3A_53, %dma_start3A_60] : memref<64x80xi32, #tpu.memory_space<vmem>> -> memref<1x80xi32, #tpu.memory_space<vmem>>
      %dma_start3A_62 = tpu.memref_squeeze %dma_start3A_61 : memref<1x80xi32, #tpu.memory_space<vmem>> -> memref<80xi32, #tpu.memory_space<vmem>>
      %dma_start3A_63 = arith.constant 0 : i32
      %dma_start3A_64 = arith.constant 0 : i32
      %dma_start3A_65 = tpu.memref_slice %arg9[%dma_start3A_63, %dma_start3A_64] : memref<10080x128xf32, #tpu.memory_space<vmem_shared>> -> memref<10080x128xf32, #tpu.memory_space<vmem_shared>>
      tpu.enqueue_indirect_dma source(%arg8 : memref<80x128xf32, #tpu.memory_space<vmem>>) target(%dma_start3A_65 : memref<10080x128xf32, #tpu.memory_space<vmem_shared>>) offsets(%dma_start3A_62 : memref<80xi32, #tpu.memory_space<vmem>>) semaphore(%arg10 : memref<!tpu.dma_semaphore, #tpu.memory_space<semaphore_mem>>) {add = true}
      %scan3A_66 = arith.constant 0 : i32
      scf.yield %scan3A_66 : i32
    }
    %scan3A_35 = arith.constant 4 : i32
    %scan3A_36 = arith.constant 0 : i32
    %scan3A_37 = arith.constant 4 : i32
    %scan3A_38 = arith.constant 60 : i32
    %scan3A_39 = arith.addi %scan3A_37, %scan3A_38 : i32
    %scan3A_40 = arith.constant 1 : i32
    %scan3A_41 = scf.for %scan3A_53 = %scan3A_37 to %scan3A_39 step %scan3A_40 iter_args(%scan3A_54 = %scan3A_36) -> (i32)  : i32 {
      %dma_start3A = arith.constant 0 : i32
      %dma_start3A_55 = tpu.memref_slice %arg5[%scan3A_53, %dma_start3A] : memref<64x80xi32, #tpu.memory_space<vmem>> -> memref<1x80xi32, #tpu.memory_space<vmem>>
      %dma_start3A_56 = tpu.memref_squeeze %dma_start3A_55 : memref<1x80xi32, #tpu.memory_space<vmem>> -> memref<80xi32, #tpu.memory_space<vmem>>
      %dma_start3A_57 = arith.constant 0 : i32
      %dma_start3A_58 = arith.constant 0 : i32
      %dma_start3A_59 = tpu.memref_slice %arg9[%dma_start3A_57, %dma_start3A_58] : memref<10080x128xf32, #tpu.memory_space<vmem_shared>> -> memref<10080x128xf32, #tpu.memory_space<vmem_shared>>
      tpu.enqueue_indirect_dma source(%arg7 : memref<80x128xf32, #tpu.memory_space<vmem>>) target(%dma_start3A_59 : memref<10080x128xf32, #tpu.memory_space<vmem_shared>>) offsets(%dma_start3A_56 : memref<80xi32, #tpu.memory_space<vmem>>) semaphore(%arg10 : memref<!tpu.dma_semaphore, #tpu.memory_space<semaphore_mem>>) {add = true}
      %dma_start3A_60 = arith.constant 0 : i32
      %dma_start3A_61 = tpu.memref_slice %arg6[%scan3A_53, %dma_start3A_60] : memref<64x80xi32, #tpu.memory_space<vmem>> -> memref<1x80xi32, #tpu.memory_space<vmem>>
      %dma_start3A_62 = tpu.memref_squeeze %dma_start3A_61 : memref<1x80xi32, #tpu.memory_space<vmem>> -> memref<80xi32, #tpu.memory_space<vmem>>
      %dma_start3A_63 = arith.constant 0 : i32
      %dma_start3A_64 = arith.constant 0 : i32
      %dma_start3A_65 = tpu.memref_slice %arg9[%dma_start3A_63, %dma_start3A_64] : memref<10080x128xf32, #tpu.memory_space<vmem_shared>> -> memref<10080x128xf32, #tpu.memory_space<vmem_shared>>
      tpu.enqueue_indirect_dma source(%arg8 : memref<80x128xf32, #tpu.memory_space<vmem>>) target(%dma_start3A_65 : memref<10080x128xf32, #tpu.memory_space<vmem_shared>>) offsets(%dma_start3A_62 : memref<80xi32, #tpu.memory_space<vmem>>) semaphore(%arg10 : memref<!tpu.dma_semaphore, #tpu.memory_space<semaphore_mem>>) {add = true}
      %dma_wait3A = arith.constant 0 : i32
      %dma_wait3A_66 = arith.constant 0 : i32
      %dma_wait3A_67 = tpu.memref_slice %arg5[%dma_wait3A, %dma_wait3A_66] : memref<64x80xi32, #tpu.memory_space<vmem>> -> memref<1x80xi32, #tpu.memory_space<vmem>>
      %dma_wait3A_68 = tpu.memref_squeeze %dma_wait3A_67 : memref<1x80xi32, #tpu.memory_space<vmem>> -> memref<80xi32, #tpu.memory_space<vmem>>
      %dma_wait3A_69 = arith.constant 0 : i32
      %dma_wait3A_70 = arith.constant 0 : i32
      %dma_wait3A_71 = tpu.memref_slice %arg9[%dma_wait3A_69, %dma_wait3A_70] : memref<10080x128xf32, #tpu.memory_space<vmem_shared>> -> memref<10080x128xf32, #tpu.memory_space<vmem_shared>>
      tpu.wait_indirect_dma semaphore(%arg10 : memref<!tpu.dma_semaphore, #tpu.memory_space<semaphore_mem>>) src(%arg7 : memref<80x128xf32, #tpu.memory_space<vmem>>) dst(%dma_wait3A_71 : memref<10080x128xf32, #tpu.memory_space<vmem_shared>>)
      %dma_wait3A_72 = arith.constant 0 : i32
      %dma_wait3A_73 = arith.constant 0 : i32
      %dma_wait3A_74 = tpu.memref_slice %arg6[%dma_wait3A_72, %dma_wait3A_73] : memref<64x80xi32, #tpu.memory_space<vmem>> -> memref<1x80xi32, #tpu.memory_space<vmem>>
      %dma_wait3A_75 = tpu.memref_squeeze %dma_wait3A_74 : memref<1x80xi32, #tpu.memory_space<vmem>> -> memref<80xi32, #tpu.memory_space<vmem>>
      %dma_wait3A_76 = arith.constant 0 : i32
      %dma_wait3A_77 = arith.constant 0 : i32
      %dma_wait3A_78 = tpu.memref_slice %arg9[%dma_wait3A_76, %dma_wait3A_77] : memref<10080x128xf32, #tpu.memory_space<vmem_shared>> -> memref<10080x128xf32, #tpu.memory_space<vmem_shared>>
      tpu.wait_indirect_dma semaphore(%arg10 : memref<!tpu.dma_semaphore, #tpu.memory_space<semaphore_mem>>) src(%arg8 : memref<80x128xf32, #tpu.memory_space<vmem>>) dst(%dma_wait3A_78 : memref<10080x128xf32, #tpu.memory_space<vmem_shared>>)
      %scan3A_79 = arith.constant 0 : i32
      scf.yield %scan3A_79 : i32
    }
    %scan3A_42 = arith.constant 60 : i32
    %scan3A_43 = arith.constant 0 : i32
    %scan3A_44 = arith.constant 0 : i32
    %scan3A_45 = arith.constant 4 : i32
    %scan3A_46 = arith.addi %scan3A_44, %scan3A_45 : i32
    %scan3A_47 = arith.constant 1 : i32
    %scan3A_48 = scf.for %scan3A_53 = %scan3A_44 to %scan3A_46 step %scan3A_47 iter_args(%scan3A_54 = %scan3A_43) -> (i32)  : i32 {
      %dma_wait3A = arith.constant 0 : i32
      %dma_wait3A_55 = arith.constant 0 : i32
      %dma_wait3A_56 = tpu.memref_slice %arg5[%dma_wait3A, %dma_wait3A_55] : memref<64x80xi32, #tpu.memory_space<vmem>> -> memref<1x80xi32, #tpu.memory_space<vmem>>
      %dma_wait3A_57 = tpu.memref_squeeze %dma_wait3A_56 : memref<1x80xi32, #tpu.memory_space<vmem>> -> memref<80xi32, #tpu.memory_space<vmem>>
      %dma_wait3A_58 = arith.constant 0 : i32
      %dma_wait3A_59 = arith.constant 0 : i32
      %dma_wait3A_60 = tpu.memref_slice %arg9[%dma_wait3A_58, %dma_wait3A_59] : memref<10080x128xf32, #tpu.memory_space<vmem_shared>> -> memref<10080x128xf32, #tpu.memory_space<vmem_shared>>
      tpu.wait_indirect_dma semaphore(%arg10 : memref<!tpu.dma_semaphore, #tpu.memory_space<semaphore_mem>>) src(%arg7 : memref<80x128xf32, #tpu.memory_space<vmem>>) dst(%dma_wait3A_60 : memref<10080x128xf32, #tpu.memory_space<vmem_shared>>)
      %dma_wait3A_61 = arith.constant 0 : i32
      %dma_wait3A_62 = arith.constant 0 : i32
      %dma_wait3A_63 = tpu.memref_slice %arg6[%dma_wait3A_61, %dma_wait3A_62] : memref<64x80xi32, #tpu.memory_space<vmem>> -> memref<1x80xi32, #tpu.memory_space<vmem>>
      %dma_wait3A_64 = tpu.memref_squeeze %dma_wait3A_63 : memref<1x80xi32, #tpu.memory_space<vmem>> -> memref<80xi32, #tpu.memory_space<vmem>>
      %dma_wait3A_65 = arith.constant 0 : i32
      %dma_wait3A_66 = arith.constant 0 : i32
      %dma_wait3A_67 = tpu.memref_slice %arg9[%dma_wait3A_65, %dma_wait3A_66] : memref<10080x128xf32, #tpu.memory_space<vmem_shared>> -> memref<10080x128xf32, #tpu.memory_space<vmem_shared>>
      tpu.wait_indirect_dma semaphore(%arg10 : memref<!tpu.dma_semaphore, #tpu.memory_space<semaphore_mem>>) src(%arg8 : memref<80x128xf32, #tpu.memory_space<vmem>>) dst(%dma_wait3A_67 : memref<10080x128xf32, #tpu.memory_space<vmem_shared>>)
      %scan3A_68 = arith.constant 0 : i32
      scf.yield %scan3A_68 : i32
    }
    %scan3A_49 = arith.constant 4 : i32
    %barrier3A_50 = arith.constant 0 : index
    tpu.barrier barrier_id(%barrier3A_50)
    %lt3A = arith.constant 10 : i32
    %lt3A_51 = arith.cmpi slt, %arg1, %lt3A : i32
    %convert_element_type3A = arith.extui %lt3A_51 : i1 to i32
    %cond3A = arith.constant 0 : i32
    %cond3A_52 = arith.cmpi ne, %convert_element_type3A, %cond3A : i32
    scf.if %cond3A_52 {
      %mul3A_53 = arith.constant 1000 : i32
      %mul3A_54 = arith.muli %arg1, %mul3A_53 : i32
      %mul3A_55 = arith.constant 1000 : i32
      %mul3A_56 = arith.muli %arg1, %mul3A_55 : i32
      "tpu.region"() ({
        %run_scoped3A = tpu.sem_alloc : memref<!tpu.dma_semaphore, #tpu.memory_space<semaphore_mem>>
        %dma_start3A = arith.constant 0 : i32
        %dma_start3A_57 = tpu.memref_slice %arg4[%arg0, %mul3A_56, %dma_start3A] : memref<2x10000x128xf32, #tpu.memory_space<hbm>> -> memref<1x1000x128xf32, #tpu.memory_space<hbm>>
        %dma_start3A_58 = tpu.memref_squeeze %dma_start3A_57 : memref<1x1000x128xf32, #tpu.memory_space<hbm>> -> memref<1000x128xf32, #tpu.memory_space<hbm>>
        %dma_start3A_59 = arith.constant 0 : i32
        %dma_start3A_60 = tpu.memref_slice %arg9[%mul3A_54, %dma_start3A_59] : memref<10080x128xf32, #tpu.memory_space<vmem_shared>> -> memref<1000x128xf32, #tpu.memory_space<vmem_shared>>
        tpu.enqueue_dma source(%dma_start3A_60 : memref<1000x128xf32, #tpu.memory_space<vmem_shared>>) target(%dma_start3A_58 : memref<1000x128xf32, #tpu.memory_space<hbm>>) target_semaphore(%run_scoped3A : memref<!tpu.dma_semaphore, #tpu.memory_space<semaphore_mem>>)
        %dma_wait3A = arith.constant 0 : i32
        %dma_wait3A_61 = tpu.memref_slice %arg4[%arg0, %mul3A_56, %dma_wait3A] : memref<2x10000x128xf32, #tpu.memory_space<hbm>> -> memref<1x1000x128xf32, #tpu.memory_space<hbm>>
        %dma_wait3A_62 = tpu.memref_squeeze %dma_wait3A_61 : memref<1x1000x128xf32, #tpu.memory_space<hbm>> -> memref<1000x128xf32, #tpu.memory_space<hbm>>
        %dma_wait3A_63 = arith.constant 0 : i32
        %dma_wait3A_64 = tpu.memref_slice %arg9[%mul3A_54, %dma_wait3A_63] : memref<10080x128xf32, #tpu.memory_space<vmem_shared>> -> memref<1000x128xf32, #tpu.memory_space<vmem_shared>>
        tpu.wait_dma2 semaphore(%run_scoped3A : memref<!tpu.dma_semaphore, #tpu.memory_space<semaphore_mem>>) src(%dma_wait3A_64 : memref<1000x128xf32, #tpu.memory_space<vmem_shared>>) dst(%dma_wait3A_62 : memref<1000x128xf32, #tpu.memory_space<hbm>>)
        tpu.yield
      }) : () -> ()
    } else {
    }
    return
  }
}

#map = affine_map<(d0, d1) -> (0, 0)>
#map1 = affine_map<(d0, d1) -> (0, 0, 0)>
module attributes {stable_mosaic.version = 14 : i64} {
  func.func @_agg_body(%arg0: i32, %arg1: i32, %arg2: memref<10000x128xf32, #tpu.memory_space<hbm>>, %arg3: memref<10000x128xf32, #tpu.memory_space<hbm>>, %arg4: memref<2048x80xi32, #tpu.memory_space<hbm>>, %arg5: memref<2048x80xi32, #tpu.memory_space<hbm>>, %arg6: memref<2x10000x128xf32, #tpu.memory_space<hbm>>, %arg7: memref<64x80xi32, #tpu.memory_space<vmem>>, %arg8: memref<64x80xi32, #tpu.memory_space<vmem>>, %arg9: memref<80x128xf32, #tpu.memory_space<vmem>>, %arg10: memref<80x128xf32, #tpu.memory_space<vmem>>, %arg11: memref<80x128xf32, #tpu.memory_space<vmem>>, %arg12: memref<10080x128xf32, #tpu.memory_space<vmem_shared>>, %arg13: memref<!tpu.dma_semaphore, #tpu.memory_space<semaphore_mem>>, %arg14: memref<!tpu.dma_semaphore, #tpu.memory_space<semaphore_mem>>, %arg15: memref<!tpu.dma_semaphore, #tpu.memory_space<semaphore_mem>>, %arg16: memref<!tpu.dma_semaphore, #tpu.memory_space<semaphore_mem>>, %arg17: memref<!tpu.dma_semaphore, #tpu.memory_space<semaphore_mem>>, %arg18: memref<!tpu.dma_semaphore, #tpu.memory_space<semaphore_mem>>) attributes {dimension_semantics = [#tpu.dimension_semantics<core_parallel>, #tpu.dimension_semantics<subcore_parallel>], iteration_bounds = array<i64: 2, 16>, scalar_prefetch = 0 : i64, scratch_operands = 12 : i64, tpu.core_type = #tpu.core_type<sc_vector_subcore>, window_params = [{transform_indices = #map}, {transform_indices = #map}, {transform_indices = #map}, {transform_indices = #map}, {transform_indices = #map1}]} {
    %broadcast_in_dim3A = arith.constant 0.000000e+00 : f32
    %broadcast_in_dim3A_0 = vector.broadcast %broadcast_in_dim3A : f32 to vector<16xf32>
    %scan3A = arith.constant 0 : i32
    %scan3A_1 = arith.constant 0 : i32
    %scan3A_2 = arith.constant 640 : i32
    %scan3A_3 = arith.addi %scan3A_1, %scan3A_2 : i32
    %scan3A_4 = arith.constant 1 : i32
    %scan3A_5 = scf.for %scan3A_26 = %scan3A_1 to %scan3A_3 step %scan3A_4 iter_args(%scan3A_27 = %scan3A) -> (i32)  : i32 {
      %jit3A = arith.constant 8 : i32
      %div3A = arith.divsi %scan3A_26, %jit3A : i32
      %sign3A = arith.constant 0 : i32
      %sign3A_28 = arith.cmpi sgt, %scan3A_26, %sign3A : i32
      %sign3A_29 = arith.extui %sign3A_28 : i1 to i32
      %sign3A_30 = arith.constant 0 : i32
      %sign3A_31 = arith.cmpi slt, %scan3A_26, %sign3A_30 : i32
      %sign3A_32 = arith.extui %sign3A_31 : i1 to i32
      %sign3A_33 = arith.subi %sign3A_29, %sign3A_32 : i32
      %sign3A_34 = arith.constant 0 : i32
      %sign3A_35 = arith.cmpi sgt, %jit3A, %sign3A_34 : i32
      %sign3A_36 = arith.extui %sign3A_35 : i1 to i32
      %sign3A_37 = arith.constant 0 : i32
      %sign3A_38 = arith.cmpi slt, %jit3A, %sign3A_37 : i32
      %sign3A_39 = arith.extui %sign3A_38 : i1 to i32
      %sign3A_40 = arith.subi %sign3A_36, %sign3A_39 : i32
      %ne3A = arith.cmpi ne, %sign3A_33, %sign3A_40 : i32
      %rem3A = arith.remsi %scan3A_26, %jit3A : i32
      %ne3A_41 = arith.constant 0 : i32
      %ne3A_42 = arith.cmpi ne, %rem3A, %ne3A_41 : i32
      %and3A = arith.andi %ne3A, %ne3A_42 : i1
      %sub3A = arith.constant 1 : i32
      %sub3A_43 = arith.subi %div3A, %sub3A : i32
      %select_n3A = arith.select %and3A, %sub3A_43, %div3A : i32
      %jit3A_44 = arith.constant 8 : i32
      %eq3A_45 = arith.constant 0 : i32
      %eq3A_46 = arith.cmpi eq, %jit3A_44, %eq3A_45 : i32
      %jit3A_47 = arith.constant 1 : i32
      %select_n3A_48 = arith.select %eq3A_46, %jit3A_47, %jit3A_44 : i32
      %rem3A_49 = arith.remsi %scan3A_26, %select_n3A_48 : i32
      %ne3A_50 = arith.constant 0 : i32
      %ne3A_51 = arith.cmpi ne, %rem3A_49, %ne3A_50 : i32
      %lt3A_52 = arith.constant 0 : i32
      %lt3A_53 = arith.cmpi slt, %rem3A_49, %lt3A_52 : i32
      %lt3A_54 = arith.constant 0 : i32
      %lt3A_55 = arith.cmpi slt, %select_n3A_48, %lt3A_54 : i32
      %ne3A_56 = arith.xori %lt3A_53, %lt3A_55 : i1
      %and3A_57 = arith.andi %ne3A_56, %ne3A_51 : i1
      %add3A = arith.addi %rem3A_49, %select_n3A_48 : i32
      %select_n3A_58 = arith.select %and3A_57, %add3A, %rem3A_49 : i32
      %mul3A = arith.constant 16 : i32
      %mul3A_59 = arith.muli %select_n3A_58, %mul3A : i32
      %swap3A = arith.index_cast %select_n3A : i32 to index
      %swap3A_60 = arith.index_cast %mul3A_59 : i32 to index
      %swap3A_61 = tpu.vector_load %arg9[%swap3A, %swap3A_60] {strides = array<i32>} : memref<80x128xf32, #tpu.memory_space<vmem>>, vector<1x16xf32>,
      %swap3A_62 = vector.shape_cast %swap3A_61 : vector<1x16xf32> to vector<16xf32>
      %swap3A_63 = vector.shape_cast %broadcast_in_dim3A_0 : vector<16xf32> to vector<1x16xf32>
      tpu.vector_store %arg9[%swap3A, %swap3A_60], %swap3A_63 {strides = array<i32>} : memref<80x128xf32, #tpu.memory_space<vmem>>, vector<1x16xf32>,
      %scan3A_64 = arith.constant 0 : i32
      scf.yield %scan3A_64 : i32
    }
    %scan3A_6 = arith.constant 640 : i32
    %scan3A_7 = arith.constant 0 : i32
    %scan3A_8 = arith.constant 0 : i32
    %scan3A_9 = arith.constant 8 : i32
    %scan3A_10 = arith.addi %scan3A_8, %scan3A_9 : i32
    %scan3A_11 = arith.constant 1 : i32
    %scan3A_12 = scf.for %scan3A_26 = %scan3A_8 to %scan3A_10 step %scan3A_11 iter_args(%scan3A_27 = %scan3A_7) -> (i32)  : i32 {
      %mul3A = arith.constant 16 : i32
      %mul3A_28 = arith.muli %scan3A_26, %mul3A : i32
      %add3A = arith.addi %arg1, %mul3A_28 : i32
      %lt3A_29 = arith.constant 126 : i32
      %lt3A_30 = arith.cmpi slt, %add3A, %lt3A_29 : i32
      %convert_element_type3A_31 = arith.extui %lt3A_30 : i1 to i32
      %cond3A_32 = arith.constant 0 : i32
      %cond3A_33 = arith.cmpi ne, %convert_element_type3A_31, %cond3A_32 : i32
      scf.if %cond3A_33 {
        %mul3A_35 = arith.constant 80 : i32
        %mul3A_36 = arith.muli %add3A, %mul3A_35 : i32
        "tpu.region"() ({
          %run_scoped3A = tpu.sem_alloc : memref<!tpu.dma_semaphore, #tpu.memory_space<semaphore_mem>>
          %dma_start3A = arith.constant 0 : i32
          %dma_start3A_37 = tpu.memref_slice %arg12[%mul3A_36, %dma_start3A] : memref<10080x128xf32, #tpu.memory_space<vmem_shared>> -> memref<80x128xf32, #tpu.memory_space<vmem_shared>>
          %dma_start3A_38 = arith.constant 0 : i32
          %dma_start3A_39 = tpu.memref_slice %arg12[%mul3A_36, %dma_start3A_38] : memref<10080x128xf32, #tpu.memory_space<vmem_shared>> -> memref<80x128xf32, #tpu.memory_space<vmem_shared>>
          tpu.enqueue_dma source(%arg9 : memref<80x128xf32, #tpu.memory_space<vmem>>) target(%dma_start3A_39 : memref<80x128xf32, #tpu.memory_space<vmem_shared>>) target_semaphore(%run_scoped3A : memref<!tpu.dma_semaphore, #tpu.memory_space<semaphore_mem>>)
          %dma_wait3A = arith.constant 0 : i32
          %dma_wait3A_40 = tpu.memref_slice %arg12[%mul3A_36, %dma_wait3A] : memref<10080x128xf32, #tpu.memory_space<vmem_shared>> -> memref<80x128xf32, #tpu.memory_space<vmem_shared>>
          %dma_wait3A_41 = arith.constant 0 : i32
          %dma_wait3A_42 = tpu.memref_slice %arg12[%mul3A_36, %dma_wait3A_41] : memref<10080x128xf32, #tpu.memory_space<vmem_shared>> -> memref<80x128xf32, #tpu.memory_space<vmem_shared>>
          tpu.wait_dma2 semaphore(%run_scoped3A : memref<!tpu.dma_semaphore, #tpu.memory_space<semaphore_mem>>) src(%arg9 : memref<80x128xf32, #tpu.memory_space<vmem>>) dst(%dma_wait3A_42 : memref<80x128xf32, #tpu.memory_space<vmem_shared>>)
          tpu.yield
        }) : () -> ()
      } else {
      }
      %scan3A_34 = arith.constant 0 : i32
      scf.yield %scan3A_34 : i32
    }
    %scan3A_13 = arith.constant 8 : i32
    %barrier3A = arith.constant 0 : index
    tpu.barrier barrier_id(%barrier3A)
    %eq3A = arith.constant 0 : i32
    %eq3A_14 = arith.cmpi eq, %arg0, %eq3A : i32
    %convert_element_type3A = arith.extui %eq3A_14 : i1 to i32
    %cond3A = arith.constant 0 : i32
    %cond3A_15 = arith.cmpi ne, %convert_element_type3A, %cond3A : i32
    scf.if %cond3A_15 {
      %mul3A = arith.constant 128 : i32
      %mul3A_26 = arith.muli %arg1, %mul3A : i32
      %add3A = arith.constant 0 : i32
      %add3A_27 = arith.addi %mul3A_26, %add3A : i32
      "tpu.region"() ({
        %run_scoped3A = tpu.sem_alloc : memref<!tpu.dma_semaphore, #tpu.memory_space<semaphore_mem>>
        %dma_start3A_142 = arith.constant 0 : i32
        %dma_start3A_143 = tpu.memref_slice %arg4[%add3A_27, %dma_start3A_142] : memref<2048x80xi32, #tpu.memory_space<hbm>> -> memref<64x80xi32, #tpu.memory_space<hbm>>
        %dma_start3A_144 = arith.constant 0 : i32
        %dma_start3A_145 = tpu.memref_slice %arg4[%add3A_27, %dma_start3A_144] : memref<2048x80xi32, #tpu.memory_space<hbm>> -> memref<64x80xi32, #tpu.memory_space<hbm>>
        tpu.enqueue_dma source(%dma_start3A_145 : memref<64x80xi32, #tpu.memory_space<hbm>>) target(%arg7 : memref<64x80xi32, #tpu.memory_space<vmem>>) target_semaphore(%run_scoped3A : memref<!tpu.dma_semaphore, #tpu.memory_space<semaphore_mem>>)
        %dma_wait3A_146 = arith.constant 0 : i32
        %dma_wait3A_147 = tpu.memref_slice %arg4[%add3A_27, %dma_wait3A_146] : memref<2048x80xi32, #tpu.memory_space<hbm>> -> memref<64x80xi32, #tpu.memory_space<hbm>>
        %dma_wait3A_148 = arith.constant 0 : i32
        %dma_wait3A_149 = tpu.memref_slice %arg4[%add3A_27, %dma_wait3A_148] : memref<2048x80xi32, #tpu.memory_space<hbm>> -> memref<64x80xi32, #tpu.memory_space<hbm>>
        tpu.wait_dma2 semaphore(%run_scoped3A : memref<!tpu.dma_semaphore, #tpu.memory_space<semaphore_mem>>) src(%dma_wait3A_149 : memref<64x80xi32, #tpu.memory_space<hbm>>) dst(%arg7 : memref<64x80xi32, #tpu.memory_space<vmem>>)
        tpu.yield
      }) : () -> ()
      "tpu.region"() ({
        %run_scoped3A = tpu.sem_alloc : memref<!tpu.dma_semaphore, #tpu.memory_space<semaphore_mem>>
        %dma_start3A_142 = arith.constant 0 : i32
        %dma_start3A_143 = tpu.memref_slice %arg5[%add3A_27, %dma_start3A_142] : memref<2048x80xi32, #tpu.memory_space<hbm>> -> memref<64x80xi32, #tpu.memory_space<hbm>>
        %dma_start3A_144 = arith.constant 0 : i32
        %dma_start3A_145 = tpu.memref_slice %arg5[%add3A_27, %dma_start3A_144] : memref<2048x80xi32, #tpu.memory_space<hbm>> -> memref<64x80xi32, #tpu.memory_space<hbm>>
        tpu.enqueue_dma source(%dma_start3A_145 : memref<64x80xi32, #tpu.memory_space<hbm>>) target(%arg8 : memref<64x80xi32, #tpu.memory_space<vmem>>) target_semaphore(%run_scoped3A : memref<!tpu.dma_semaphore, #tpu.memory_space<semaphore_mem>>)
        %dma_wait3A_146 = arith.constant 0 : i32
        %dma_wait3A_147 = tpu.memref_slice %arg5[%add3A_27, %dma_wait3A_146] : memref<2048x80xi32, #tpu.memory_space<hbm>> -> memref<64x80xi32, #tpu.memory_space<hbm>>
        %dma_wait3A_148 = arith.constant 0 : i32
        %dma_wait3A_149 = tpu.memref_slice %arg5[%add3A_27, %dma_wait3A_148] : memref<2048x80xi32, #tpu.memory_space<hbm>> -> memref<64x80xi32, #tpu.memory_space<hbm>>
        tpu.wait_dma2 semaphore(%run_scoped3A : memref<!tpu.dma_semaphore, #tpu.memory_space<semaphore_mem>>) src(%dma_wait3A_149 : memref<64x80xi32, #tpu.memory_space<hbm>>) dst(%arg8 : memref<64x80xi32, #tpu.memory_space<vmem>>)
        tpu.yield
      }) : () -> ()
      %dma_start3A = arith.constant 0 : i32
      %dma_start3A_28 = arith.constant 0 : i32
      %dma_start3A_29 = tpu.memref_slice %arg7[%dma_start3A, %dma_start3A_28] : memref<64x80xi32, #tpu.memory_space<vmem>> -> memref<1x80xi32, #tpu.memory_space<vmem>>
      %dma_start3A_30 = tpu.memref_squeeze %dma_start3A_29 : memref<1x80xi32, #tpu.memory_space<vmem>> -> memref<80xi32, #tpu.memory_space<vmem>>
      %dma_start3A_31 = arith.constant 0 : i32
      %dma_start3A_32 = arith.constant 0 : i32
      %dma_start3A_33 = tpu.memref_slice %arg2[%dma_start3A_31, %dma_start3A_32] : memref<10000x128xf32, #tpu.memory_space<hbm>> -> memref<10000x128xf32, #tpu.memory_space<hbm>>
      tpu.enqueue_indirect_dma source(%dma_start3A_33 : memref<10000x128xf32, #tpu.memory_space<hbm>>) target(%arg9 : memref<80x128xf32, #tpu.memory_space<vmem>>) offsets(%dma_start3A_30 : memref<80xi32, #tpu.memory_space<vmem>>) semaphore(%arg13 : memref<!tpu.dma_semaphore, #tpu.memory_space<semaphore_mem>>)
      %dma_start3A_34 = arith.constant 1 : i32
      %dma_start3A_35 = arith.constant 0 : i32
      %dma_start3A_36 = tpu.memref_slice %arg7[%dma_start3A_34, %dma_start3A_35] : memref<64x80xi32, #tpu.memory_space<vmem>> -> memref<1x80xi32, #tpu.memory_space<vmem>>
      %dma_start3A_37 = tpu.memref_squeeze %dma_start3A_36 : memref<1x80xi32, #tpu.memory_space<vmem>> -> memref<80xi32, #tpu.memory_space<vmem>>
      %dma_start3A_38 = arith.constant 0 : i32
      %dma_start3A_39 = arith.constant 0 : i32
      %dma_start3A_40 = tpu.memref_slice %arg2[%dma_start3A_38, %dma_start3A_39] : memref<10000x128xf32, #tpu.memory_space<hbm>> -> memref<10000x128xf32, #tpu.memory_space<hbm>>
      tpu.enqueue_indirect_dma source(%dma_start3A_40 : memref<10000x128xf32, #tpu.memory_space<hbm>>) target(%arg10 : memref<80x128xf32, #tpu.memory_space<vmem>>) offsets(%dma_start3A_37 : memref<80xi32, #tpu.memory_space<vmem>>) semaphore(%arg14 : memref<!tpu.dma_semaphore, #tpu.memory_space<semaphore_mem>>)
      %scan3A_41 = arith.constant 0 : i32
      %scan3A_42 = arith.constant 0 : i32
      %scan3A_43 = arith.constant 21 : i32
      %scan3A_44 = arith.addi %scan3A_42, %scan3A_43 : i32
      %scan3A_45 = arith.constant 1 : i32
      %scan3A_46 = scf.for %scan3A_142 = %scan3A_42 to %scan3A_44 step %scan3A_45 iter_args(%scan3A_143 = %scan3A_41) -> (i32)  : i32 {
        %mul3A_144 = arith.constant 3 : i32
        %mul3A_145 = arith.muli %scan3A_142, %mul3A_144 : i32
        %add3A_146 = arith.constant 0 : i32
        %add3A_147 = arith.addi %mul3A_145, %add3A_146 : i32
        %dma_wait3A_148 = arith.constant 0 : i32
        %dma_wait3A_149 = tpu.memref_slice %arg7[%add3A_147, %dma_wait3A_148] : memref<64x80xi32, #tpu.memory_space<vmem>> -> memref<1x80xi32, #tpu.memory_space<vmem>>
        %dma_wait3A_150 = tpu.memref_squeeze %dma_wait3A_149 : memref<1x80xi32, #tpu.memory_space<vmem>> -> memref<80xi32, #tpu.memory_space<vmem>>
        %dma_wait3A_151 = arith.constant 0 : i32
        %dma_wait3A_152 = arith.constant 0 : i32
        %dma_wait3A_153 = tpu.memref_slice %arg2[%dma_wait3A_151, %dma_wait3A_152] : memref<10000x128xf32, #tpu.memory_space<hbm>> -> memref<10000x128xf32, #tpu.memory_space<hbm>>
        tpu.wait_indirect_dma semaphore(%arg13 : memref<!tpu.dma_semaphore, #tpu.memory_space<semaphore_mem>>) src(%dma_wait3A_153 : memref<10000x128xf32, #tpu.memory_space<hbm>>) dst(%arg9 : memref<80x128xf32, #tpu.memory_space<vmem>>)
        %dma_start3A_154 = arith.constant 0 : i32
        %dma_start3A_155 = tpu.memref_slice %arg8[%add3A_147, %dma_start3A_154] : memref<64x80xi32, #tpu.memory_space<vmem>> -> memref<1x80xi32, #tpu.memory_space<vmem>>
        %dma_start3A_156 = tpu.memref_squeeze %dma_start3A_155 : memref<1x80xi32, #tpu.memory_space<vmem>> -> memref<80xi32, #tpu.memory_space<vmem>>
        %dma_start3A_157 = arith.constant 0 : i32
        %dma_start3A_158 = arith.constant 0 : i32
        %dma_start3A_159 = tpu.memref_slice %arg12[%dma_start3A_157, %dma_start3A_158] : memref<10080x128xf32, #tpu.memory_space<vmem_shared>> -> memref<10080x128xf32, #tpu.memory_space<vmem_shared>>
        tpu.enqueue_indirect_dma source(%arg9 : memref<80x128xf32, #tpu.memory_space<vmem>>) target(%dma_start3A_159 : memref<10080x128xf32, #tpu.memory_space<vmem_shared>>) offsets(%dma_start3A_156 : memref<80xi32, #tpu.memory_space<vmem>>) semaphore(%arg16 : memref<!tpu.dma_semaphore, #tpu.memory_space<semaphore_mem>>) {add = true}
        %add3A_160 = arith.constant 2 : i32
        %add3A_161 = arith.addi %add3A_147, %add3A_160 : i32
        %lt3A_162 = arith.constant 64 : i32
        %lt3A_163 = arith.cmpi slt, %add3A_161, %lt3A_162 : i32
        %convert_element_type3A_164 = arith.extui %lt3A_163 : i1 to i32
        %cond3A_165 = arith.constant 0 : i32
        %cond3A_166 = arith.cmpi ne, %convert_element_type3A_164, %cond3A_165 : i32
        scf.if %cond3A_166 {
          %ge3A = arith.constant 1 : i32
          %ge3A_214 = arith.cmpi sge, %add3A_147, %ge3A : i32
          %convert_element_type3A_215 = arith.extui %ge3A_214 : i1 to i32
          %cond3A_216 = arith.constant 0 : i32
          %cond3A_217 = arith.cmpi ne, %convert_element_type3A_215, %cond3A_216 : i32
          scf.if %cond3A_217 {
            %dma_wait3A_226 = arith.constant 0 : i32
            %dma_wait3A_227 = tpu.memref_slice %arg8[%add3A_147, %dma_wait3A_226] : memref<64x80xi32, #tpu.memory_space<vmem>> -> memref<1x80xi32, #tpu.memory_space<vmem>>
            %dma_wait3A_228 = tpu.memref_squeeze %dma_wait3A_227 : memref<1x80xi32, #tpu.memory_space<vmem>> -> memref<80xi32, #tpu.memory_space<vmem>>
            %dma_wait3A_229 = arith.constant 0 : i32
            %dma_wait3A_230 = arith.constant 0 : i32
            %dma_wait3A_231 = tpu.memref_slice %arg12[%dma_wait3A_229, %dma_wait3A_230] : memref<10080x128xf32, #tpu.memory_space<vmem_shared>> -> memref<10080x128xf32, #tpu.memory_space<vmem_shared>>
            tpu.wait_indirect_dma semaphore(%arg18 : memref<!tpu.dma_semaphore, #tpu.memory_space<semaphore_mem>>) src(%arg11 : memref<80x128xf32, #tpu.memory_space<vmem>>) dst(%dma_wait3A_231 : memref<10080x128xf32, #tpu.memory_space<vmem_shared>>)
          } else {
          }
          %add3A_218 = arith.constant 2 : i32
          %add3A_219 = arith.addi %add3A_147, %add3A_218 : i32
          %dma_start3A_220 = arith.constant 0 : i32
          %dma_start3A_221 = tpu.memref_slice %arg7[%add3A_219, %dma_start3A_220] : memref<64x80xi32, #tpu.memory_space<vmem>> -> memref<1x80xi32, #tpu.memory_space<vmem>>
          %dma_start3A_222 = tpu.memref_squeeze %dma_start3A_221 : memref<1x80xi32, #tpu.memory_space<vmem>> -> memref<80xi32, #tpu.memory_space<vmem>>
          %dma_start3A_223 = arith.constant 0 : i32
          %dma_start3A_224 = arith.constant 0 : i32
          %dma_start3A_225 = tpu.memref_slice %arg2[%dma_start3A_223, %dma_start3A_224] : memref<10000x128xf32, #tpu.memory_space<hbm>> -> memref<10000x128xf32, #tpu.memory_space<hbm>>
          tpu.enqueue_indirect_dma source(%dma_start3A_225 : memref<10000x128xf32, #tpu.memory_space<hbm>>) target(%arg11 : memref<80x128xf32, #tpu.memory_space<vmem>>) offsets(%dma_start3A_222 : memref<80xi32, #tpu.memory_space<vmem>>) semaphore(%arg15 : memref<!tpu.dma_semaphore, #tpu.memory_space<semaphore_mem>>)
        } else {
        }
        %mul3A_167 = arith.constant 3 : i32
        %mul3A_168 = arith.muli %scan3A_142, %mul3A_167 : i32
        %add3A_169 = arith.constant 1 : i32
        %add3A_170 = arith.addi %mul3A_168, %add3A_169 : i32
        %dma_wait3A_171 = arith.constant 0 : i32
        %dma_wait3A_172 = tpu.memref_slice %arg7[%add3A_170, %dma_wait3A_171] : memref<64x80xi32, #tpu.memory_space<vmem>> -> memref<1x80xi32, #tpu.memory_space<vmem>>
        %dma_wait3A_173 = tpu.memref_squeeze %dma_wait3A_172 : memref<1x80xi32, #tpu.memory_space<vmem>> -> memref<80xi32, #tpu.memory_space<vmem>>
        %dma_wait3A_174 = arith.constant 0 : i32
        %dma_wait3A_175 = arith.constant 0 : i32
        %dma_wait3A_176 = tpu.memref_slice %arg2[%dma_wait3A_174, %dma_wait3A_175] : memref<10000x128xf32, #tpu.memory_space<hbm>> -> memref<10000x128xf32, #tpu.memory_space<hbm>>
        tpu.wait_indirect_dma semaphore(%arg14 : memref<!tpu.dma_semaphore, #tpu.memory_space<semaphore_mem>>) src(%dma_wait3A_176 : memref<10000x128xf32, #tpu.memory_space<hbm>>) dst(%arg10 : memref<80x128xf32, #tpu.memory_space<vmem>>)
        %dma_start3A_177 = arith.constant 0 : i32
        %dma_start3A_178 = tpu.memref_slice %arg8[%add3A_170, %dma_start3A_177] : memref<64x80xi32, #tpu.memory_space<vmem>> -> memref<1x80xi32, #tpu.memory_space<vmem>>
        %dma_start3A_179 = tpu.memref_squeeze %dma_start3A_178 : memref<1x80xi32, #tpu.memory_space<vmem>> -> memref<80xi32, #tpu.memory_space<vmem>>
        %dma_start3A_180 = arith.constant 0 : i32
        %dma_start3A_181 = arith.constant 0 : i32
        %dma_start3A_182 = tpu.memref_slice %arg12[%dma_start3A_180, %dma_start3A_181] : memref<10080x128xf32, #tpu.memory_space<vmem_shared>> -> memref<10080x128xf32, #tpu.memory_space<vmem_shared>>
        tpu.enqueue_indirect_dma source(%arg10 : memref<80x128xf32, #tpu.memory_space<vmem>>) target(%dma_start3A_182 : memref<10080x128xf32, #tpu.memory_space<vmem_shared>>) offsets(%dma_start3A_179 : memref<80xi32, #tpu.memory_space<vmem>>) semaphore(%arg17 : memref<!tpu.dma_semaphore, #tpu.memory_space<semaphore_mem>>) {add = true}
        %add3A_183 = arith.constant 2 : i32
        %add3A_184 = arith.addi %add3A_170, %add3A_183 : i32
        %lt3A_185 = arith.constant 64 : i32
        %lt3A_186 = arith.cmpi slt, %add3A_184, %lt3A_185 : i32
        %convert_element_type3A_187 = arith.extui %lt3A_186 : i1 to i32
        %cond3A_188 = arith.constant 0 : i32
        %cond3A_189 = arith.cmpi ne, %convert_element_type3A_187, %cond3A_188 : i32
        scf.if %cond3A_189 {
          %ge3A = arith.constant 1 : i32
          %ge3A_214 = arith.cmpi sge, %add3A_170, %ge3A : i32
          %convert_element_type3A_215 = arith.extui %ge3A_214 : i1 to i32
          %cond3A_216 = arith.constant 0 : i32
          %cond3A_217 = arith.cmpi ne, %convert_element_type3A_215, %cond3A_216 : i32
          scf.if %cond3A_217 {
            %dma_wait3A_226 = arith.constant 0 : i32
            %dma_wait3A_227 = tpu.memref_slice %arg8[%add3A_170, %dma_wait3A_226] : memref<64x80xi32, #tpu.memory_space<vmem>> -> memref<1x80xi32, #tpu.memory_space<vmem>>
            %dma_wait3A_228 = tpu.memref_squeeze %dma_wait3A_227 : memref<1x80xi32, #tpu.memory_space<vmem>> -> memref<80xi32, #tpu.memory_space<vmem>>
            %dma_wait3A_229 = arith.constant 0 : i32
            %dma_wait3A_230 = arith.constant 0 : i32
            %dma_wait3A_231 = tpu.memref_slice %arg12[%dma_wait3A_229, %dma_wait3A_230] : memref<10080x128xf32, #tpu.memory_space<vmem_shared>> -> memref<10080x128xf32, #tpu.memory_space<vmem_shared>>
            tpu.wait_indirect_dma semaphore(%arg16 : memref<!tpu.dma_semaphore, #tpu.memory_space<semaphore_mem>>) src(%arg9 : memref<80x128xf32, #tpu.memory_space<vmem>>) dst(%dma_wait3A_231 : memref<10080x128xf32, #tpu.memory_space<vmem_shared>>)
          } else {
          }
          %add3A_218 = arith.constant 2 : i32
          %add3A_219 = arith.addi %add3A_170, %add3A_218 : i32
          %dma_start3A_220 = arith.constant 0 : i32
          %dma_start3A_221 = tpu.memref_slice %arg7[%add3A_219, %dma_start3A_220] : memref<64x80xi32, #tpu.memory_space<vmem>> -> memref<1x80xi32, #tpu.memory_space<vmem>>
          %dma_start3A_222 = tpu.memref_squeeze %dma_start3A_221 : memref<1x80xi32, #tpu.memory_space<vmem>> -> memref<80xi32, #tpu.memory_space<vmem>>
          %dma_start3A_223 = arith.constant 0 : i32
          %dma_start3A_224 = arith.constant 0 : i32
          %dma_start3A_225 = tpu.memref_slice %arg2[%dma_start3A_223, %dma_start3A_224] : memref<10000x128xf32, #tpu.memory_space<hbm>> -> memref<10000x128xf32, #tpu.memory_space<hbm>>
          tpu.enqueue_indirect_dma source(%dma_start3A_225 : memref<10000x128xf32, #tpu.memory_space<hbm>>) target(%arg9 : memref<80x128xf32, #tpu.memory_space<vmem>>) offsets(%dma_start3A_222 : memref<80xi32, #tpu.memory_space<vmem>>) semaphore(%arg13 : memref<!tpu.dma_semaphore, #tpu.memory_space<semaphore_mem>>)
        } else {
        }
        %mul3A_190 = arith.constant 3 : i32
        %mul3A_191 = arith.muli %scan3A_142, %mul3A_190 : i32
        %add3A_192 = arith.constant 2 : i32
        %add3A_193 = arith.addi %mul3A_191, %add3A_192 : i32
        %dma_wait3A_194 = arith.constant 0 : i32
        %dma_wait3A_195 = tpu.memref_slice %arg7[%add3A_193, %dma_wait3A_194] : memref<64x80xi32, #tpu.memory_space<vmem>> -> memref<1x80xi32, #tpu.memory_space<vmem>>
        %dma_wait3A_196 = tpu.memref_squeeze %dma_wait3A_195 : memref<1x80xi32, #tpu.memory_space<vmem>> -> memref<80xi32, #tpu.memory_space<vmem>>
        %dma_wait3A_197 = arith.constant 0 : i32
        %dma_wait3A_198 = arith.constant 0 : i32
        %dma_wait3A_199 = tpu.memref_slice %arg2[%dma_wait3A_197, %dma_wait3A_198] : memref<10000x128xf32, #tpu.memory_space<hbm>> -> memref<10000x128xf32, #tpu.memory_space<hbm>>
        tpu.wait_indirect_dma semaphore(%arg15 : memref<!tpu.dma_semaphore, #tpu.memory_space<semaphore_mem>>) src(%dma_wait3A_199 : memref<10000x128xf32, #tpu.memory_space<hbm>>) dst(%arg11 : memref<80x128xf32, #tpu.memory_space<vmem>>)
        %dma_start3A_200 = arith.constant 0 : i32
        %dma_start3A_201 = tpu.memref_slice %arg8[%add3A_193, %dma_start3A_200] : memref<64x80xi32, #tpu.memory_space<vmem>> -> memref<1x80xi32, #tpu.memory_space<vmem>>
        %dma_start3A_202 = tpu.memref_squeeze %dma_start3A_201 : memref<1x80xi32, #tpu.memory_space<vmem>> -> memref<80xi32, #tpu.memory_space<vmem>>
        %dma_start3A_203 = arith.constant 0 : i32
        %dma_start3A_204 = arith.constant 0 : i32
        %dma_start3A_205 = tpu.memref_slice %arg12[%dma_start3A_203, %dma_start3A_204] : memref<10080x128xf32, #tpu.memory_space<vmem_shared>> -> memref<10080x128xf32, #tpu.memory_space<vmem_shared>>
        tpu.enqueue_indirect_dma source(%arg11 : memref<80x128xf32, #tpu.memory_space<vmem>>) target(%dma_start3A_205 : memref<10080x128xf32, #tpu.memory_space<vmem_shared>>) offsets(%dma_start3A_202 : memref<80xi32, #tpu.memory_space<vmem>>) semaphore(%arg18 : memref<!tpu.dma_semaphore, #tpu.memory_space<semaphore_mem>>) {add = true}
        %add3A_206 = arith.constant 2 : i32
        %add3A_207 = arith.addi %add3A_193, %add3A_206 : i32
        %lt3A_208 = arith.constant 64 : i32
        %lt3A_209 = arith.cmpi slt, %add3A_207, %lt3A_208 : i32
        %convert_element_type3A_210 = arith.extui %lt3A_209 : i1 to i32
        %cond3A_211 = arith.constant 0 : i32
        %cond3A_212 = arith.cmpi ne, %convert_element_type3A_210, %cond3A_211 : i32
        scf.if %cond3A_212 {
          %ge3A = arith.constant 1 : i32
          %ge3A_214 = arith.cmpi sge, %add3A_193, %ge3A : i32
          %convert_element_type3A_215 = arith.extui %ge3A_214 : i1 to i32
          %cond3A_216 = arith.constant 0 : i32
          %cond3A_217 = arith.cmpi ne, %convert_element_type3A_215, %cond3A_216 : i32
          scf.if %cond3A_217 {
            %dma_wait3A_226 = arith.constant 0 : i32
            %dma_wait3A_227 = tpu.memref_slice %arg8[%add3A_193, %dma_wait3A_226] : memref<64x80xi32, #tpu.memory_space<vmem>> -> memref<1x80xi32, #tpu.memory_space<vmem>>
            %dma_wait3A_228 = tpu.memref_squeeze %dma_wait3A_227 : memref<1x80xi32, #tpu.memory_space<vmem>> -> memref<80xi32, #tpu.memory_space<vmem>>
            %dma_wait3A_229 = arith.constant 0 : i32
            %dma_wait3A_230 = arith.constant 0 : i32
            %dma_wait3A_231 = tpu.memref_slice %arg12[%dma_wait3A_229, %dma_wait3A_230] : memref<10080x128xf32, #tpu.memory_space<vmem_shared>> -> memref<10080x128xf32, #tpu.memory_space<vmem_shared>>
            tpu.wait_indirect_dma semaphore(%arg17 : memref<!tpu.dma_semaphore, #tpu.memory_space<semaphore_mem>>) src(%arg10 : memref<80x128xf32, #tpu.memory_space<vmem>>) dst(%dma_wait3A_231 : memref<10080x128xf32, #tpu.memory_space<vmem_shared>>)
          } else {
          }
          %add3A_218 = arith.constant 2 : i32
          %add3A_219 = arith.addi %add3A_193, %add3A_218 : i32
          %dma_start3A_220 = arith.constant 0 : i32
          %dma_start3A_221 = tpu.memref_slice %arg7[%add3A_219, %dma_start3A_220] : memref<64x80xi32, #tpu.memory_space<vmem>> -> memref<1x80xi32, #tpu.memory_space<vmem>>
          %dma_start3A_222 = tpu.memref_squeeze %dma_start3A_221 : memref<1x80xi32, #tpu.memory_space<vmem>> -> memref<80xi32, #tpu.memory_space<vmem>>
          %dma_start3A_223 = arith.constant 0 : i32
          %dma_start3A_224 = arith.constant 0 : i32
          %dma_start3A_225 = tpu.memref_slice %arg2[%dma_start3A_223, %dma_start3A_224] : memref<10000x128xf32, #tpu.memory_space<hbm>> -> memref<10000x128xf32, #tpu.memory_space<hbm>>
          tpu.enqueue_indirect_dma source(%dma_start3A_225 : memref<10000x128xf32, #tpu.memory_space<hbm>>) target(%arg10 : memref<80x128xf32, #tpu.memory_space<vmem>>) offsets(%dma_start3A_222 : memref<80xi32, #tpu.memory_space<vmem>>) semaphore(%arg14 : memref<!tpu.dma_semaphore, #tpu.memory_space<semaphore_mem>>)
        } else {
        }
        %scan3A_213 = arith.constant 0 : i32
        scf.yield %scan3A_213 : i32
      }
      %scan3A_47 = arith.constant 21 : i32
      %dma_wait3A = arith.constant 63 : i32
      %dma_wait3A_48 = arith.constant 0 : i32
      %dma_wait3A_49 = tpu.memref_slice %arg7[%dma_wait3A, %dma_wait3A_48] : memref<64x80xi32, #tpu.memory_space<vmem>> -> memref<1x80xi32, #tpu.memory_space<vmem>>
      %dma_wait3A_50 = tpu.memref_squeeze %dma_wait3A_49 : memref<1x80xi32, #tpu.memory_space<vmem>> -> memref<80xi32, #tpu.memory_space<vmem>>
      %dma_wait3A_51 = arith.constant 0 : i32
      %dma_wait3A_52 = arith.constant 0 : i32
      %dma_wait3A_53 = tpu.memref_slice %arg2[%dma_wait3A_51, %dma_wait3A_52] : memref<10000x128xf32, #tpu.memory_space<hbm>> -> memref<10000x128xf32, #tpu.memory_space<hbm>>
      tpu.wait_indirect_dma semaphore(%arg13 : memref<!tpu.dma_semaphore, #tpu.memory_space<semaphore_mem>>) src(%dma_wait3A_53 : memref<10000x128xf32, #tpu.memory_space<hbm>>) dst(%arg9 : memref<80x128xf32, #tpu.memory_space<vmem>>)
      %dma_start3A_54 = arith.constant 63 : i32
      %dma_start3A_55 = arith.constant 0 : i32
      %dma_start3A_56 = tpu.memref_slice %arg8[%dma_start3A_54, %dma_start3A_55] : memref<64x80xi32, #tpu.memory_space<vmem>> -> memref<1x80xi32, #tpu.memory_space<vmem>>
      %dma_start3A_57 = tpu.memref_squeeze %dma_start3A_56 : memref<1x80xi32, #tpu.memory_space<vmem>> -> memref<80xi32, #tpu.memory_space<vmem>>
      %dma_start3A_58 = arith.constant 0 : i32
      %dma_start3A_59 = arith.constant 0 : i32
      %dma_start3A_60 = tpu.memref_slice %arg12[%dma_start3A_58, %dma_start3A_59] : memref<10080x128xf32, #tpu.memory_space<vmem_shared>> -> memref<10080x128xf32, #tpu.memory_space<vmem_shared>>
      tpu.enqueue_indirect_dma source(%arg9 : memref<80x128xf32, #tpu.memory_space<vmem>>) target(%dma_start3A_60 : memref<10080x128xf32, #tpu.memory_space<vmem_shared>>) offsets(%dma_start3A_57 : memref<80xi32, #tpu.memory_space<vmem>>) semaphore(%arg16 : memref<!tpu.dma_semaphore, #tpu.memory_space<semaphore_mem>>) {add = true}
      %dma_wait3A_61 = arith.constant 0 : i32
      %dma_wait3A_62 = arith.constant 0 : i32
      %dma_wait3A_63 = tpu.memref_slice %arg8[%dma_wait3A_61, %dma_wait3A_62] : memref<64x80xi32, #tpu.memory_space<vmem>> -> memref<1x80xi32, #tpu.memory_space<vmem>>
      %dma_wait3A_64 = tpu.memref_squeeze %dma_wait3A_63 : memref<1x80xi32, #tpu.memory_space<vmem>> -> memref<80xi32, #tpu.memory_space<vmem>>
      %dma_wait3A_65 = arith.constant 0 : i32
      %dma_wait3A_66 = arith.constant 0 : i32
      %dma_wait3A_67 = tpu.memref_slice %arg12[%dma_wait3A_65, %dma_wait3A_66] : memref<10080x128xf32, #tpu.memory_space<vmem_shared>> -> memref<10080x128xf32, #tpu.memory_space<vmem_shared>>
      tpu.wait_indirect_dma semaphore(%arg16 : memref<!tpu.dma_semaphore, #tpu.memory_space<semaphore_mem>>) src(%arg9 : memref<80x128xf32, #tpu.memory_space<vmem>>) dst(%dma_wait3A_67 : memref<10080x128xf32, #tpu.memory_space<vmem_shared>>)
      %dma_wait3A_68 = arith.constant 0 : i32
      %dma_wait3A_69 = arith.constant 0 : i32
      %dma_wait3A_70 = tpu.memref_slice %arg8[%dma_wait3A_68, %dma_wait3A_69] : memref<64x80xi32, #tpu.memory_space<vmem>> -> memref<1x80xi32, #tpu.memory_space<vmem>>
      %dma_wait3A_71 = tpu.memref_squeeze %dma_wait3A_70 : memref<1x80xi32, #tpu.memory_space<vmem>> -> memref<80xi32, #tpu.memory_space<vmem>>
      %dma_wait3A_72 = arith.constant 0 : i32
      %dma_wait3A_73 = arith.constant 0 : i32
      %dma_wait3A_74 = tpu.memref_slice %arg12[%dma_wait3A_72, %dma_wait3A_73] : memref<10080x128xf32, #tpu.memory_space<vmem_shared>> -> memref<10080x128xf32, #tpu.memory_space<vmem_shared>>
      tpu.wait_indirect_dma semaphore(%arg17 : memref<!tpu.dma_semaphore, #tpu.memory_space<semaphore_mem>>) src(%arg10 : memref<80x128xf32, #tpu.memory_space<vmem>>) dst(%dma_wait3A_74 : memref<10080x128xf32, #tpu.memory_space<vmem_shared>>)
      %dma_wait3A_75 = arith.constant 0 : i32
      %dma_wait3A_76 = arith.constant 0 : i32
      %dma_wait3A_77 = tpu.memref_slice %arg8[%dma_wait3A_75, %dma_wait3A_76] : memref<64x80xi32, #tpu.memory_space<vmem>> -> memref<1x80xi32, #tpu.memory_space<vmem>>
      %dma_wait3A_78 = tpu.memref_squeeze %dma_wait3A_77 : memref<1x80xi32, #tpu.memory_space<vmem>> -> memref<80xi32, #tpu.memory_space<vmem>>
      %dma_wait3A_79 = arith.constant 0 : i32
      %dma_wait3A_80 = arith.constant 0 : i32
      %dma_wait3A_81 = tpu.memref_slice %arg12[%dma_wait3A_79, %dma_wait3A_80] : memref<10080x128xf32, #tpu.memory_space<vmem_shared>> -> memref<10080x128xf32, #tpu.memory_space<vmem_shared>>
      tpu.wait_indirect_dma semaphore(%arg18 : memref<!tpu.dma_semaphore, #tpu.memory_space<semaphore_mem>>) src(%arg11 : memref<80x128xf32, #tpu.memory_space<vmem>>) dst(%dma_wait3A_81 : memref<10080x128xf32, #tpu.memory_space<vmem_shared>>)
      %mul3A_82 = arith.constant 128 : i32
      %mul3A_83 = arith.muli %arg1, %mul3A_82 : i32
      %add3A_84 = arith.constant 64 : i32
      %add3A_85 = arith.addi %mul3A_83, %add3A_84 : i32
      "tpu.region"() ({
        %run_scoped3A = tpu.sem_alloc : memref<!tpu.dma_semaphore, #tpu.memory_space<semaphore_mem>>
        %dma_start3A_142 = arith.constant 0 : i32
        %dma_start3A_143 = tpu.memref_slice %arg4[%add3A_85, %dma_start3A_142] : memref<2048x80xi32, #tpu.memory_space<hbm>> -> memref<64x80xi32, #tpu.memory_space<hbm>>
        %dma_start3A_144 = arith.constant 0 : i32
        %dma_start3A_145 = tpu.memref_slice %arg4[%add3A_85, %dma_start3A_144] : memref<2048x80xi32, #tpu.memory_space<hbm>> -> memref<64x80xi32, #tpu.memory_space<hbm>>
        tpu.enqueue_dma source(%dma_start3A_145 : memref<64x80xi32, #tpu.memory_space<hbm>>) target(%arg7 : memref<64x80xi32, #tpu.memory_space<vmem>>) target_semaphore(%run_scoped3A : memref<!tpu.dma_semaphore, #tpu.memory_space<semaphore_mem>>)
        %dma_wait3A_146 = arith.constant 0 : i32
        %dma_wait3A_147 = tpu.memref_slice %arg4[%add3A_85, %dma_wait3A_146] : memref<2048x80xi32, #tpu.memory_space<hbm>> -> memref<64x80xi32, #tpu.memory_space<hbm>>
        %dma_wait3A_148 = arith.constant 0 : i32
        %dma_wait3A_149 = tpu.memref_slice %arg4[%add3A_85, %dma_wait3A_148] : memref<2048x80xi32, #tpu.memory_space<hbm>> -> memref<64x80xi32, #tpu.memory_space<hbm>>
        tpu.wait_dma2 semaphore(%run_scoped3A : memref<!tpu.dma_semaphore, #tpu.memory_space<semaphore_mem>>) src(%dma_wait3A_149 : memref<64x80xi32, #tpu.memory_space<hbm>>) dst(%arg7 : memref<64x80xi32, #tpu.memory_space<vmem>>)
        tpu.yield
      }) : () -> ()
      "tpu.region"() ({
        %run_scoped3A = tpu.sem_alloc : memref<!tpu.dma_semaphore, #tpu.memory_space<semaphore_mem>>
        %dma_start3A_142 = arith.constant 0 : i32
        %dma_start3A_143 = tpu.memref_slice %arg5[%add3A_85, %dma_start3A_142] : memref<2048x80xi32, #tpu.memory_space<hbm>> -> memref<64x80xi32, #tpu.memory_space<hbm>>
        %dma_start3A_144 = arith.constant 0 : i32
        %dma_start3A_145 = tpu.memref_slice %arg5[%add3A_85, %dma_start3A_144] : memref<2048x80xi32, #tpu.memory_space<hbm>> -> memref<64x80xi32, #tpu.memory_space<hbm>>
        tpu.enqueue_dma source(%dma_start3A_145 : memref<64x80xi32, #tpu.memory_space<hbm>>) target(%arg8 : memref<64x80xi32, #tpu.memory_space<vmem>>) target_semaphore(%run_scoped3A : memref<!tpu.dma_semaphore, #tpu.memory_space<semaphore_mem>>)
        %dma_wait3A_146 = arith.constant 0 : i32
        %dma_wait3A_147 = tpu.memref_slice %arg5[%add3A_85, %dma_wait3A_146] : memref<2048x80xi32, #tpu.memory_space<hbm>> -> memref<64x80xi32, #tpu.memory_space<hbm>>
        %dma_wait3A_148 = arith.constant 0 : i32
        %dma_wait3A_149 = tpu.memref_slice %arg5[%add3A_85, %dma_wait3A_148] : memref<2048x80xi32, #tpu.memory_space<hbm>> -> memref<64x80xi32, #tpu.memory_space<hbm>>
        tpu.wait_dma2 semaphore(%run_scoped3A : memref<!tpu.dma_semaphore, #tpu.memory_space<semaphore_mem>>) src(%dma_wait3A_149 : memref<64x80xi32, #tpu.memory_space<hbm>>) dst(%arg8 : memref<64x80xi32, #tpu.memory_space<vmem>>)
        tpu.yield
      }) : () -> ()
      %dma_start3A_86 = arith.constant 0 : i32
      %dma_start3A_87 = arith.constant 0 : i32
      %dma_start3A_88 = tpu.memref_slice %arg7[%dma_start3A_86, %dma_start3A_87] : memref<64x80xi32, #tpu.memory_space<vmem>> -> memref<1x80xi32, #tpu.memory_space<vmem>>
      %dma_start3A_89 = tpu.memref_squeeze %dma_start3A_88 : memref<1x80xi32, #tpu.memory_space<vmem>> -> memref<80xi32, #tpu.memory_space<vmem>>
      %dma_start3A_90 = arith.constant 0 : i32
      %dma_start3A_91 = arith.constant 0 : i32
      %dma_start3A_92 = tpu.memref_slice %arg2[%dma_start3A_90, %dma_start3A_91] : memref<10000x128xf32, #tpu.memory_space<hbm>> -> memref<10000x128xf32, #tpu.memory_space<hbm>>
      tpu.enqueue_indirect_dma source(%dma_start3A_92 : memref<10000x128xf32, #tpu.memory_space<hbm>>) target(%arg9 : memref<80x128xf32, #tpu.memory_space<vmem>>) offsets(%dma_start3A_89 : memref<80xi32, #tpu.memory_space<vmem>>) semaphore(%arg13 : memref<!tpu.dma_semaphore, #tpu.memory_space<semaphore_mem>>)
      %dma_start3A_93 = arith.constant 1 : i32
      %dma_start3A_94 = arith.constant 0 : i32
      %dma_start3A_95 = tpu.memref_slice %arg7[%dma_start3A_93, %dma_start3A_94] : memref<64x80xi32, #tpu.memory_space<vmem>> -> memref<1x80xi32, #tpu.memory_space<vmem>>
      %dma_start3A_96 = tpu.memref_squeeze %dma_start3A_95 : memref<1x80xi32, #tpu.memory_space<vmem>> -> memref<80xi32, #tpu.memory_space<vmem>>
      %dma_start3A_97 = arith.constant 0 : i32
      %dma_start3A_98 = arith.constant 0 : i32
      %dma_start3A_99 = tpu.memref_slice %arg2[%dma_start3A_97, %dma_start3A_98] : memref<10000x128xf32, #tpu.memory_space<hbm>> -> memref<10000x128xf32, #tpu.memory_space<hbm>>
      tpu.enqueue_indirect_dma source(%dma_start3A_99 : memref<10000x128xf32, #tpu.memory_space<hbm>>) target(%arg10 : memref<80x128xf32, #tpu.memory_space<vmem>>) offsets(%dma_start3A_96 : memref<80xi32, #tpu.memory_space<vmem>>) semaphore(%arg14 : memref<!tpu.dma_semaphore, #tpu.memory_space<semaphore_mem>>)
      %scan3A_100 = arith.constant 0 : i32
      %scan3A_101 = arith.constant 0 : i32
      %scan3A_102 = arith.constant 21 : i32
      %scan3A_103 = arith.addi %scan3A_101, %scan3A_102 : i32
      %scan3A_104 = arith.constant 1 : i32
      %scan3A_105 = scf.for %scan3A_142 = %scan3A_101 to %scan3A_103 step %scan3A_104 iter_args(%scan3A_143 = %scan3A_100) -> (i32)  : i32 {
        %mul3A_144 = arith.constant 3 : i32
        %mul3A_145 = arith.muli %scan3A_142, %mul3A_144 : i32
        %add3A_146 = arith.constant 0 : i32
        %add3A_147 = arith.addi %mul3A_145, %add3A_146 : i32
        %dma_wait3A_148 = arith.constant 0 : i32
        %dma_wait3A_149 = tpu.memref_slice %arg7[%add3A_147, %dma_wait3A_148] : memref<64x80xi32, #tpu.memory_space<vmem>> -> memref<1x80xi32, #tpu.memory_space<vmem>>
        %dma_wait3A_150 = tpu.memref_squeeze %dma_wait3A_149 : memref<1x80xi32, #tpu.memory_space<vmem>> -> memref<80xi32, #tpu.memory_space<vmem>>
        %dma_wait3A_151 = arith.constant 0 : i32
        %dma_wait3A_152 = arith.constant 0 : i32
        %dma_wait3A_153 = tpu.memref_slice %arg2[%dma_wait3A_151, %dma_wait3A_152] : memref<10000x128xf32, #tpu.memory_space<hbm>> -> memref<10000x128xf32, #tpu.memory_space<hbm>>
        tpu.wait_indirect_dma semaphore(%arg13 : memref<!tpu.dma_semaphore, #tpu.memory_space<semaphore_mem>>) src(%dma_wait3A_153 : memref<10000x128xf32, #tpu.memory_space<hbm>>) dst(%arg9 : memref<80x128xf32, #tpu.memory_space<vmem>>)
        %dma_start3A_154 = arith.constant 0 : i32
        %dma_start3A_155 = tpu.memref_slice %arg8[%add3A_147, %dma_start3A_154] : memref<64x80xi32, #tpu.memory_space<vmem>> -> memref<1x80xi32, #tpu.memory_space<vmem>>
        %dma_start3A_156 = tpu.memref_squeeze %dma_start3A_155 : memref<1x80xi32, #tpu.memory_space<vmem>> -> memref<80xi32, #tpu.memory_space<vmem>>
        %dma_start3A_157 = arith.constant 0 : i32
        %dma_start3A_158 = arith.constant 0 : i32
        %dma_start3A_159 = tpu.memref_slice %arg12[%dma_start3A_157, %dma_start3A_158] : memref<10080x128xf32, #tpu.memory_space<vmem_shared>> -> memref<10080x128xf32, #tpu.memory_space<vmem_shared>>
        tpu.enqueue_indirect_dma source(%arg9 : memref<80x128xf32, #tpu.memory_space<vmem>>) target(%dma_start3A_159 : memref<10080x128xf32, #tpu.memory_space<vmem_shared>>) offsets(%dma_start3A_156 : memref<80xi32, #tpu.memory_space<vmem>>) semaphore(%arg16 : memref<!tpu.dma_semaphore, #tpu.memory_space<semaphore_mem>>) {add = true}
        %add3A_160 = arith.constant 2 : i32
        %add3A_161 = arith.addi %add3A_147, %add3A_160 : i32
        %lt3A_162 = arith.constant 64 : i32
        %lt3A_163 = arith.cmpi slt, %add3A_161, %lt3A_162 : i32
        %convert_element_type3A_164 = arith.extui %lt3A_163 : i1 to i32
        %cond3A_165 = arith.constant 0 : i32
        %cond3A_166 = arith.cmpi ne, %convert_element_type3A_164, %cond3A_165 : i32
        scf.if %cond3A_166 {
          %ge3A = arith.constant 1 : i32
          %ge3A_214 = arith.cmpi sge, %add3A_147, %ge3A : i32
          %convert_element_type3A_215 = arith.extui %ge3A_214 : i1 to i32
          %cond3A_216 = arith.constant 0 : i32
          %cond3A_217 = arith.cmpi ne, %convert_element_type3A_215, %cond3A_216 : i32
          scf.if %cond3A_217 {
            %dma_wait3A_226 = arith.constant 0 : i32
            %dma_wait3A_227 = tpu.memref_slice %arg8[%add3A_147, %dma_wait3A_226] : memref<64x80xi32, #tpu.memory_space<vmem>> -> memref<1x80xi32, #tpu.memory_space<vmem>>
            %dma_wait3A_228 = tpu.memref_squeeze %dma_wait3A_227 : memref<1x80xi32, #tpu.memory_space<vmem>> -> memref<80xi32, #tpu.memory_space<vmem>>
            %dma_wait3A_229 = arith.constant 0 : i32
            %dma_wait3A_230 = arith.constant 0 : i32
            %dma_wait3A_231 = tpu.memref_slice %arg12[%dma_wait3A_229, %dma_wait3A_230] : memref<10080x128xf32, #tpu.memory_space<vmem_shared>> -> memref<10080x128xf32, #tpu.memory_space<vmem_shared>>
            tpu.wait_indirect_dma semaphore(%arg18 : memref<!tpu.dma_semaphore, #tpu.memory_space<semaphore_mem>>) src(%arg11 : memref<80x128xf32, #tpu.memory_space<vmem>>) dst(%dma_wait3A_231 : memref<10080x128xf32, #tpu.memory_space<vmem_shared>>)
          } else {
          }
          %add3A_218 = arith.constant 2 : i32
          %add3A_219 = arith.addi %add3A_147, %add3A_218 : i32
          %dma_start3A_220 = arith.constant 0 : i32
          %dma_start3A_221 = tpu.memref_slice %arg7[%add3A_219, %dma_start3A_220] : memref<64x80xi32, #tpu.memory_space<vmem>> -> memref<1x80xi32, #tpu.memory_space<vmem>>
          %dma_start3A_222 = tpu.memref_squeeze %dma_start3A_221 : memref<1x80xi32, #tpu.memory_space<vmem>> -> memref<80xi32, #tpu.memory_space<vmem>>
          %dma_start3A_223 = arith.constant 0 : i32
          %dma_start3A_224 = arith.constant 0 : i32
          %dma_start3A_225 = tpu.memref_slice %arg2[%dma_start3A_223, %dma_start3A_224] : memref<10000x128xf32, #tpu.memory_space<hbm>> -> memref<10000x128xf32, #tpu.memory_space<hbm>>
          tpu.enqueue_indirect_dma source(%dma_start3A_225 : memref<10000x128xf32, #tpu.memory_space<hbm>>) target(%arg11 : memref<80x128xf32, #tpu.memory_space<vmem>>) offsets(%dma_start3A_222 : memref<80xi32, #tpu.memory_space<vmem>>) semaphore(%arg15 : memref<!tpu.dma_semaphore, #tpu.memory_space<semaphore_mem>>)
        } else {
        }
        %mul3A_167 = arith.constant 3 : i32
        %mul3A_168 = arith.muli %scan3A_142, %mul3A_167 : i32
        %add3A_169 = arith.constant 1 : i32
        %add3A_170 = arith.addi %mul3A_168, %add3A_169 : i32
        %dma_wait3A_171 = arith.constant 0 : i32
        %dma_wait3A_172 = tpu.memref_slice %arg7[%add3A_170, %dma_wait3A_171] : memref<64x80xi32, #tpu.memory_space<vmem>> -> memref<1x80xi32, #tpu.memory_space<vmem>>
        %dma_wait3A_173 = tpu.memref_squeeze %dma_wait3A_172 : memref<1x80xi32, #tpu.memory_space<vmem>> -> memref<80xi32, #tpu.memory_space<vmem>>
        %dma_wait3A_174 = arith.constant 0 : i32
        %dma_wait3A_175 = arith.constant 0 : i32
        %dma_wait3A_176 = tpu.memref_slice %arg2[%dma_wait3A_174, %dma_wait3A_175] : memref<10000x128xf32, #tpu.memory_space<hbm>> -> memref<10000x128xf32, #tpu.memory_space<hbm>>
        tpu.wait_indirect_dma semaphore(%arg14 : memref<!tpu.dma_semaphore, #tpu.memory_space<semaphore_mem>>) src(%dma_wait3A_176 : memref<10000x128xf32, #tpu.memory_space<hbm>>) dst(%arg10 : memref<80x128xf32, #tpu.memory_space<vmem>>)
        %dma_start3A_177 = arith.constant 0 : i32
        %dma_start3A_178 = tpu.memref_slice %arg8[%add3A_170, %dma_start3A_177] : memref<64x80xi32, #tpu.memory_space<vmem>> -> memref<1x80xi32, #tpu.memory_space<vmem>>
        %dma_start3A_179 = tpu.memref_squeeze %dma_start3A_178 : memref<1x80xi32, #tpu.memory_space<vmem>> -> memref<80xi32, #tpu.memory_space<vmem>>
        %dma_start3A_180 = arith.constant 0 : i32
        %dma_start3A_181 = arith.constant 0 : i32
        %dma_start3A_182 = tpu.memref_slice %arg12[%dma_start3A_180, %dma_start3A_181] : memref<10080x128xf32, #tpu.memory_space<vmem_shared>> -> memref<10080x128xf32, #tpu.memory_space<vmem_shared>>
        tpu.enqueue_indirect_dma source(%arg10 : memref<80x128xf32, #tpu.memory_space<vmem>>) target(%dma_start3A_182 : memref<10080x128xf32, #tpu.memory_space<vmem_shared>>) offsets(%dma_start3A_179 : memref<80xi32, #tpu.memory_space<vmem>>) semaphore(%arg17 : memref<!tpu.dma_semaphore, #tpu.memory_space<semaphore_mem>>) {add = true}
        %add3A_183 = arith.constant 2 : i32
        %add3A_184 = arith.addi %add3A_170, %add3A_183 : i32
        %lt3A_185 = arith.constant 64 : i32
        %lt3A_186 = arith.cmpi slt, %add3A_184, %lt3A_185 : i32
        %convert_element_type3A_187 = arith.extui %lt3A_186 : i1 to i32
        %cond3A_188 = arith.constant 0 : i32
        %cond3A_189 = arith.cmpi ne, %convert_element_type3A_187, %cond3A_188 : i32
        scf.if %cond3A_189 {
          %ge3A = arith.constant 1 : i32
          %ge3A_214 = arith.cmpi sge, %add3A_170, %ge3A : i32
          %convert_element_type3A_215 = arith.extui %ge3A_214 : i1 to i32
          %cond3A_216 = arith.constant 0 : i32
          %cond3A_217 = arith.cmpi ne, %convert_element_type3A_215, %cond3A_216 : i32
          scf.if %cond3A_217 {
            %dma_wait3A_226 = arith.constant 0 : i32
            %dma_wait3A_227 = tpu.memref_slice %arg8[%add3A_170, %dma_wait3A_226] : memref<64x80xi32, #tpu.memory_space<vmem>> -> memref<1x80xi32, #tpu.memory_space<vmem>>
            %dma_wait3A_228 = tpu.memref_squeeze %dma_wait3A_227 : memref<1x80xi32, #tpu.memory_space<vmem>> -> memref<80xi32, #tpu.memory_space<vmem>>
            %dma_wait3A_229 = arith.constant 0 : i32
            %dma_wait3A_230 = arith.constant 0 : i32
            %dma_wait3A_231 = tpu.memref_slice %arg12[%dma_wait3A_229, %dma_wait3A_230] : memref<10080x128xf32, #tpu.memory_space<vmem_shared>> -> memref<10080x128xf32, #tpu.memory_space<vmem_shared>>
            tpu.wait_indirect_dma semaphore(%arg16 : memref<!tpu.dma_semaphore, #tpu.memory_space<semaphore_mem>>) src(%arg9 : memref<80x128xf32, #tpu.memory_space<vmem>>) dst(%dma_wait3A_231 : memref<10080x128xf32, #tpu.memory_space<vmem_shared>>)
          } else {
          }
          %add3A_218 = arith.constant 2 : i32
          %add3A_219 = arith.addi %add3A_170, %add3A_218 : i32
          %dma_start3A_220 = arith.constant 0 : i32
          %dma_start3A_221 = tpu.memref_slice %arg7[%add3A_219, %dma_start3A_220] : memref<64x80xi32, #tpu.memory_space<vmem>> -> memref<1x80xi32, #tpu.memory_space<vmem>>
          %dma_start3A_222 = tpu.memref_squeeze %dma_start3A_221 : memref<1x80xi32, #tpu.memory_space<vmem>> -> memref<80xi32, #tpu.memory_space<vmem>>
          %dma_start3A_223 = arith.constant 0 : i32
          %dma_start3A_224 = arith.constant 0 : i32
          %dma_start3A_225 = tpu.memref_slice %arg2[%dma_start3A_223, %dma_start3A_224] : memref<10000x128xf32, #tpu.memory_space<hbm>> -> memref<10000x128xf32, #tpu.memory_space<hbm>>
          tpu.enqueue_indirect_dma source(%dma_start3A_225 : memref<10000x128xf32, #tpu.memory_space<hbm>>) target(%arg9 : memref<80x128xf32, #tpu.memory_space<vmem>>) offsets(%dma_start3A_222 : memref<80xi32, #tpu.memory_space<vmem>>) semaphore(%arg13 : memref<!tpu.dma_semaphore, #tpu.memory_space<semaphore_mem>>)
        } else {
        }
        %mul3A_190 = arith.constant 3 : i32
        %mul3A_191 = arith.muli %scan3A_142, %mul3A_190 : i32
        %add3A_192 = arith.constant 2 : i32
        %add3A_193 = arith.addi %mul3A_191, %add3A_192 : i32
        %dma_wait3A_194 = arith.constant 0 : i32
        %dma_wait3A_195 = tpu.memref_slice %arg7[%add3A_193, %dma_wait3A_194] : memref<64x80xi32, #tpu.memory_space<vmem>> -> memref<1x80xi32, #tpu.memory_space<vmem>>
        %dma_wait3A_196 = tpu.memref_squeeze %dma_wait3A_195 : memref<1x80xi32, #tpu.memory_space<vmem>> -> memref<80xi32, #tpu.memory_space<vmem>>
        %dma_wait3A_197 = arith.constant 0 : i32
        %dma_wait3A_198 = arith.constant 0 : i32
        %dma_wait3A_199 = tpu.memref_slice %arg2[%dma_wait3A_197, %dma_wait3A_198] : memref<10000x128xf32, #tpu.memory_space<hbm>> -> memref<10000x128xf32, #tpu.memory_space<hbm>>
        tpu.wait_indirect_dma semaphore(%arg15 : memref<!tpu.dma_semaphore, #tpu.memory_space<semaphore_mem>>) src(%dma_wait3A_199 : memref<10000x128xf32, #tpu.memory_space<hbm>>) dst(%arg11 : memref<80x128xf32, #tpu.memory_space<vmem>>)
        %dma_start3A_200 = arith.constant 0 : i32
        %dma_start3A_201 = tpu.memref_slice %arg8[%add3A_193, %dma_start3A_200] : memref<64x80xi32, #tpu.memory_space<vmem>> -> memref<1x80xi32, #tpu.memory_space<vmem>>
        %dma_start3A_202 = tpu.memref_squeeze %dma_start3A_201 : memref<1x80xi32, #tpu.memory_space<vmem>> -> memref<80xi32, #tpu.memory_space<vmem>>
        %dma_start3A_203 = arith.constant 0 : i32
        %dma_start3A_204 = arith.constant 0 : i32
        %dma_start3A_205 = tpu.memref_slice %arg12[%dma_start3A_203, %dma_start3A_204] : memref<10080x128xf32, #tpu.memory_space<vmem_shared>> -> memref<10080x128xf32, #tpu.memory_space<vmem_shared>>
        tpu.enqueue_indirect_dma source(%arg11 : memref<80x128xf32, #tpu.memory_space<vmem>>) target(%dma_start3A_205 : memref<10080x128xf32, #tpu.memory_space<vmem_shared>>) offsets(%dma_start3A_202 : memref<80xi32, #tpu.memory_space<vmem>>) semaphore(%arg18 : memref<!tpu.dma_semaphore, #tpu.memory_space<semaphore_mem>>) {add = true}
        %add3A_206 = arith.constant 2 : i32
        %add3A_207 = arith.addi %add3A_193, %add3A_206 : i32
        %lt3A_208 = arith.constant 64 : i32
        %lt3A_209 = arith.cmpi slt, %add3A_207, %lt3A_208 : i32
        %convert_element_type3A_210 = arith.extui %lt3A_209 : i1 to i32
        %cond3A_211 = arith.constant 0 : i32
        %cond3A_212 = arith.cmpi ne, %convert_element_type3A_210, %cond3A_211 : i32
        scf.if %cond3A_212 {
          %ge3A = arith.constant 1 : i32
          %ge3A_214 = arith.cmpi sge, %add3A_193, %ge3A : i32
          %convert_element_type3A_215 = arith.extui %ge3A_214 : i1 to i32
          %cond3A_216 = arith.constant 0 : i32
          %cond3A_217 = arith.cmpi ne, %convert_element_type3A_215, %cond3A_216 : i32
          scf.if %cond3A_217 {
            %dma_wait3A_226 = arith.constant 0 : i32
            %dma_wait3A_227 = tpu.memref_slice %arg8[%add3A_193, %dma_wait3A_226] : memref<64x80xi32, #tpu.memory_space<vmem>> -> memref<1x80xi32, #tpu.memory_space<vmem>>
            %dma_wait3A_228 = tpu.memref_squeeze %dma_wait3A_227 : memref<1x80xi32, #tpu.memory_space<vmem>> -> memref<80xi32, #tpu.memory_space<vmem>>
            %dma_wait3A_229 = arith.constant 0 : i32
            %dma_wait3A_230 = arith.constant 0 : i32
            %dma_wait3A_231 = tpu.memref_slice %arg12[%dma_wait3A_229, %dma_wait3A_230] : memref<10080x128xf32, #tpu.memory_space<vmem_shared>> -> memref<10080x128xf32, #tpu.memory_space<vmem_shared>>
            tpu.wait_indirect_dma semaphore(%arg17 : memref<!tpu.dma_semaphore, #tpu.memory_space<semaphore_mem>>) src(%arg10 : memref<80x128xf32, #tpu.memory_space<vmem>>) dst(%dma_wait3A_231 : memref<10080x128xf32, #tpu.memory_space<vmem_shared>>)
          } else {
          }
          %add3A_218 = arith.constant 2 : i32
          %add3A_219 = arith.addi %add3A_193, %add3A_218 : i32
          %dma_start3A_220 = arith.constant 0 : i32
          %dma_start3A_221 = tpu.memref_slice %arg7[%add3A_219, %dma_start3A_220] : memref<64x80xi32, #tpu.memory_space<vmem>> -> memref<1x80xi32, #tpu.memory_space<vmem>>
          %dma_start3A_222 = tpu.memref_squeeze %dma_start3A_221 : memref<1x80xi32, #tpu.memory_space<vmem>> -> memref<80xi32, #tpu.memory_space<vmem>>
          %dma_start3A_223 = arith.constant 0 : i32
          %dma_start3A_224 = arith.constant 0 : i32
          %dma_start3A_225 = tpu.memref_slice %arg2[%dma_start3A_223, %dma_start3A_224] : memref<10000x128xf32, #tpu.memory_space<hbm>> -> memref<10000x128xf32, #tpu.memory_space<hbm>>
          tpu.enqueue_indirect_dma source(%dma_start3A_225 : memref<10000x128xf32, #tpu.memory_space<hbm>>) target(%arg10 : memref<80x128xf32, #tpu.memory_space<vmem>>) offsets(%dma_start3A_222 : memref<80xi32, #tpu.memory_space<vmem>>) semaphore(%arg14 : memref<!tpu.dma_semaphore, #tpu.memory_space<semaphore_mem>>)
        } else {
        }
        %scan3A_213 = arith.constant 0 : i32
        scf.yield %scan3A_213 : i32
      }
      %scan3A_106 = arith.constant 21 : i32
      %dma_wait3A_107 = arith.constant 63 : i32
      %dma_wait3A_108 = arith.constant 0 : i32
      %dma_wait3A_109 = tpu.memref_slice %arg7[%dma_wait3A_107, %dma_wait3A_108] : memref<64x80xi32, #tpu.memory_space<vmem>> -> memref<1x80xi32, #tpu.memory_space<vmem>>
      %dma_wait3A_110 = tpu.memref_squeeze %dma_wait3A_109 : memref<1x80xi32, #tpu.memory_space<vmem>> -> memref<80xi32, #tpu.memory_space<vmem>>
      %dma_wait3A_111 = arith.constant 0 : i32
      %dma_wait3A_112 = arith.constant 0 : i32
      %dma_wait3A_113 = tpu.memref_slice %arg2[%dma_wait3A_111, %dma_wait3A_112] : memref<10000x128xf32, #tpu.memory_space<hbm>> -> memref<10000x128xf32, #tpu.memory_space<hbm>>
      tpu.wait_indirect_dma semaphore(%arg13 : memref<!tpu.dma_semaphore, #tpu.memory_space<semaphore_mem>>) src(%dma_wait3A_113 : memref<10000x128xf32, #tpu.memory_space<hbm>>) dst(%arg9 : memref<80x128xf32, #tpu.memory_space<vmem>>)
      %dma_start3A_114 = arith.constant 63 : i32
      %dma_start3A_115 = arith.constant 0 : i32
      %dma_start3A_116 = tpu.memref_slice %arg8[%dma_start3A_114, %dma_start3A_115] : memref<64x80xi32, #tpu.memory_space<vmem>> -> memref<1x80xi32, #tpu.memory_space<vmem>>
      %dma_start3A_117 = tpu.memref_squeeze %dma_start3A_116 : memref<1x80xi32, #tpu.memory_space<vmem>> -> memref<80xi32, #tpu.memory_space<vmem>>
      %dma_start3A_118 = arith.constant 0 : i32
      %dma_start3A_119 = arith.constant 0 : i32
      %dma_start3A_120 = tpu.memref_slice %arg12[%dma_start3A_118, %dma_start3A_119] : memref<10080x128xf32, #tpu.memory_space<vmem_shared>> -> memref<10080x128xf32, #tpu.memory_space<vmem_shared>>
      tpu.enqueue_indirect_dma source(%arg9 : memref<80x128xf32, #tpu.memory_space<vmem>>) target(%dma_start3A_120 : memref<10080x128xf32, #tpu.memory_space<vmem_shared>>) offsets(%dma_start3A_117 : memref<80xi32, #tpu.memory_space<vmem>>) semaphore(%arg16 : memref<!tpu.dma_semaphore, #tpu.memory_space<semaphore_mem>>) {add = true}
      %dma_wait3A_121 = arith.constant 0 : i32
      %dma_wait3A_122 = arith.constant 0 : i32
      %dma_wait3A_123 = tpu.memref_slice %arg8[%dma_wait3A_121, %dma_wait3A_122] : memref<64x80xi32, #tpu.memory_space<vmem>> -> memref<1x80xi32, #tpu.memory_space<vmem>>
      %dma_wait3A_124 = tpu.memref_squeeze %dma_wait3A_123 : memref<1x80xi32, #tpu.memory_space<vmem>> -> memref<80xi32, #tpu.memory_space<vmem>>
      %dma_wait3A_125 = arith.constant 0 : i32
      %dma_wait3A_126 = arith.constant 0 : i32
      %dma_wait3A_127 = tpu.memref_slice %arg12[%dma_wait3A_125, %dma_wait3A_126] : memref<10080x128xf32, #tpu.memory_space<vmem_shared>> -> memref<10080x128xf32, #tpu.memory_space<vmem_shared>>
      tpu.wait_indirect_dma semaphore(%arg16 : memref<!tpu.dma_semaphore, #tpu.memory_space<semaphore_mem>>) src(%arg9 : memref<80x128xf32, #tpu.memory_space<vmem>>) dst(%dma_wait3A_127 : memref<10080x128xf32, #tpu.memory_space<vmem_shared>>)
      %dma_wait3A_128 = arith.constant 0 : i32
      %dma_wait3A_129 = arith.constant 0 : i32
      %dma_wait3A_130 = tpu.memref_slice %arg8[%dma_wait3A_128, %dma_wait3A_129] : memref<64x80xi32, #tpu.memory_space<vmem>> -> memref<1x80xi32, #tpu.memory_space<vmem>>
      %dma_wait3A_131 = tpu.memref_squeeze %dma_wait3A_130 : memref<1x80xi32, #tpu.memory_space<vmem>> -> memref<80xi32, #tpu.memory_space<vmem>>
      %dma_wait3A_132 = arith.constant 0 : i32
      %dma_wait3A_133 = arith.constant 0 : i32
      %dma_wait3A_134 = tpu.memref_slice %arg12[%dma_wait3A_132, %dma_wait3A_133] : memref<10080x128xf32, #tpu.memory_space<vmem_shared>> -> memref<10080x128xf32, #tpu.memory_space<vmem_shared>>
      tpu.wait_indirect_dma semaphore(%arg17 : memref<!tpu.dma_semaphore, #tpu.memory_space<semaphore_mem>>) src(%arg10 : memref<80x128xf32, #tpu.memory_space<vmem>>) dst(%dma_wait3A_134 : memref<10080x128xf32, #tpu.memory_space<vmem_shared>>)
      %dma_wait3A_135 = arith.constant 0 : i32
      %dma_wait3A_136 = arith.constant 0 : i32
      %dma_wait3A_137 = tpu.memref_slice %arg8[%dma_wait3A_135, %dma_wait3A_136] : memref<64x80xi32, #tpu.memory_space<vmem>> -> memref<1x80xi32, #tpu.memory_space<vmem>>
      %dma_wait3A_138 = tpu.memref_squeeze %dma_wait3A_137 : memref<1x80xi32, #tpu.memory_space<vmem>> -> memref<80xi32, #tpu.memory_space<vmem>>
      %dma_wait3A_139 = arith.constant 0 : i32
      %dma_wait3A_140 = arith.constant 0 : i32
      %dma_wait3A_141 = tpu.memref_slice %arg12[%dma_wait3A_139, %dma_wait3A_140] : memref<10080x128xf32, #tpu.memory_space<vmem_shared>> -> memref<10080x128xf32, #tpu.memory_space<vmem_shared>>
      tpu.wait_indirect_dma semaphore(%arg18 : memref<!tpu.dma_semaphore, #tpu.memory_space<semaphore_mem>>) src(%arg11 : memref<80x128xf32, #tpu.memory_space<vmem>>) dst(%dma_wait3A_141 : memref<10080x128xf32, #tpu.memory_space<vmem_shared>>)
    } else {
    }
    %eq3A_16 = arith.constant 1 : i32
    %eq3A_17 = arith.cmpi eq, %arg0, %eq3A_16 : i32
    %convert_element_type3A_18 = arith.extui %eq3A_17 : i1 to i32
    %cond3A_19 = arith.constant 0 : i32
    %cond3A_20 = arith.cmpi ne, %convert_element_type3A_18, %cond3A_19 : i32
    scf.if %cond3A_20 {
      %mul3A = arith.constant 128 : i32
      %mul3A_26 = arith.muli %arg1, %mul3A : i32
      %add3A = arith.constant 0 : i32
      %add3A_27 = arith.addi %mul3A_26, %add3A : i32
      "tpu.region"() ({
        %run_scoped3A = tpu.sem_alloc : memref<!tpu.dma_semaphore, #tpu.memory_space<semaphore_mem>>
        %dma_start3A_142 = arith.constant 0 : i32
        %dma_start3A_143 = tpu.memref_slice %arg4[%add3A_27, %dma_start3A_142] : memref<2048x80xi32, #tpu.memory_space<hbm>> -> memref<64x80xi32, #tpu.memory_space<hbm>>
        %dma_start3A_144 = arith.constant 0 : i32
        %dma_start3A_145 = tpu.memref_slice %arg4[%add3A_27, %dma_start3A_144] : memref<2048x80xi32, #tpu.memory_space<hbm>> -> memref<64x80xi32, #tpu.memory_space<hbm>>
        tpu.enqueue_dma source(%dma_start3A_145 : memref<64x80xi32, #tpu.memory_space<hbm>>) target(%arg7 : memref<64x80xi32, #tpu.memory_space<vmem>>) target_semaphore(%run_scoped3A : memref<!tpu.dma_semaphore, #tpu.memory_space<semaphore_mem>>)
        %dma_wait3A_146 = arith.constant 0 : i32
        %dma_wait3A_147 = tpu.memref_slice %arg4[%add3A_27, %dma_wait3A_146] : memref<2048x80xi32, #tpu.memory_space<hbm>> -> memref<64x80xi32, #tpu.memory_space<hbm>>
        %dma_wait3A_148 = arith.constant 0 : i32
        %dma_wait3A_149 = tpu.memref_slice %arg4[%add3A_27, %dma_wait3A_148] : memref<2048x80xi32, #tpu.memory_space<hbm>> -> memref<64x80xi32, #tpu.memory_space<hbm>>
        tpu.wait_dma2 semaphore(%run_scoped3A : memref<!tpu.dma_semaphore, #tpu.memory_space<semaphore_mem>>) src(%dma_wait3A_149 : memref<64x80xi32, #tpu.memory_space<hbm>>) dst(%arg7 : memref<64x80xi32, #tpu.memory_space<vmem>>)
        tpu.yield
      }) : () -> ()
      "tpu.region"() ({
        %run_scoped3A = tpu.sem_alloc : memref<!tpu.dma_semaphore, #tpu.memory_space<semaphore_mem>>
        %dma_start3A_142 = arith.constant 0 : i32
        %dma_start3A_143 = tpu.memref_slice %arg5[%add3A_27, %dma_start3A_142] : memref<2048x80xi32, #tpu.memory_space<hbm>> -> memref<64x80xi32, #tpu.memory_space<hbm>>
        %dma_start3A_144 = arith.constant 0 : i32
        %dma_start3A_145 = tpu.memref_slice %arg5[%add3A_27, %dma_start3A_144] : memref<2048x80xi32, #tpu.memory_space<hbm>> -> memref<64x80xi32, #tpu.memory_space<hbm>>
        tpu.enqueue_dma source(%dma_start3A_145 : memref<64x80xi32, #tpu.memory_space<hbm>>) target(%arg8 : memref<64x80xi32, #tpu.memory_space<vmem>>) target_semaphore(%run_scoped3A : memref<!tpu.dma_semaphore, #tpu.memory_space<semaphore_mem>>)
        %dma_wait3A_146 = arith.constant 0 : i32
        %dma_wait3A_147 = tpu.memref_slice %arg5[%add3A_27, %dma_wait3A_146] : memref<2048x80xi32, #tpu.memory_space<hbm>> -> memref<64x80xi32, #tpu.memory_space<hbm>>
        %dma_wait3A_148 = arith.constant 0 : i32
        %dma_wait3A_149 = tpu.memref_slice %arg5[%add3A_27, %dma_wait3A_148] : memref<2048x80xi32, #tpu.memory_space<hbm>> -> memref<64x80xi32, #tpu.memory_space<hbm>>
        tpu.wait_dma2 semaphore(%run_scoped3A : memref<!tpu.dma_semaphore, #tpu.memory_space<semaphore_mem>>) src(%dma_wait3A_149 : memref<64x80xi32, #tpu.memory_space<hbm>>) dst(%arg8 : memref<64x80xi32, #tpu.memory_space<vmem>>)
        tpu.yield
      }) : () -> ()
      %dma_start3A = arith.constant 0 : i32
      %dma_start3A_28 = arith.constant 0 : i32
      %dma_start3A_29 = tpu.memref_slice %arg7[%dma_start3A, %dma_start3A_28] : memref<64x80xi32, #tpu.memory_space<vmem>> -> memref<1x80xi32, #tpu.memory_space<vmem>>
      %dma_start3A_30 = tpu.memref_squeeze %dma_start3A_29 : memref<1x80xi32, #tpu.memory_space<vmem>> -> memref<80xi32, #tpu.memory_space<vmem>>
      %dma_start3A_31 = arith.constant 0 : i32
      %dma_start3A_32 = arith.constant 0 : i32
      %dma_start3A_33 = tpu.memref_slice %arg3[%dma_start3A_31, %dma_start3A_32] : memref<10000x128xf32, #tpu.memory_space<hbm>> -> memref<10000x128xf32, #tpu.memory_space<hbm>>
      tpu.enqueue_indirect_dma source(%dma_start3A_33 : memref<10000x128xf32, #tpu.memory_space<hbm>>) target(%arg9 : memref<80x128xf32, #tpu.memory_space<vmem>>) offsets(%dma_start3A_30 : memref<80xi32, #tpu.memory_space<vmem>>) semaphore(%arg13 : memref<!tpu.dma_semaphore, #tpu.memory_space<semaphore_mem>>)
      %dma_start3A_34 = arith.constant 1 : i32
      %dma_start3A_35 = arith.constant 0 : i32
      %dma_start3A_36 = tpu.memref_slice %arg7[%dma_start3A_34, %dma_start3A_35] : memref<64x80xi32, #tpu.memory_space<vmem>> -> memref<1x80xi32, #tpu.memory_space<vmem>>
      %dma_start3A_37 = tpu.memref_squeeze %dma_start3A_36 : memref<1x80xi32, #tpu.memory_space<vmem>> -> memref<80xi32, #tpu.memory_space<vmem>>
      %dma_start3A_38 = arith.constant 0 : i32
      %dma_start3A_39 = arith.constant 0 : i32
      %dma_start3A_40 = tpu.memref_slice %arg3[%dma_start3A_38, %dma_start3A_39] : memref<10000x128xf32, #tpu.memory_space<hbm>> -> memref<10000x128xf32, #tpu.memory_space<hbm>>
      tpu.enqueue_indirect_dma source(%dma_start3A_40 : memref<10000x128xf32, #tpu.memory_space<hbm>>) target(%arg10 : memref<80x128xf32, #tpu.memory_space<vmem>>) offsets(%dma_start3A_37 : memref<80xi32, #tpu.memory_space<vmem>>) semaphore(%arg14 : memref<!tpu.dma_semaphore, #tpu.memory_space<semaphore_mem>>)
      %scan3A_41 = arith.constant 0 : i32
      %scan3A_42 = arith.constant 0 : i32
      %scan3A_43 = arith.constant 21 : i32
      %scan3A_44 = arith.addi %scan3A_42, %scan3A_43 : i32
      %scan3A_45 = arith.constant 1 : i32
      %scan3A_46 = scf.for %scan3A_142 = %scan3A_42 to %scan3A_44 step %scan3A_45 iter_args(%scan3A_143 = %scan3A_41) -> (i32)  : i32 {
        %mul3A_144 = arith.constant 3 : i32
        %mul3A_145 = arith.muli %scan3A_142, %mul3A_144 : i32
        %add3A_146 = arith.constant 0 : i32
        %add3A_147 = arith.addi %mul3A_145, %add3A_146 : i32
        %dma_wait3A_148 = arith.constant 0 : i32
        %dma_wait3A_149 = tpu.memref_slice %arg7[%add3A_147, %dma_wait3A_148] : memref<64x80xi32, #tpu.memory_space<vmem>> -> memref<1x80xi32, #tpu.memory_space<vmem>>
        %dma_wait3A_150 = tpu.memref_squeeze %dma_wait3A_149 : memref<1x80xi32, #tpu.memory_space<vmem>> -> memref<80xi32, #tpu.memory_space<vmem>>
        %dma_wait3A_151 = arith.constant 0 : i32
        %dma_wait3A_152 = arith.constant 0 : i32
        %dma_wait3A_153 = tpu.memref_slice %arg3[%dma_wait3A_151, %dma_wait3A_152] : memref<10000x128xf32, #tpu.memory_space<hbm>> -> memref<10000x128xf32, #tpu.memory_space<hbm>>
        tpu.wait_indirect_dma semaphore(%arg13 : memref<!tpu.dma_semaphore, #tpu.memory_space<semaphore_mem>>) src(%dma_wait3A_153 : memref<10000x128xf32, #tpu.memory_space<hbm>>) dst(%arg9 : memref<80x128xf32, #tpu.memory_space<vmem>>)
        %dma_start3A_154 = arith.constant 0 : i32
        %dma_start3A_155 = tpu.memref_slice %arg8[%add3A_147, %dma_start3A_154] : memref<64x80xi32, #tpu.memory_space<vmem>> -> memref<1x80xi32, #tpu.memory_space<vmem>>
        %dma_start3A_156 = tpu.memref_squeeze %dma_start3A_155 : memref<1x80xi32, #tpu.memory_space<vmem>> -> memref<80xi32, #tpu.memory_space<vmem>>
        %dma_start3A_157 = arith.constant 0 : i32
        %dma_start3A_158 = arith.constant 0 : i32
        %dma_start3A_159 = tpu.memref_slice %arg12[%dma_start3A_157, %dma_start3A_158] : memref<10080x128xf32, #tpu.memory_space<vmem_shared>> -> memref<10080x128xf32, #tpu.memory_space<vmem_shared>>
        tpu.enqueue_indirect_dma source(%arg9 : memref<80x128xf32, #tpu.memory_space<vmem>>) target(%dma_start3A_159 : memref<10080x128xf32, #tpu.memory_space<vmem_shared>>) offsets(%dma_start3A_156 : memref<80xi32, #tpu.memory_space<vmem>>) semaphore(%arg16 : memref<!tpu.dma_semaphore, #tpu.memory_space<semaphore_mem>>) {add = true}
        %add3A_160 = arith.constant 2 : i32
        %add3A_161 = arith.addi %add3A_147, %add3A_160 : i32
        %lt3A_162 = arith.constant 64 : i32
        %lt3A_163 = arith.cmpi slt, %add3A_161, %lt3A_162 : i32
        %convert_element_type3A_164 = arith.extui %lt3A_163 : i1 to i32
        %cond3A_165 = arith.constant 0 : i32
        %cond3A_166 = arith.cmpi ne, %convert_element_type3A_164, %cond3A_165 : i32
        scf.if %cond3A_166 {
          %ge3A = arith.constant 1 : i32
          %ge3A_214 = arith.cmpi sge, %add3A_147, %ge3A : i32
          %convert_element_type3A_215 = arith.extui %ge3A_214 : i1 to i32
          %cond3A_216 = arith.constant 0 : i32
          %cond3A_217 = arith.cmpi ne, %convert_element_type3A_215, %cond3A_216 : i32
          scf.if %cond3A_217 {
            %dma_wait3A_226 = arith.constant 0 : i32
            %dma_wait3A_227 = tpu.memref_slice %arg8[%add3A_147, %dma_wait3A_226] : memref<64x80xi32, #tpu.memory_space<vmem>> -> memref<1x80xi32, #tpu.memory_space<vmem>>
            %dma_wait3A_228 = tpu.memref_squeeze %dma_wait3A_227 : memref<1x80xi32, #tpu.memory_space<vmem>> -> memref<80xi32, #tpu.memory_space<vmem>>
            %dma_wait3A_229 = arith.constant 0 : i32
            %dma_wait3A_230 = arith.constant 0 : i32
            %dma_wait3A_231 = tpu.memref_slice %arg12[%dma_wait3A_229, %dma_wait3A_230] : memref<10080x128xf32, #tpu.memory_space<vmem_shared>> -> memref<10080x128xf32, #tpu.memory_space<vmem_shared>>
            tpu.wait_indirect_dma semaphore(%arg18 : memref<!tpu.dma_semaphore, #tpu.memory_space<semaphore_mem>>) src(%arg11 : memref<80x128xf32, #tpu.memory_space<vmem>>) dst(%dma_wait3A_231 : memref<10080x128xf32, #tpu.memory_space<vmem_shared>>)
          } else {
          }
          %add3A_218 = arith.constant 2 : i32
          %add3A_219 = arith.addi %add3A_147, %add3A_218 : i32
          %dma_start3A_220 = arith.constant 0 : i32
          %dma_start3A_221 = tpu.memref_slice %arg7[%add3A_219, %dma_start3A_220] : memref<64x80xi32, #tpu.memory_space<vmem>> -> memref<1x80xi32, #tpu.memory_space<vmem>>
          %dma_start3A_222 = tpu.memref_squeeze %dma_start3A_221 : memref<1x80xi32, #tpu.memory_space<vmem>> -> memref<80xi32, #tpu.memory_space<vmem>>
          %dma_start3A_223 = arith.constant 0 : i32
          %dma_start3A_224 = arith.constant 0 : i32
          %dma_start3A_225 = tpu.memref_slice %arg3[%dma_start3A_223, %dma_start3A_224] : memref<10000x128xf32, #tpu.memory_space<hbm>> -> memref<10000x128xf32, #tpu.memory_space<hbm>>
          tpu.enqueue_indirect_dma source(%dma_start3A_225 : memref<10000x128xf32, #tpu.memory_space<hbm>>) target(%arg11 : memref<80x128xf32, #tpu.memory_space<vmem>>) offsets(%dma_start3A_222 : memref<80xi32, #tpu.memory_space<vmem>>) semaphore(%arg15 : memref<!tpu.dma_semaphore, #tpu.memory_space<semaphore_mem>>)
        } else {
        }
        %mul3A_167 = arith.constant 3 : i32
        %mul3A_168 = arith.muli %scan3A_142, %mul3A_167 : i32
        %add3A_169 = arith.constant 1 : i32
        %add3A_170 = arith.addi %mul3A_168, %add3A_169 : i32
        %dma_wait3A_171 = arith.constant 0 : i32
        %dma_wait3A_172 = tpu.memref_slice %arg7[%add3A_170, %dma_wait3A_171] : memref<64x80xi32, #tpu.memory_space<vmem>> -> memref<1x80xi32, #tpu.memory_space<vmem>>
        %dma_wait3A_173 = tpu.memref_squeeze %dma_wait3A_172 : memref<1x80xi32, #tpu.memory_space<vmem>> -> memref<80xi32, #tpu.memory_space<vmem>>
        %dma_wait3A_174 = arith.constant 0 : i32
        %dma_wait3A_175 = arith.constant 0 : i32
        %dma_wait3A_176 = tpu.memref_slice %arg3[%dma_wait3A_174, %dma_wait3A_175] : memref<10000x128xf32, #tpu.memory_space<hbm>> -> memref<10000x128xf32, #tpu.memory_space<hbm>>
        tpu.wait_indirect_dma semaphore(%arg14 : memref<!tpu.dma_semaphore, #tpu.memory_space<semaphore_mem>>) src(%dma_wait3A_176 : memref<10000x128xf32, #tpu.memory_space<hbm>>) dst(%arg10 : memref<80x128xf32, #tpu.memory_space<vmem>>)
        %dma_start3A_177 = arith.constant 0 : i32
        %dma_start3A_178 = tpu.memref_slice %arg8[%add3A_170, %dma_start3A_177] : memref<64x80xi32, #tpu.memory_space<vmem>> -> memref<1x80xi32, #tpu.memory_space<vmem>>
        %dma_start3A_179 = tpu.memref_squeeze %dma_start3A_178 : memref<1x80xi32, #tpu.memory_space<vmem>> -> memref<80xi32, #tpu.memory_space<vmem>>
        %dma_start3A_180 = arith.constant 0 : i32
        %dma_start3A_181 = arith.constant 0 : i32
        %dma_start3A_182 = tpu.memref_slice %arg12[%dma_start3A_180, %dma_start3A_181] : memref<10080x128xf32, #tpu.memory_space<vmem_shared>> -> memref<10080x128xf32, #tpu.memory_space<vmem_shared>>
        tpu.enqueue_indirect_dma source(%arg10 : memref<80x128xf32, #tpu.memory_space<vmem>>) target(%dma_start3A_182 : memref<10080x128xf32, #tpu.memory_space<vmem_shared>>) offsets(%dma_start3A_179 : memref<80xi32, #tpu.memory_space<vmem>>) semaphore(%arg17 : memref<!tpu.dma_semaphore, #tpu.memory_space<semaphore_mem>>) {add = true}
        %add3A_183 = arith.constant 2 : i32
        %add3A_184 = arith.addi %add3A_170, %add3A_183 : i32
        %lt3A_185 = arith.constant 64 : i32
        %lt3A_186 = arith.cmpi slt, %add3A_184, %lt3A_185 : i32
        %convert_element_type3A_187 = arith.extui %lt3A_186 : i1 to i32
        %cond3A_188 = arith.constant 0 : i32
        %cond3A_189 = arith.cmpi ne, %convert_element_type3A_187, %cond3A_188 : i32
        scf.if %cond3A_189 {
          %ge3A = arith.constant 1 : i32
          %ge3A_214 = arith.cmpi sge, %add3A_170, %ge3A : i32
          %convert_element_type3A_215 = arith.extui %ge3A_214 : i1 to i32
          %cond3A_216 = arith.constant 0 : i32
          %cond3A_217 = arith.cmpi ne, %convert_element_type3A_215, %cond3A_216 : i32
          scf.if %cond3A_217 {
            %dma_wait3A_226 = arith.constant 0 : i32
            %dma_wait3A_227 = tpu.memref_slice %arg8[%add3A_170, %dma_wait3A_226] : memref<64x80xi32, #tpu.memory_space<vmem>> -> memref<1x80xi32, #tpu.memory_space<vmem>>
            %dma_wait3A_228 = tpu.memref_squeeze %dma_wait3A_227 : memref<1x80xi32, #tpu.memory_space<vmem>> -> memref<80xi32, #tpu.memory_space<vmem>>
            %dma_wait3A_229 = arith.constant 0 : i32
            %dma_wait3A_230 = arith.constant 0 : i32
            %dma_wait3A_231 = tpu.memref_slice %arg12[%dma_wait3A_229, %dma_wait3A_230] : memref<10080x128xf32, #tpu.memory_space<vmem_shared>> -> memref<10080x128xf32, #tpu.memory_space<vmem_shared>>
            tpu.wait_indirect_dma semaphore(%arg16 : memref<!tpu.dma_semaphore, #tpu.memory_space<semaphore_mem>>) src(%arg9 : memref<80x128xf32, #tpu.memory_space<vmem>>) dst(%dma_wait3A_231 : memref<10080x128xf32, #tpu.memory_space<vmem_shared>>)
          } else {
          }
          %add3A_218 = arith.constant 2 : i32
          %add3A_219 = arith.addi %add3A_170, %add3A_218 : i32
          %dma_start3A_220 = arith.constant 0 : i32
          %dma_start3A_221 = tpu.memref_slice %arg7[%add3A_219, %dma_start3A_220] : memref<64x80xi32, #tpu.memory_space<vmem>> -> memref<1x80xi32, #tpu.memory_space<vmem>>
          %dma_start3A_222 = tpu.memref_squeeze %dma_start3A_221 : memref<1x80xi32, #tpu.memory_space<vmem>> -> memref<80xi32, #tpu.memory_space<vmem>>
          %dma_start3A_223 = arith.constant 0 : i32
          %dma_start3A_224 = arith.constant 0 : i32
          %dma_start3A_225 = tpu.memref_slice %arg3[%dma_start3A_223, %dma_start3A_224] : memref<10000x128xf32, #tpu.memory_space<hbm>> -> memref<10000x128xf32, #tpu.memory_space<hbm>>
          tpu.enqueue_indirect_dma source(%dma_start3A_225 : memref<10000x128xf32, #tpu.memory_space<hbm>>) target(%arg9 : memref<80x128xf32, #tpu.memory_space<vmem>>) offsets(%dma_start3A_222 : memref<80xi32, #tpu.memory_space<vmem>>) semaphore(%arg13 : memref<!tpu.dma_semaphore, #tpu.memory_space<semaphore_mem>>)
        } else {
        }
        %mul3A_190 = arith.constant 3 : i32
        %mul3A_191 = arith.muli %scan3A_142, %mul3A_190 : i32
        %add3A_192 = arith.constant 2 : i32
        %add3A_193 = arith.addi %mul3A_191, %add3A_192 : i32
        %dma_wait3A_194 = arith.constant 0 : i32
        %dma_wait3A_195 = tpu.memref_slice %arg7[%add3A_193, %dma_wait3A_194] : memref<64x80xi32, #tpu.memory_space<vmem>> -> memref<1x80xi32, #tpu.memory_space<vmem>>
        %dma_wait3A_196 = tpu.memref_squeeze %dma_wait3A_195 : memref<1x80xi32, #tpu.memory_space<vmem>> -> memref<80xi32, #tpu.memory_space<vmem>>
        %dma_wait3A_197 = arith.constant 0 : i32
        %dma_wait3A_198 = arith.constant 0 : i32
        %dma_wait3A_199 = tpu.memref_slice %arg3[%dma_wait3A_197, %dma_wait3A_198] : memref<10000x128xf32, #tpu.memory_space<hbm>> -> memref<10000x128xf32, #tpu.memory_space<hbm>>
        tpu.wait_indirect_dma semaphore(%arg15 : memref<!tpu.dma_semaphore, #tpu.memory_space<semaphore_mem>>) src(%dma_wait3A_199 : memref<10000x128xf32, #tpu.memory_space<hbm>>) dst(%arg11 : memref<80x128xf32, #tpu.memory_space<vmem>>)
        %dma_start3A_200 = arith.constant 0 : i32
        %dma_start3A_201 = tpu.memref_slice %arg8[%add3A_193, %dma_start3A_200] : memref<64x80xi32, #tpu.memory_space<vmem>> -> memref<1x80xi32, #tpu.memory_space<vmem>>
        %dma_start3A_202 = tpu.memref_squeeze %dma_start3A_201 : memref<1x80xi32, #tpu.memory_space<vmem>> -> memref<80xi32, #tpu.memory_space<vmem>>
        %dma_start3A_203 = arith.constant 0 : i32
        %dma_start3A_204 = arith.constant 0 : i32
        %dma_start3A_205 = tpu.memref_slice %arg12[%dma_start3A_203, %dma_start3A_204] : memref<10080x128xf32, #tpu.memory_space<vmem_shared>> -> memref<10080x128xf32, #tpu.memory_space<vmem_shared>>
        tpu.enqueue_indirect_dma source(%arg11 : memref<80x128xf32, #tpu.memory_space<vmem>>) target(%dma_start3A_205 : memref<10080x128xf32, #tpu.memory_space<vmem_shared>>) offsets(%dma_start3A_202 : memref<80xi32, #tpu.memory_space<vmem>>) semaphore(%arg18 : memref<!tpu.dma_semaphore, #tpu.memory_space<semaphore_mem>>) {add = true}
        %add3A_206 = arith.constant 2 : i32
        %add3A_207 = arith.addi %add3A_193, %add3A_206 : i32
        %lt3A_208 = arith.constant 64 : i32
        %lt3A_209 = arith.cmpi slt, %add3A_207, %lt3A_208 : i32
        %convert_element_type3A_210 = arith.extui %lt3A_209 : i1 to i32
        %cond3A_211 = arith.constant 0 : i32
        %cond3A_212 = arith.cmpi ne, %convert_element_type3A_210, %cond3A_211 : i32
        scf.if %cond3A_212 {
          %ge3A = arith.constant 1 : i32
          %ge3A_214 = arith.cmpi sge, %add3A_193, %ge3A : i32
          %convert_element_type3A_215 = arith.extui %ge3A_214 : i1 to i32
          %cond3A_216 = arith.constant 0 : i32
          %cond3A_217 = arith.cmpi ne, %convert_element_type3A_215, %cond3A_216 : i32
          scf.if %cond3A_217 {
            %dma_wait3A_226 = arith.constant 0 : i32
            %dma_wait3A_227 = tpu.memref_slice %arg8[%add3A_193, %dma_wait3A_226] : memref<64x80xi32, #tpu.memory_space<vmem>> -> memref<1x80xi32, #tpu.memory_space<vmem>>
            %dma_wait3A_228 = tpu.memref_squeeze %dma_wait3A_227 : memref<1x80xi32, #tpu.memory_space<vmem>> -> memref<80xi32, #tpu.memory_space<vmem>>
            %dma_wait3A_229 = arith.constant 0 : i32
            %dma_wait3A_230 = arith.constant 0 : i32
            %dma_wait3A_231 = tpu.memref_slice %arg12[%dma_wait3A_229, %dma_wait3A_230] : memref<10080x128xf32, #tpu.memory_space<vmem_shared>> -> memref<10080x128xf32, #tpu.memory_space<vmem_shared>>
            tpu.wait_indirect_dma semaphore(%arg17 : memref<!tpu.dma_semaphore, #tpu.memory_space<semaphore_mem>>) src(%arg10 : memref<80x128xf32, #tpu.memory_space<vmem>>) dst(%dma_wait3A_231 : memref<10080x128xf32, #tpu.memory_space<vmem_shared>>)
          } else {
          }
          %add3A_218 = arith.constant 2 : i32
          %add3A_219 = arith.addi %add3A_193, %add3A_218 : i32
          %dma_start3A_220 = arith.constant 0 : i32
          %dma_start3A_221 = tpu.memref_slice %arg7[%add3A_219, %dma_start3A_220] : memref<64x80xi32, #tpu.memory_space<vmem>> -> memref<1x80xi32, #tpu.memory_space<vmem>>
          %dma_start3A_222 = tpu.memref_squeeze %dma_start3A_221 : memref<1x80xi32, #tpu.memory_space<vmem>> -> memref<80xi32, #tpu.memory_space<vmem>>
          %dma_start3A_223 = arith.constant 0 : i32
          %dma_start3A_224 = arith.constant 0 : i32
          %dma_start3A_225 = tpu.memref_slice %arg3[%dma_start3A_223, %dma_start3A_224] : memref<10000x128xf32, #tpu.memory_space<hbm>> -> memref<10000x128xf32, #tpu.memory_space<hbm>>
          tpu.enqueue_indirect_dma source(%dma_start3A_225 : memref<10000x128xf32, #tpu.memory_space<hbm>>) target(%arg10 : memref<80x128xf32, #tpu.memory_space<vmem>>) offsets(%dma_start3A_222 : memref<80xi32, #tpu.memory_space<vmem>>) semaphore(%arg14 : memref<!tpu.dma_semaphore, #tpu.memory_space<semaphore_mem>>)
        } else {
        }
        %scan3A_213 = arith.constant 0 : i32
        scf.yield %scan3A_213 : i32
      }
      %scan3A_47 = arith.constant 21 : i32
      %dma_wait3A = arith.constant 63 : i32
      %dma_wait3A_48 = arith.constant 0 : i32
      %dma_wait3A_49 = tpu.memref_slice %arg7[%dma_wait3A, %dma_wait3A_48] : memref<64x80xi32, #tpu.memory_space<vmem>> -> memref<1x80xi32, #tpu.memory_space<vmem>>
      %dma_wait3A_50 = tpu.memref_squeeze %dma_wait3A_49 : memref<1x80xi32, #tpu.memory_space<vmem>> -> memref<80xi32, #tpu.memory_space<vmem>>
      %dma_wait3A_51 = arith.constant 0 : i32
      %dma_wait3A_52 = arith.constant 0 : i32
      %dma_wait3A_53 = tpu.memref_slice %arg3[%dma_wait3A_51, %dma_wait3A_52] : memref<10000x128xf32, #tpu.memory_space<hbm>> -> memref<10000x128xf32, #tpu.memory_space<hbm>>
      tpu.wait_indirect_dma semaphore(%arg13 : memref<!tpu.dma_semaphore, #tpu.memory_space<semaphore_mem>>) src(%dma_wait3A_53 : memref<10000x128xf32, #tpu.memory_space<hbm>>) dst(%arg9 : memref<80x128xf32, #tpu.memory_space<vmem>>)
      %dma_start3A_54 = arith.constant 63 : i32
      %dma_start3A_55 = arith.constant 0 : i32
      %dma_start3A_56 = tpu.memref_slice %arg8[%dma_start3A_54, %dma_start3A_55] : memref<64x80xi32, #tpu.memory_space<vmem>> -> memref<1x80xi32, #tpu.memory_space<vmem>>
      %dma_start3A_57 = tpu.memref_squeeze %dma_start3A_56 : memref<1x80xi32, #tpu.memory_space<vmem>> -> memref<80xi32, #tpu.memory_space<vmem>>
      %dma_start3A_58 = arith.constant 0 : i32
      %dma_start3A_59 = arith.constant 0 : i32
      %dma_start3A_60 = tpu.memref_slice %arg12[%dma_start3A_58, %dma_start3A_59] : memref<10080x128xf32, #tpu.memory_space<vmem_shared>> -> memref<10080x128xf32, #tpu.memory_space<vmem_shared>>
      tpu.enqueue_indirect_dma source(%arg9 : memref<80x128xf32, #tpu.memory_space<vmem>>) target(%dma_start3A_60 : memref<10080x128xf32, #tpu.memory_space<vmem_shared>>) offsets(%dma_start3A_57 : memref<80xi32, #tpu.memory_space<vmem>>) semaphore(%arg16 : memref<!tpu.dma_semaphore, #tpu.memory_space<semaphore_mem>>) {add = true}
      %dma_wait3A_61 = arith.constant 0 : i32
      %dma_wait3A_62 = arith.constant 0 : i32
      %dma_wait3A_63 = tpu.memref_slice %arg8[%dma_wait3A_61, %dma_wait3A_62] : memref<64x80xi32, #tpu.memory_space<vmem>> -> memref<1x80xi32, #tpu.memory_space<vmem>>
      %dma_wait3A_64 = tpu.memref_squeeze %dma_wait3A_63 : memref<1x80xi32, #tpu.memory_space<vmem>> -> memref<80xi32, #tpu.memory_space<vmem>>
      %dma_wait3A_65 = arith.constant 0 : i32
      %dma_wait3A_66 = arith.constant 0 : i32
      %dma_wait3A_67 = tpu.memref_slice %arg12[%dma_wait3A_65, %dma_wait3A_66] : memref<10080x128xf32, #tpu.memory_space<vmem_shared>> -> memref<10080x128xf32, #tpu.memory_space<vmem_shared>>
      tpu.wait_indirect_dma semaphore(%arg16 : memref<!tpu.dma_semaphore, #tpu.memory_space<semaphore_mem>>) src(%arg9 : memref<80x128xf32, #tpu.memory_space<vmem>>) dst(%dma_wait3A_67 : memref<10080x128xf32, #tpu.memory_space<vmem_shared>>)
      %dma_wait3A_68 = arith.constant 0 : i32
      %dma_wait3A_69 = arith.constant 0 : i32
      %dma_wait3A_70 = tpu.memref_slice %arg8[%dma_wait3A_68, %dma_wait3A_69] : memref<64x80xi32, #tpu.memory_space<vmem>> -> memref<1x80xi32, #tpu.memory_space<vmem>>
      %dma_wait3A_71 = tpu.memref_squeeze %dma_wait3A_70 : memref<1x80xi32, #tpu.memory_space<vmem>> -> memref<80xi32, #tpu.memory_space<vmem>>
      %dma_wait3A_72 = arith.constant 0 : i32
      %dma_wait3A_73 = arith.constant 0 : i32
      %dma_wait3A_74 = tpu.memref_slice %arg12[%dma_wait3A_72, %dma_wait3A_73] : memref<10080x128xf32, #tpu.memory_space<vmem_shared>> -> memref<10080x128xf32, #tpu.memory_space<vmem_shared>>
      tpu.wait_indirect_dma semaphore(%arg17 : memref<!tpu.dma_semaphore, #tpu.memory_space<semaphore_mem>>) src(%arg10 : memref<80x128xf32, #tpu.memory_space<vmem>>) dst(%dma_wait3A_74 : memref<10080x128xf32, #tpu.memory_space<vmem_shared>>)
      %dma_wait3A_75 = arith.constant 0 : i32
      %dma_wait3A_76 = arith.constant 0 : i32
      %dma_wait3A_77 = tpu.memref_slice %arg8[%dma_wait3A_75, %dma_wait3A_76] : memref<64x80xi32, #tpu.memory_space<vmem>> -> memref<1x80xi32, #tpu.memory_space<vmem>>
      %dma_wait3A_78 = tpu.memref_squeeze %dma_wait3A_77 : memref<1x80xi32, #tpu.memory_space<vmem>> -> memref<80xi32, #tpu.memory_space<vmem>>
      %dma_wait3A_79 = arith.constant 0 : i32
      %dma_wait3A_80 = arith.constant 0 : i32
      %dma_wait3A_81 = tpu.memref_slice %arg12[%dma_wait3A_79, %dma_wait3A_80] : memref<10080x128xf32, #tpu.memory_space<vmem_shared>> -> memref<10080x128xf32, #tpu.memory_space<vmem_shared>>
      tpu.wait_indirect_dma semaphore(%arg18 : memref<!tpu.dma_semaphore, #tpu.memory_space<semaphore_mem>>) src(%arg11 : memref<80x128xf32, #tpu.memory_space<vmem>>) dst(%dma_wait3A_81 : memref<10080x128xf32, #tpu.memory_space<vmem_shared>>)
      %mul3A_82 = arith.constant 128 : i32
      %mul3A_83 = arith.muli %arg1, %mul3A_82 : i32
      %add3A_84 = arith.constant 64 : i32
      %add3A_85 = arith.addi %mul3A_83, %add3A_84 : i32
      "tpu.region"() ({
        %run_scoped3A = tpu.sem_alloc : memref<!tpu.dma_semaphore, #tpu.memory_space<semaphore_mem>>
        %dma_start3A_142 = arith.constant 0 : i32
        %dma_start3A_143 = tpu.memref_slice %arg4[%add3A_85, %dma_start3A_142] : memref<2048x80xi32, #tpu.memory_space<hbm>> -> memref<64x80xi32, #tpu.memory_space<hbm>>
        %dma_start3A_144 = arith.constant 0 : i32
        %dma_start3A_145 = tpu.memref_slice %arg4[%add3A_85, %dma_start3A_144] : memref<2048x80xi32, #tpu.memory_space<hbm>> -> memref<64x80xi32, #tpu.memory_space<hbm>>
        tpu.enqueue_dma source(%dma_start3A_145 : memref<64x80xi32, #tpu.memory_space<hbm>>) target(%arg7 : memref<64x80xi32, #tpu.memory_space<vmem>>) target_semaphore(%run_scoped3A : memref<!tpu.dma_semaphore, #tpu.memory_space<semaphore_mem>>)
        %dma_wait3A_146 = arith.constant 0 : i32
        %dma_wait3A_147 = tpu.memref_slice %arg4[%add3A_85, %dma_wait3A_146] : memref<2048x80xi32, #tpu.memory_space<hbm>> -> memref<64x80xi32, #tpu.memory_space<hbm>>
        %dma_wait3A_148 = arith.constant 0 : i32
        %dma_wait3A_149 = tpu.memref_slice %arg4[%add3A_85, %dma_wait3A_148] : memref<2048x80xi32, #tpu.memory_space<hbm>> -> memref<64x80xi32, #tpu.memory_space<hbm>>
        tpu.wait_dma2 semaphore(%run_scoped3A : memref<!tpu.dma_semaphore, #tpu.memory_space<semaphore_mem>>) src(%dma_wait3A_149 : memref<64x80xi32, #tpu.memory_space<hbm>>) dst(%arg7 : memref<64x80xi32, #tpu.memory_space<vmem>>)
        tpu.yield
      }) : () -> ()
      "tpu.region"() ({
        %run_scoped3A = tpu.sem_alloc : memref<!tpu.dma_semaphore, #tpu.memory_space<semaphore_mem>>
        %dma_start3A_142 = arith.constant 0 : i32
        %dma_start3A_143 = tpu.memref_slice %arg5[%add3A_85, %dma_start3A_142] : memref<2048x80xi32, #tpu.memory_space<hbm>> -> memref<64x80xi32, #tpu.memory_space<hbm>>
        %dma_start3A_144 = arith.constant 0 : i32
        %dma_start3A_145 = tpu.memref_slice %arg5[%add3A_85, %dma_start3A_144] : memref<2048x80xi32, #tpu.memory_space<hbm>> -> memref<64x80xi32, #tpu.memory_space<hbm>>
        tpu.enqueue_dma source(%dma_start3A_145 : memref<64x80xi32, #tpu.memory_space<hbm>>) target(%arg8 : memref<64x80xi32, #tpu.memory_space<vmem>>) target_semaphore(%run_scoped3A : memref<!tpu.dma_semaphore, #tpu.memory_space<semaphore_mem>>)
        %dma_wait3A_146 = arith.constant 0 : i32
        %dma_wait3A_147 = tpu.memref_slice %arg5[%add3A_85, %dma_wait3A_146] : memref<2048x80xi32, #tpu.memory_space<hbm>> -> memref<64x80xi32, #tpu.memory_space<hbm>>
        %dma_wait3A_148 = arith.constant 0 : i32
        %dma_wait3A_149 = tpu.memref_slice %arg5[%add3A_85, %dma_wait3A_148] : memref<2048x80xi32, #tpu.memory_space<hbm>> -> memref<64x80xi32, #tpu.memory_space<hbm>>
        tpu.wait_dma2 semaphore(%run_scoped3A : memref<!tpu.dma_semaphore, #tpu.memory_space<semaphore_mem>>) src(%dma_wait3A_149 : memref<64x80xi32, #tpu.memory_space<hbm>>) dst(%arg8 : memref<64x80xi32, #tpu.memory_space<vmem>>)
        tpu.yield
      }) : () -> ()
      %dma_start3A_86 = arith.constant 0 : i32
      %dma_start3A_87 = arith.constant 0 : i32
      %dma_start3A_88 = tpu.memref_slice %arg7[%dma_start3A_86, %dma_start3A_87] : memref<64x80xi32, #tpu.memory_space<vmem>> -> memref<1x80xi32, #tpu.memory_space<vmem>>
      %dma_start3A_89 = tpu.memref_squeeze %dma_start3A_88 : memref<1x80xi32, #tpu.memory_space<vmem>> -> memref<80xi32, #tpu.memory_space<vmem>>
      %dma_start3A_90 = arith.constant 0 : i32
      %dma_start3A_91 = arith.constant 0 : i32
      %dma_start3A_92 = tpu.memref_slice %arg3[%dma_start3A_90, %dma_start3A_91] : memref<10000x128xf32, #tpu.memory_space<hbm>> -> memref<10000x128xf32, #tpu.memory_space<hbm>>
      tpu.enqueue_indirect_dma source(%dma_start3A_92 : memref<10000x128xf32, #tpu.memory_space<hbm>>) target(%arg9 : memref<80x128xf32, #tpu.memory_space<vmem>>) offsets(%dma_start3A_89 : memref<80xi32, #tpu.memory_space<vmem>>) semaphore(%arg13 : memref<!tpu.dma_semaphore, #tpu.memory_space<semaphore_mem>>)
      %dma_start3A_93 = arith.constant 1 : i32
      %dma_start3A_94 = arith.constant 0 : i32
      %dma_start3A_95 = tpu.memref_slice %arg7[%dma_start3A_93, %dma_start3A_94] : memref<64x80xi32, #tpu.memory_space<vmem>> -> memref<1x80xi32, #tpu.memory_space<vmem>>
      %dma_start3A_96 = tpu.memref_squeeze %dma_start3A_95 : memref<1x80xi32, #tpu.memory_space<vmem>> -> memref<80xi32, #tpu.memory_space<vmem>>
      %dma_start3A_97 = arith.constant 0 : i32
      %dma_start3A_98 = arith.constant 0 : i32
      %dma_start3A_99 = tpu.memref_slice %arg3[%dma_start3A_97, %dma_start3A_98] : memref<10000x128xf32, #tpu.memory_space<hbm>> -> memref<10000x128xf32, #tpu.memory_space<hbm>>
      tpu.enqueue_indirect_dma source(%dma_start3A_99 : memref<10000x128xf32, #tpu.memory_space<hbm>>) target(%arg10 : memref<80x128xf32, #tpu.memory_space<vmem>>) offsets(%dma_start3A_96 : memref<80xi32, #tpu.memory_space<vmem>>) semaphore(%arg14 : memref<!tpu.dma_semaphore, #tpu.memory_space<semaphore_mem>>)
      %scan3A_100 = arith.constant 0 : i32
      %scan3A_101 = arith.constant 0 : i32
      %scan3A_102 = arith.constant 21 : i32
      %scan3A_103 = arith.addi %scan3A_101, %scan3A_102 : i32
      %scan3A_104 = arith.constant 1 : i32
      %scan3A_105 = scf.for %scan3A_142 = %scan3A_101 to %scan3A_103 step %scan3A_104 iter_args(%scan3A_143 = %scan3A_100) -> (i32)  : i32 {
        %mul3A_144 = arith.constant 3 : i32
        %mul3A_145 = arith.muli %scan3A_142, %mul3A_144 : i32
        %add3A_146 = arith.constant 0 : i32
        %add3A_147 = arith.addi %mul3A_145, %add3A_146 : i32
        %dma_wait3A_148 = arith.constant 0 : i32
        %dma_wait3A_149 = tpu.memref_slice %arg7[%add3A_147, %dma_wait3A_148] : memref<64x80xi32, #tpu.memory_space<vmem>> -> memref<1x80xi32, #tpu.memory_space<vmem>>
        %dma_wait3A_150 = tpu.memref_squeeze %dma_wait3A_149 : memref<1x80xi32, #tpu.memory_space<vmem>> -> memref<80xi32, #tpu.memory_space<vmem>>
        %dma_wait3A_151 = arith.constant 0 : i32
        %dma_wait3A_152 = arith.constant 0 : i32
        %dma_wait3A_153 = tpu.memref_slice %arg3[%dma_wait3A_151, %dma_wait3A_152] : memref<10000x128xf32, #tpu.memory_space<hbm>> -> memref<10000x128xf32, #tpu.memory_space<hbm>>
        tpu.wait_indirect_dma semaphore(%arg13 : memref<!tpu.dma_semaphore, #tpu.memory_space<semaphore_mem>>) src(%dma_wait3A_153 : memref<10000x128xf32, #tpu.memory_space<hbm>>) dst(%arg9 : memref<80x128xf32, #tpu.memory_space<vmem>>)
        %dma_start3A_154 = arith.constant 0 : i32
        %dma_start3A_155 = tpu.memref_slice %arg8[%add3A_147, %dma_start3A_154] : memref<64x80xi32, #tpu.memory_space<vmem>> -> memref<1x80xi32, #tpu.memory_space<vmem>>
        %dma_start3A_156 = tpu.memref_squeeze %dma_start3A_155 : memref<1x80xi32, #tpu.memory_space<vmem>> -> memref<80xi32, #tpu.memory_space<vmem>>
        %dma_start3A_157 = arith.constant 0 : i32
        %dma_start3A_158 = arith.constant 0 : i32
        %dma_start3A_159 = tpu.memref_slice %arg12[%dma_start3A_157, %dma_start3A_158] : memref<10080x128xf32, #tpu.memory_space<vmem_shared>> -> memref<10080x128xf32, #tpu.memory_space<vmem_shared>>
        tpu.enqueue_indirect_dma source(%arg9 : memref<80x128xf32, #tpu.memory_space<vmem>>) target(%dma_start3A_159 : memref<10080x128xf32, #tpu.memory_space<vmem_shared>>) offsets(%dma_start3A_156 : memref<80xi32, #tpu.memory_space<vmem>>) semaphore(%arg16 : memref<!tpu.dma_semaphore, #tpu.memory_space<semaphore_mem>>) {add = true}
        %add3A_160 = arith.constant 2 : i32
        %add3A_161 = arith.addi %add3A_147, %add3A_160 : i32
        %lt3A_162 = arith.constant 64 : i32
        %lt3A_163 = arith.cmpi slt, %add3A_161, %lt3A_162 : i32
        %convert_element_type3A_164 = arith.extui %lt3A_163 : i1 to i32
        %cond3A_165 = arith.constant 0 : i32
        %cond3A_166 = arith.cmpi ne, %convert_element_type3A_164, %cond3A_165 : i32
        scf.if %cond3A_166 {
          %ge3A = arith.constant 1 : i32
          %ge3A_214 = arith.cmpi sge, %add3A_147, %ge3A : i32
          %convert_element_type3A_215 = arith.extui %ge3A_214 : i1 to i32
          %cond3A_216 = arith.constant 0 : i32
          %cond3A_217 = arith.cmpi ne, %convert_element_type3A_215, %cond3A_216 : i32
          scf.if %cond3A_217 {
            %dma_wait3A_226 = arith.constant 0 : i32
            %dma_wait3A_227 = tpu.memref_slice %arg8[%add3A_147, %dma_wait3A_226] : memref<64x80xi32, #tpu.memory_space<vmem>> -> memref<1x80xi32, #tpu.memory_space<vmem>>
            %dma_wait3A_228 = tpu.memref_squeeze %dma_wait3A_227 : memref<1x80xi32, #tpu.memory_space<vmem>> -> memref<80xi32, #tpu.memory_space<vmem>>
            %dma_wait3A_229 = arith.constant 0 : i32
            %dma_wait3A_230 = arith.constant 0 : i32
            %dma_wait3A_231 = tpu.memref_slice %arg12[%dma_wait3A_229, %dma_wait3A_230] : memref<10080x128xf32, #tpu.memory_space<vmem_shared>> -> memref<10080x128xf32, #tpu.memory_space<vmem_shared>>
            tpu.wait_indirect_dma semaphore(%arg18 : memref<!tpu.dma_semaphore, #tpu.memory_space<semaphore_mem>>) src(%arg11 : memref<80x128xf32, #tpu.memory_space<vmem>>) dst(%dma_wait3A_231 : memref<10080x128xf32, #tpu.memory_space<vmem_shared>>)
          } else {
          }
          %add3A_218 = arith.constant 2 : i32
          %add3A_219 = arith.addi %add3A_147, %add3A_218 : i32
          %dma_start3A_220 = arith.constant 0 : i32
          %dma_start3A_221 = tpu.memref_slice %arg7[%add3A_219, %dma_start3A_220] : memref<64x80xi32, #tpu.memory_space<vmem>> -> memref<1x80xi32, #tpu.memory_space<vmem>>
          %dma_start3A_222 = tpu.memref_squeeze %dma_start3A_221 : memref<1x80xi32, #tpu.memory_space<vmem>> -> memref<80xi32, #tpu.memory_space<vmem>>
          %dma_start3A_223 = arith.constant 0 : i32
          %dma_start3A_224 = arith.constant 0 : i32
          %dma_start3A_225 = tpu.memref_slice %arg3[%dma_start3A_223, %dma_start3A_224] : memref<10000x128xf32, #tpu.memory_space<hbm>> -> memref<10000x128xf32, #tpu.memory_space<hbm>>
          tpu.enqueue_indirect_dma source(%dma_start3A_225 : memref<10000x128xf32, #tpu.memory_space<hbm>>) target(%arg11 : memref<80x128xf32, #tpu.memory_space<vmem>>) offsets(%dma_start3A_222 : memref<80xi32, #tpu.memory_space<vmem>>) semaphore(%arg15 : memref<!tpu.dma_semaphore, #tpu.memory_space<semaphore_mem>>)
        } else {
        }
        %mul3A_167 = arith.constant 3 : i32
        %mul3A_168 = arith.muli %scan3A_142, %mul3A_167 : i32
        %add3A_169 = arith.constant 1 : i32
        %add3A_170 = arith.addi %mul3A_168, %add3A_169 : i32
        %dma_wait3A_171 = arith.constant 0 : i32
        %dma_wait3A_172 = tpu.memref_slice %arg7[%add3A_170, %dma_wait3A_171] : memref<64x80xi32, #tpu.memory_space<vmem>> -> memref<1x80xi32, #tpu.memory_space<vmem>>
        %dma_wait3A_173 = tpu.memref_squeeze %dma_wait3A_172 : memref<1x80xi32, #tpu.memory_space<vmem>> -> memref<80xi32, #tpu.memory_space<vmem>>
        %dma_wait3A_174 = arith.constant 0 : i32
        %dma_wait3A_175 = arith.constant 0 : i32
        %dma_wait3A_176 = tpu.memref_slice %arg3[%dma_wait3A_174, %dma_wait3A_175] : memref<10000x128xf32, #tpu.memory_space<hbm>> -> memref<10000x128xf32, #tpu.memory_space<hbm>>
        tpu.wait_indirect_dma semaphore(%arg14 : memref<!tpu.dma_semaphore, #tpu.memory_space<semaphore_mem>>) src(%dma_wait3A_176 : memref<10000x128xf32, #tpu.memory_space<hbm>>) dst(%arg10 : memref<80x128xf32, #tpu.memory_space<vmem>>)
        %dma_start3A_177 = arith.constant 0 : i32
        %dma_start3A_178 = tpu.memref_slice %arg8[%add3A_170, %dma_start3A_177] : memref<64x80xi32, #tpu.memory_space<vmem>> -> memref<1x80xi32, #tpu.memory_space<vmem>>
        %dma_start3A_179 = tpu.memref_squeeze %dma_start3A_178 : memref<1x80xi32, #tpu.memory_space<vmem>> -> memref<80xi32, #tpu.memory_space<vmem>>
        %dma_start3A_180 = arith.constant 0 : i32
        %dma_start3A_181 = arith.constant 0 : i32
        %dma_start3A_182 = tpu.memref_slice %arg12[%dma_start3A_180, %dma_start3A_181] : memref<10080x128xf32, #tpu.memory_space<vmem_shared>> -> memref<10080x128xf32, #tpu.memory_space<vmem_shared>>
        tpu.enqueue_indirect_dma source(%arg10 : memref<80x128xf32, #tpu.memory_space<vmem>>) target(%dma_start3A_182 : memref<10080x128xf32, #tpu.memory_space<vmem_shared>>) offsets(%dma_start3A_179 : memref<80xi32, #tpu.memory_space<vmem>>) semaphore(%arg17 : memref<!tpu.dma_semaphore, #tpu.memory_space<semaphore_mem>>) {add = true}
        %add3A_183 = arith.constant 2 : i32
        %add3A_184 = arith.addi %add3A_170, %add3A_183 : i32
        %lt3A_185 = arith.constant 64 : i32
        %lt3A_186 = arith.cmpi slt, %add3A_184, %lt3A_185 : i32
        %convert_element_type3A_187 = arith.extui %lt3A_186 : i1 to i32
        %cond3A_188 = arith.constant 0 : i32
        %cond3A_189 = arith.cmpi ne, %convert_element_type3A_187, %cond3A_188 : i32
        scf.if %cond3A_189 {
          %ge3A = arith.constant 1 : i32
          %ge3A_214 = arith.cmpi sge, %add3A_170, %ge3A : i32
          %convert_element_type3A_215 = arith.extui %ge3A_214 : i1 to i32
          %cond3A_216 = arith.constant 0 : i32
          %cond3A_217 = arith.cmpi ne, %convert_element_type3A_215, %cond3A_216 : i32
          scf.if %cond3A_217 {
            %dma_wait3A_226 = arith.constant 0 : i32
            %dma_wait3A_227 = tpu.memref_slice %arg8[%add3A_170, %dma_wait3A_226] : memref<64x80xi32, #tpu.memory_space<vmem>> -> memref<1x80xi32, #tpu.memory_space<vmem>>
            %dma_wait3A_228 = tpu.memref_squeeze %dma_wait3A_227 : memref<1x80xi32, #tpu.memory_space<vmem>> -> memref<80xi32, #tpu.memory_space<vmem>>
            %dma_wait3A_229 = arith.constant 0 : i32
            %dma_wait3A_230 = arith.constant 0 : i32
            %dma_wait3A_231 = tpu.memref_slice %arg12[%dma_wait3A_229, %dma_wait3A_230] : memref<10080x128xf32, #tpu.memory_space<vmem_shared>> -> memref<10080x128xf32, #tpu.memory_space<vmem_shared>>
            tpu.wait_indirect_dma semaphore(%arg16 : memref<!tpu.dma_semaphore, #tpu.memory_space<semaphore_mem>>) src(%arg9 : memref<80x128xf32, #tpu.memory_space<vmem>>) dst(%dma_wait3A_231 : memref<10080x128xf32, #tpu.memory_space<vmem_shared>>)
          } else {
          }
          %add3A_218 = arith.constant 2 : i32
          %add3A_219 = arith.addi %add3A_170, %add3A_218 : i32
          %dma_start3A_220 = arith.constant 0 : i32
          %dma_start3A_221 = tpu.memref_slice %arg7[%add3A_219, %dma_start3A_220] : memref<64x80xi32, #tpu.memory_space<vmem>> -> memref<1x80xi32, #tpu.memory_space<vmem>>
          %dma_start3A_222 = tpu.memref_squeeze %dma_start3A_221 : memref<1x80xi32, #tpu.memory_space<vmem>> -> memref<80xi32, #tpu.memory_space<vmem>>
          %dma_start3A_223 = arith.constant 0 : i32
          %dma_start3A_224 = arith.constant 0 : i32
          %dma_start3A_225 = tpu.memref_slice %arg3[%dma_start3A_223, %dma_start3A_224] : memref<10000x128xf32, #tpu.memory_space<hbm>> -> memref<10000x128xf32, #tpu.memory_space<hbm>>
          tpu.enqueue_indirect_dma source(%dma_start3A_225 : memref<10000x128xf32, #tpu.memory_space<hbm>>) target(%arg9 : memref<80x128xf32, #tpu.memory_space<vmem>>) offsets(%dma_start3A_222 : memref<80xi32, #tpu.memory_space<vmem>>) semaphore(%arg13 : memref<!tpu.dma_semaphore, #tpu.memory_space<semaphore_mem>>)
        } else {
        }
        %mul3A_190 = arith.constant 3 : i32
        %mul3A_191 = arith.muli %scan3A_142, %mul3A_190 : i32
        %add3A_192 = arith.constant 2 : i32
        %add3A_193 = arith.addi %mul3A_191, %add3A_192 : i32
        %dma_wait3A_194 = arith.constant 0 : i32
        %dma_wait3A_195 = tpu.memref_slice %arg7[%add3A_193, %dma_wait3A_194] : memref<64x80xi32, #tpu.memory_space<vmem>> -> memref<1x80xi32, #tpu.memory_space<vmem>>
        %dma_wait3A_196 = tpu.memref_squeeze %dma_wait3A_195 : memref<1x80xi32, #tpu.memory_space<vmem>> -> memref<80xi32, #tpu.memory_space<vmem>>
        %dma_wait3A_197 = arith.constant 0 : i32
        %dma_wait3A_198 = arith.constant 0 : i32
        %dma_wait3A_199 = tpu.memref_slice %arg3[%dma_wait3A_197, %dma_wait3A_198] : memref<10000x128xf32, #tpu.memory_space<hbm>> -> memref<10000x128xf32, #tpu.memory_space<hbm>>
        tpu.wait_indirect_dma semaphore(%arg15 : memref<!tpu.dma_semaphore, #tpu.memory_space<semaphore_mem>>) src(%dma_wait3A_199 : memref<10000x128xf32, #tpu.memory_space<hbm>>) dst(%arg11 : memref<80x128xf32, #tpu.memory_space<vmem>>)
        %dma_start3A_200 = arith.constant 0 : i32
        %dma_start3A_201 = tpu.memref_slice %arg8[%add3A_193, %dma_start3A_200] : memref<64x80xi32, #tpu.memory_space<vmem>> -> memref<1x80xi32, #tpu.memory_space<vmem>>
        %dma_start3A_202 = tpu.memref_squeeze %dma_start3A_201 : memref<1x80xi32, #tpu.memory_space<vmem>> -> memref<80xi32, #tpu.memory_space<vmem>>
        %dma_start3A_203 = arith.constant 0 : i32
        %dma_start3A_204 = arith.constant 0 : i32
        %dma_start3A_205 = tpu.memref_slice %arg12[%dma_start3A_203, %dma_start3A_204] : memref<10080x128xf32, #tpu.memory_space<vmem_shared>> -> memref<10080x128xf32, #tpu.memory_space<vmem_shared>>
        tpu.enqueue_indirect_dma source(%arg11 : memref<80x128xf32, #tpu.memory_space<vmem>>) target(%dma_start3A_205 : memref<10080x128xf32, #tpu.memory_space<vmem_shared>>) offsets(%dma_start3A_202 : memref<80xi32, #tpu.memory_space<vmem>>) semaphore(%arg18 : memref<!tpu.dma_semaphore, #tpu.memory_space<semaphore_mem>>) {add = true}
        %add3A_206 = arith.constant 2 : i32
        %add3A_207 = arith.addi %add3A_193, %add3A_206 : i32
        %lt3A_208 = arith.constant 64 : i32
        %lt3A_209 = arith.cmpi slt, %add3A_207, %lt3A_208 : i32
        %convert_element_type3A_210 = arith.extui %lt3A_209 : i1 to i32
        %cond3A_211 = arith.constant 0 : i32
        %cond3A_212 = arith.cmpi ne, %convert_element_type3A_210, %cond3A_211 : i32
        scf.if %cond3A_212 {
          %ge3A = arith.constant 1 : i32
          %ge3A_214 = arith.cmpi sge, %add3A_193, %ge3A : i32
          %convert_element_type3A_215 = arith.extui %ge3A_214 : i1 to i32
          %cond3A_216 = arith.constant 0 : i32
          %cond3A_217 = arith.cmpi ne, %convert_element_type3A_215, %cond3A_216 : i32
          scf.if %cond3A_217 {
            %dma_wait3A_226 = arith.constant 0 : i32
            %dma_wait3A_227 = tpu.memref_slice %arg8[%add3A_193, %dma_wait3A_226] : memref<64x80xi32, #tpu.memory_space<vmem>> -> memref<1x80xi32, #tpu.memory_space<vmem>>
            %dma_wait3A_228 = tpu.memref_squeeze %dma_wait3A_227 : memref<1x80xi32, #tpu.memory_space<vmem>> -> memref<80xi32, #tpu.memory_space<vmem>>
            %dma_wait3A_229 = arith.constant 0 : i32
            %dma_wait3A_230 = arith.constant 0 : i32
            %dma_wait3A_231 = tpu.memref_slice %arg12[%dma_wait3A_229, %dma_wait3A_230] : memref<10080x128xf32, #tpu.memory_space<vmem_shared>> -> memref<10080x128xf32, #tpu.memory_space<vmem_shared>>
            tpu.wait_indirect_dma semaphore(%arg17 : memref<!tpu.dma_semaphore, #tpu.memory_space<semaphore_mem>>) src(%arg10 : memref<80x128xf32, #tpu.memory_space<vmem>>) dst(%dma_wait3A_231 : memref<10080x128xf32, #tpu.memory_space<vmem_shared>>)
          } else {
          }
          %add3A_218 = arith.constant 2 : i32
          %add3A_219 = arith.addi %add3A_193, %add3A_218 : i32
          %dma_start3A_220 = arith.constant 0 : i32
          %dma_start3A_221 = tpu.memref_slice %arg7[%add3A_219, %dma_start3A_220] : memref<64x80xi32, #tpu.memory_space<vmem>> -> memref<1x80xi32, #tpu.memory_space<vmem>>
          %dma_start3A_222 = tpu.memref_squeeze %dma_start3A_221 : memref<1x80xi32, #tpu.memory_space<vmem>> -> memref<80xi32, #tpu.memory_space<vmem>>
          %dma_start3A_223 = arith.constant 0 : i32
          %dma_start3A_224 = arith.constant 0 : i32
          %dma_start3A_225 = tpu.memref_slice %arg3[%dma_start3A_223, %dma_start3A_224] : memref<10000x128xf32, #tpu.memory_space<hbm>> -> memref<10000x128xf32, #tpu.memory_space<hbm>>
          tpu.enqueue_indirect_dma source(%dma_start3A_225 : memref<10000x128xf32, #tpu.memory_space<hbm>>) target(%arg10 : memref<80x128xf32, #tpu.memory_space<vmem>>) offsets(%dma_start3A_222 : memref<80xi32, #tpu.memory_space<vmem>>) semaphore(%arg14 : memref<!tpu.dma_semaphore, #tpu.memory_space<semaphore_mem>>)
        } else {
        }
        %scan3A_213 = arith.constant 0 : i32
        scf.yield %scan3A_213 : i32
      }
      %scan3A_106 = arith.constant 21 : i32
      %dma_wait3A_107 = arith.constant 63 : i32
      %dma_wait3A_108 = arith.constant 0 : i32
      %dma_wait3A_109 = tpu.memref_slice %arg7[%dma_wait3A_107, %dma_wait3A_108] : memref<64x80xi32, #tpu.memory_space<vmem>> -> memref<1x80xi32, #tpu.memory_space<vmem>>
      %dma_wait3A_110 = tpu.memref_squeeze %dma_wait3A_109 : memref<1x80xi32, #tpu.memory_space<vmem>> -> memref<80xi32, #tpu.memory_space<vmem>>
      %dma_wait3A_111 = arith.constant 0 : i32
      %dma_wait3A_112 = arith.constant 0 : i32
      %dma_wait3A_113 = tpu.memref_slice %arg3[%dma_wait3A_111, %dma_wait3A_112] : memref<10000x128xf32, #tpu.memory_space<hbm>> -> memref<10000x128xf32, #tpu.memory_space<hbm>>
      tpu.wait_indirect_dma semaphore(%arg13 : memref<!tpu.dma_semaphore, #tpu.memory_space<semaphore_mem>>) src(%dma_wait3A_113 : memref<10000x128xf32, #tpu.memory_space<hbm>>) dst(%arg9 : memref<80x128xf32, #tpu.memory_space<vmem>>)
      %dma_start3A_114 = arith.constant 63 : i32
      %dma_start3A_115 = arith.constant 0 : i32
      %dma_start3A_116 = tpu.memref_slice %arg8[%dma_start3A_114, %dma_start3A_115] : memref<64x80xi32, #tpu.memory_space<vmem>> -> memref<1x80xi32, #tpu.memory_space<vmem>>
      %dma_start3A_117 = tpu.memref_squeeze %dma_start3A_116 : memref<1x80xi32, #tpu.memory_space<vmem>> -> memref<80xi32, #tpu.memory_space<vmem>>
      %dma_start3A_118 = arith.constant 0 : i32
      %dma_start3A_119 = arith.constant 0 : i32
      %dma_start3A_120 = tpu.memref_slice %arg12[%dma_start3A_118, %dma_start3A_119] : memref<10080x128xf32, #tpu.memory_space<vmem_shared>> -> memref<10080x128xf32, #tpu.memory_space<vmem_shared>>
      tpu.enqueue_indirect_dma source(%arg9 : memref<80x128xf32, #tpu.memory_space<vmem>>) target(%dma_start3A_120 : memref<10080x128xf32, #tpu.memory_space<vmem_shared>>) offsets(%dma_start3A_117 : memref<80xi32, #tpu.memory_space<vmem>>) semaphore(%arg16 : memref<!tpu.dma_semaphore, #tpu.memory_space<semaphore_mem>>) {add = true}
      %dma_wait3A_121 = arith.constant 0 : i32
      %dma_wait3A_122 = arith.constant 0 : i32
      %dma_wait3A_123 = tpu.memref_slice %arg8[%dma_wait3A_121, %dma_wait3A_122] : memref<64x80xi32, #tpu.memory_space<vmem>> -> memref<1x80xi32, #tpu.memory_space<vmem>>
      %dma_wait3A_124 = tpu.memref_squeeze %dma_wait3A_123 : memref<1x80xi32, #tpu.memory_space<vmem>> -> memref<80xi32, #tpu.memory_space<vmem>>
      %dma_wait3A_125 = arith.constant 0 : i32
      %dma_wait3A_126 = arith.constant 0 : i32
      %dma_wait3A_127 = tpu.memref_slice %arg12[%dma_wait3A_125, %dma_wait3A_126] : memref<10080x128xf32, #tpu.memory_space<vmem_shared>> -> memref<10080x128xf32, #tpu.memory_space<vmem_shared>>
      tpu.wait_indirect_dma semaphore(%arg16 : memref<!tpu.dma_semaphore, #tpu.memory_space<semaphore_mem>>) src(%arg9 : memref<80x128xf32, #tpu.memory_space<vmem>>) dst(%dma_wait3A_127 : memref<10080x128xf32, #tpu.memory_space<vmem_shared>>)
      %dma_wait3A_128 = arith.constant 0 : i32
      %dma_wait3A_129 = arith.constant 0 : i32
      %dma_wait3A_130 = tpu.memref_slice %arg8[%dma_wait3A_128, %dma_wait3A_129] : memref<64x80xi32, #tpu.memory_space<vmem>> -> memref<1x80xi32, #tpu.memory_space<vmem>>
      %dma_wait3A_131 = tpu.memref_squeeze %dma_wait3A_130 : memref<1x80xi32, #tpu.memory_space<vmem>> -> memref<80xi32, #tpu.memory_space<vmem>>
      %dma_wait3A_132 = arith.constant 0 : i32
      %dma_wait3A_133 = arith.constant 0 : i32
      %dma_wait3A_134 = tpu.memref_slice %arg12[%dma_wait3A_132, %dma_wait3A_133] : memref<10080x128xf32, #tpu.memory_space<vmem_shared>> -> memref<10080x128xf32, #tpu.memory_space<vmem_shared>>
      tpu.wait_indirect_dma semaphore(%arg17 : memref<!tpu.dma_semaphore, #tpu.memory_space<semaphore_mem>>) src(%arg10 : memref<80x128xf32, #tpu.memory_space<vmem>>) dst(%dma_wait3A_134 : memref<10080x128xf32, #tpu.memory_space<vmem_shared>>)
      %dma_wait3A_135 = arith.constant 0 : i32
      %dma_wait3A_136 = arith.constant 0 : i32
      %dma_wait3A_137 = tpu.memref_slice %arg8[%dma_wait3A_135, %dma_wait3A_136] : memref<64x80xi32, #tpu.memory_space<vmem>> -> memref<1x80xi32, #tpu.memory_space<vmem>>
      %dma_wait3A_138 = tpu.memref_squeeze %dma_wait3A_137 : memref<1x80xi32, #tpu.memory_space<vmem>> -> memref<80xi32, #tpu.memory_space<vmem>>
      %dma_wait3A_139 = arith.constant 0 : i32
      %dma_wait3A_140 = arith.constant 0 : i32
      %dma_wait3A_141 = tpu.memref_slice %arg12[%dma_wait3A_139, %dma_wait3A_140] : memref<10080x128xf32, #tpu.memory_space<vmem_shared>> -> memref<10080x128xf32, #tpu.memory_space<vmem_shared>>
      tpu.wait_indirect_dma semaphore(%arg18 : memref<!tpu.dma_semaphore, #tpu.memory_space<semaphore_mem>>) src(%arg11 : memref<80x128xf32, #tpu.memory_space<vmem>>) dst(%dma_wait3A_141 : memref<10080x128xf32, #tpu.memory_space<vmem_shared>>)
    } else {
    }
    %barrier3A_21 = arith.constant 0 : index
    tpu.barrier barrier_id(%barrier3A_21)
    %lt3A = arith.constant 10 : i32
    %lt3A_22 = arith.cmpi slt, %arg1, %lt3A : i32
    %convert_element_type3A_23 = arith.extui %lt3A_22 : i1 to i32
    %cond3A_24 = arith.constant 0 : i32
    %cond3A_25 = arith.cmpi ne, %convert_element_type3A_23, %cond3A_24 : i32
    scf.if %cond3A_25 {
      %mul3A = arith.constant 1000 : i32
      %mul3A_26 = arith.muli %arg1, %mul3A : i32
      %mul3A_27 = arith.constant 1000 : i32
      %mul3A_28 = arith.muli %arg1, %mul3A_27 : i32
      "tpu.region"() ({
        %run_scoped3A = tpu.sem_alloc : memref<!tpu.dma_semaphore, #tpu.memory_space<semaphore_mem>>
        %dma_start3A = arith.constant 0 : i32
        %dma_start3A_29 = tpu.memref_slice %arg6[%arg0, %mul3A_28, %dma_start3A] : memref<2x10000x128xf32, #tpu.memory_space<hbm>> -> memref<1x1000x128xf32, #tpu.memory_space<hbm>>
        %dma_start3A_30 = tpu.memref_squeeze %dma_start3A_29 : memref<1x1000x128xf32, #tpu.memory_space<hbm>> -> memref<1000x128xf32, #tpu.memory_space<hbm>>
        %dma_start3A_31 = arith.constant 0 : i32
        %dma_start3A_32 = tpu.memref_slice %arg12[%mul3A_26, %dma_start3A_31] : memref<10080x128xf32, #tpu.memory_space<vmem_shared>> -> memref<1000x128xf32, #tpu.memory_space<vmem_shared>>
        tpu.enqueue_dma source(%dma_start3A_32 : memref<1000x128xf32, #tpu.memory_space<vmem_shared>>) target(%dma_start3A_30 : memref<1000x128xf32, #tpu.memory_space<hbm>>) target_semaphore(%run_scoped3A : memref<!tpu.dma_semaphore, #tpu.memory_space<semaphore_mem>>)
        %dma_wait3A = arith.constant 0 : i32
        %dma_wait3A_33 = tpu.memref_slice %arg6[%arg0, %mul3A_28, %dma_wait3A] : memref<2x10000x128xf32, #tpu.memory_space<hbm>> -> memref<1x1000x128xf32, #tpu.memory_space<hbm>>
        %dma_wait3A_34 = tpu.memref_squeeze %dma_wait3A_33 : memref<1x1000x128xf32, #tpu.memory_space<hbm>> -> memref<1000x128xf32, #tpu.memory_space<hbm>>
        %dma_wait3A_35 = arith.constant 0 : i32
        %dma_wait3A_36 = tpu.memref_slice %arg12[%mul3A_26, %dma_wait3A_35] : memref<10080x128xf32, #tpu.memory_space<vmem_shared>> -> memref<1000x128xf32, #tpu.memory_space<vmem_shared>>
        tpu.wait_dma2 semaphore(%run_scoped3A : memref<!tpu.dma_semaphore, #tpu.memory_space<semaphore_mem>>) src(%dma_wait3A_36 : memref<1000x128xf32, #tpu.memory_space<vmem_shared>>) dst(%dma_wait3A_34 : memref<1000x128xf32, #tpu.memory_space<hbm>>)
        tpu.yield
      }) : () -> ()
    } else {
    }
    return
  }
}

module attributes {stable_mosaic.version = 14 : i64} {
  func.func @_scale_body(%arg0: i32, %arg1: i32, %arg2: memref<2x1000x128xf32, #tpu.memory_space<vmem>>, %arg3: memref<1000x128xf32, #tpu.memory_space<vmem>>, %arg4: memref<1x1000x128xf32, #tpu.memory_space<vmem>>) attributes {dimension_semantics = [#tpu.dimension_semantics<arbitrary>, #tpu.dimension_semantics<arbitrary>], iteration_bounds = array<i64: 10, 2>, scalar_prefetch = 0 : i64, scratch_operands = 0 : i64, tpu.core_type = #tpu.core_type<tc>, window_params = [{transform_indices = @transform_0, window_bounds = array<i64: 2, 1000, 128>}, {transform_indices = @transform_1, window_bounds = array<i64: 1000, 128>}, {transform_indices = @transform_2, window_bounds = array<i64: 1, 1000, 128>}]} {
    %get3A = arith.constant 0 : index
    %get3A_0 = arith.constant 0 : index
    %get3A_1 = arith.constant 0 : index
    %get3A_2 = vector.load %arg2[%get3A, %get3A_0, %get3A_1] : memref<2x1000x128xf32, #tpu.memory_space<vmem>>, vector<1x1000x1xf32>
    %get3A_3 = vector.shape_cast %get3A_2 : vector<1x1000x1xf32> to vector<1000xf32>
    %get3A_4 = arith.constant 1 : index
    %get3A_5 = arith.constant 0 : index
    %get3A_6 = arith.constant 0 : index
    %get3A_7 = vector.load %arg2[%get3A_4, %get3A_5, %get3A_6] : memref<2x1000x128xf32, #tpu.memory_space<vmem>>, vector<1x1000x1xf32>
    %get3A_8 = vector.shape_cast %get3A_7 : vector<1x1000x1xf32> to vector<1000xf32>
    %add3A = arith.addf %get3A_3, %get3A_8 : vector<1000xf32>
    %max3A = arith.constant 1.000000e+00 : f32
    %max3A_9 = vector.broadcast %max3A : f32 to vector<1000xf32>
    %max3A_10 = arith.maximumf %add3A, %max3A_9 : vector<1000xf32>
    %rsqrt3A = math.rsqrt %max3A_10 : vector<1000xf32>
    %get3A_11 = arith.constant 0 : index
    %get3A_12 = arith.constant 0 : index
    %get3A_13 = vector.load %arg3[%get3A_11, %get3A_12] : memref<1000x128xf32, #tpu.memory_space<vmem>>, vector<1000x128xf32>
    %broadcast_in_dim3A = vector.shape_cast %rsqrt3A : vector<1000xf32> to vector<1000x1xf32>
    %mul3A = vector.broadcast %broadcast_in_dim3A : vector<1000x1xf32> to vector<1000x128xf32>
    %mul3A_14 = arith.mulf %get3A_13, %mul3A : vector<1000x128xf32>
    %swap3A = arith.constant 0 : index
    %swap3A_15 = arith.constant 0 : index
    %swap3A_16 = arith.constant 0 : index
    %swap3A_17 = vector.load %arg4[%swap3A, %swap3A_15, %swap3A_16] : memref<1x1000x128xf32, #tpu.memory_space<vmem>>, vector<1x1000x128xf32>
    %swap3A_18 = vector.shape_cast %swap3A_17 : vector<1x1000x128xf32> to vector<1000x128xf32>
    %swap3A_19 = vector.shape_cast %mul3A_14 : vector<1000x128xf32> to vector<1x1000x128xf32>
    tpu.vector_store %arg4[%swap3A, %swap3A_15, %swap3A_16], %swap3A_19 {strides = array<i32>} : memref<1x1000x128xf32, #tpu.memory_space<vmem>>, vector<1x1000x128xf32>,
    return
  }
  func.func @transform_0(%arg0: i32, %arg1: i32) -> (i32, i32, i32) {
    %c0_i32 = arith.constant 0 : i32
    %c0_i32_0 = arith.constant 0 : i32
    %c0_i32_1 = arith.constant 0 : i32
    return %c0_i32, %arg0, %c0_i32_0 : i32, i32, i32
  }
  func.func @transform_1(%arg0: i32, %arg1: i32) -> (i32, i32) {
    %c0_i32 = arith.constant 0 : i32
    return %arg0, %arg1 : i32, i32
  }
  func.func @transform_2(%arg0: i32, %arg1: i32) -> (i32, i32, i32) {
    %c0_i32 = arith.constant 0 : i32
    %c0_i32_0 = arith.constant 0 : i32
    return %arg1, %arg0, %c0_i32 : i32, i32, i32
  }
}

module attributes {stable_mosaic.version = 14 : i64} {
  func.func @_mm_body(%arg0: i32, %arg1: memref<1000x128xf32, #tpu.memory_space<vmem>>, %arg2: memref<1000x128xf32, #tpu.memory_space<vmem>>, %arg3: memref<2x1000x128xf32, #tpu.memory_space<vmem>>, %arg4: memref<128x512xf32, #tpu.memory_space<vmem>>, %arg5: memref<128x512xf32, #tpu.memory_space<vmem>>, %arg6: memref<1x512xf32, #tpu.memory_space<vmem>>, %arg7: memref<1000x512xf32, #tpu.memory_space<vmem>>) attributes {dimension_semantics = [#tpu.dimension_semantics<arbitrary>], iteration_bounds = array<i64: 10>, scalar_prefetch = 0 : i64, scratch_operands = 0 : i64, tpu.core_type = #tpu.core_type<tc>, window_params = [{transform_indices = @transform_0, window_bounds = array<i64: 1000, 128>}, {transform_indices = @transform_1, window_bounds = array<i64: 1000, 128>}, {transform_indices = @transform_2, window_bounds = array<i64: 2, 1000, 128>}, {pipeline_mode = #tpu.pipeline_mode<synchronous>, transform_indices = @transform_3, window_bounds = array<i64: 128, 512>}, {pipeline_mode = #tpu.pipeline_mode<synchronous>, transform_indices = @transform_4, window_bounds = array<i64: 128, 512>}, {pipeline_mode = #tpu.pipeline_mode<synchronous>, transform_indices = @transform_5, window_bounds = array<i64: 1, 512>}, {transform_indices = @transform_6, window_bounds = array<i64: 1000, 512>}]} {
    %get3A = arith.constant 0 : index
    %get3A_0 = arith.constant 0 : index
    %get3A_1 = arith.constant 16 : index
    %get3A_2 = vector.load %arg3[%get3A, %get3A_0, %get3A_1] : memref<2x1000x128xf32, #tpu.memory_space<vmem>>, vector<1x1000x1xf32>
    %get3A_3 = vector.shape_cast %get3A_2 : vector<1x1000x1xf32> to vector<1000xf32>
    %get3A_4 = arith.constant 1 : index
    %get3A_5 = arith.constant 0 : index
    %get3A_6 = arith.constant 16 : index
    %get3A_7 = vector.load %arg3[%get3A_4, %get3A_5, %get3A_6] : memref<2x1000x128xf32, #tpu.memory_space<vmem>>, vector<1x1000x1xf32>
    %get3A_8 = vector.shape_cast %get3A_7 : vector<1x1000x1xf32> to vector<1000xf32>
    %add3A = arith.addf %get3A_3, %get3A_8 : vector<1000xf32>
    %max3A = arith.constant 1.000000e+00 : f32
    %max3A_9 = vector.broadcast %max3A : f32 to vector<1000xf32>
    %max3A_10 = arith.maximumf %add3A, %max3A_9 : vector<1000xf32>
    %rsqrt3A = math.rsqrt %max3A_10 : vector<1000xf32>
    %get3A_11 = arith.constant 0 : index
    %get3A_12 = arith.constant 0 : index
    %get3A_13 = vector.load %arg1[%get3A_11, %get3A_12] : memref<1000x128xf32, #tpu.memory_space<vmem>>, vector<1000x128xf32>
    %broadcast_in_dim3A = vector.shape_cast %rsqrt3A : vector<1000xf32> to vector<1000x1xf32>
    %mul3A = vector.broadcast %broadcast_in_dim3A : vector<1000x1xf32> to vector<1000x128xf32>
    %mul3A_14 = arith.mulf %get3A_13, %mul3A : vector<1000x128xf32>
    %get3A_15 = arith.constant 0 : index
    %get3A_16 = arith.constant 0 : index
    %get3A_17 = vector.load %arg2[%get3A_15, %get3A_16] : memref<1000x128xf32, #tpu.memory_space<vmem>>, vector<1000x128xf32>
    %broadcast_in_dim3A_18 = vector.shape_cast %rsqrt3A : vector<1000xf32> to vector<1000x1xf32>
    %mul3A_19 = vector.broadcast %broadcast_in_dim3A_18 : vector<1000x1xf32> to vector<1000x128xf32>
    %mul3A_20 = arith.mulf %get3A_17, %mul3A_19 : vector<1000x128xf32>
    %get3A_21 = arith.constant 0 : index
    %get3A_22 = arith.constant 0 : index
    %get3A_23 = vector.load %arg4[%get3A_21, %get3A_22] : memref<128x512xf32, #tpu.memory_space<vmem>>, vector<128x512xf32>
    %dot_general3A = arith.constant dense<0.000000e+00> : vector<1000x512xf32>
    %dot_general3A_24 = tpu.matmul %mul3A_14, %get3A_23, %dot_general3A {dimension_numbers = #tpu.dot_dimension_numbers<[1], [0], [0], [1], [0, 0, 1, 1], [], []>, transpose_lhs_hint = false} : vector<1000x128xf32>, vector<128x512xf32>, vector<1000x512xf32> -> vector<1000x512xf32>
    %get3A_25 = arith.constant 0 : index
    %get3A_26 = arith.constant 0 : index
    %get3A_27 = vector.load %arg5[%get3A_25, %get3A_26] : memref<128x512xf32, #tpu.memory_space<vmem>>, vector<128x512xf32>
    %dot_general3A_28 = arith.constant dense<0.000000e+00> : vector<1000x512xf32>
    %dot_general3A_29 = tpu.matmul %mul3A_20, %get3A_27, %dot_general3A_28 {dimension_numbers = #tpu.dot_dimension_numbers<[1], [0], [0], [1], [0, 0, 1, 1], [], []>, transpose_lhs_hint = false} : vector<1000x128xf32>, vector<128x512xf32>, vector<1000x512xf32> -> vector<1000x512xf32>
    %add3A_30 = arith.addf %dot_general3A_24, %dot_general3A_29 : vector<1000x512xf32>
    %get3A_31 = arith.constant 0 : index
    %get3A_32 = arith.constant 0 : index
    %get3A_33 = vector.load %arg6[%get3A_31, %get3A_32] : memref<1x512xf32, #tpu.memory_space<vmem>>, vector<1x512xf32>
    %add3A_34 = vector.broadcast %get3A_33 : vector<1x512xf32> to vector<1000x512xf32>
    %add3A_35 = arith.addf %add3A_30, %add3A_34 : vector<1000x512xf32>
    %max3A_36 = arith.constant 0.000000e+00 : f32
    %max3A_37 = vector.broadcast %max3A_36 : f32 to vector<1000x512xf32>
    %max3A_38 = arith.maximumf %add3A_35, %max3A_37 : vector<1000x512xf32>
    %swap3A = arith.constant 0 : index
    %swap3A_39 = arith.constant 0 : index
    %swap3A_40 = vector.load %arg7[%swap3A, %swap3A_39] : memref<1000x512xf32, #tpu.memory_space<vmem>>, vector<1000x512xf32>
    tpu.vector_store %arg7[%swap3A, %swap3A_39], %max3A_38 {strides = array<i32>} : memref<1000x512xf32, #tpu.memory_space<vmem>>, vector<1000x512xf32>,
    return
  }
  func.func @transform_0(%arg0: i32) -> (i32, i32) {
    %c0_i32 = arith.constant 0 : i32
    %c0_i32_0 = arith.constant 0 : i32
    return %arg0, %c0_i32 : i32, i32
  }
  func.func @transform_1(%arg0: i32) -> (i32, i32) {
    %c0_i32 = arith.constant 0 : i32
    %c0_i32_0 = arith.constant 0 : i32
    return %arg0, %c0_i32 : i32, i32
  }
  func.func @transform_2(%arg0: i32) -> (i32, i32, i32) {
    %c0_i32 = arith.constant 0 : i32
    %c0_i32_0 = arith.constant 0 : i32
    %c0_i32_1 = arith.constant 0 : i32
    return %c0_i32, %arg0, %c0_i32_0 : i32, i32, i32
  }
  func.func @transform_3(%arg0: i32) -> (i32, i32) {
    %c0_i32 = arith.constant 0 : i32
    %c0_i32_0 = arith.constant 0 : i32
    %c0_i32_1 = arith.constant 0 : i32
    return %c0_i32, %c0_i32_0 : i32, i32
  }
  func.func @transform_4(%arg0: i32) -> (i32, i32) {
    %c0_i32 = arith.constant 0 : i32
    %c0_i32_0 = arith.constant 0 : i32
    %c0_i32_1 = arith.constant 0 : i32
    return %c0_i32, %c0_i32_0 : i32, i32
  }
  func.func @transform_5(%arg0: i32) -> (i32, i32) {
    %c0_i32 = arith.constant 0 : i32
    %c0_i32_0 = arith.constant 0 : i32
    %c0_i32_1 = arith.constant 0 : i32
    return %c0_i32, %c0_i32_0 : i32, i32
  }
  func.func @transform_6(%arg0: i32) -> (i32, i32) {
    %c0_i32 = arith.constant 0 : i32
    %c0_i32_0 = arith.constant 0 : i32
    return %arg0, %c0_i32 : i32, i32
  }
}

</mosaic_0001>

<sc_bundles>
// kernel: kernel.6.cloned.1.call-start
scs
__scs_entry_jumppad:
0x0: {  	(pc) =	sbr.rel $0x88, $3  }
0x1: {  	(tag) =	ssettag $0x0;
	lr =	simm.s32 $0x1  }
0x2: {  	[smem:$0x3F9D] =	sst lr;
	_ =	strace $0xD0000000  }
0x3: {  	_ = 	snop  }
0x4: {  	_ = 	snop  }
0x5: {  	_ = 	snop  }
0x6: {  	_ = 	snop  }
0x7: {  	_ = 	snop  }
__scs_overlays_trampoline_lowered:
0x8: {  	[smem:$0x3FAC] =	sst s0  }
0x9: {  	[smem:$0x3FAD] =	sst s1  }
0xa: {  	[smem:$0x3FAE] =	sst s2  }
0xb: {  	[smem:$0x3FAF] =	sst s3  }
0xc: {  	[smem:$0x3FB0] =	sst s4  }
0xd: {  	[smem:$0x3FB1] =	sst s5  }
0xe: {  	[smem:$0x3FB2] =	sst s6  }
0xf: {  	[smem:$0x3FB3] =	sst s7  }
0x10: {  	[smem:$0x3FB4] =	sst s8  }
0x11: {  	[smem:$0x3FB5] =	sst s9;
	s0 =	simm.s32 @!p0 $0x0  }
0x12: {  	s1 =	sld [smem:$0x3F9B];
	s0 =	simm.s32 @p0 $0x1  }
0x13: {  	[smem:$0x3FB6] =	sst s0;
	s0 =	simm.s32 @!p1 $0x0  }
0x14: {  	s2 =	sld [smem:$0x3F9A];
	s0 =	simm.s32 @p1 $0x1  }
0x15: {  	[smem:$0x3FB7] =	sst s0;
	s0 =	simm.s32 @!p2 $0x0  }
0x16: {  	s3 =	sld [smem:$0x3FDB];
	s0 =	simm.s32 @p2 $0x1  }
0x17: {  	s4 =	simm.s32 $0x1BF5;
	[smem:$0x3FB9] =	sst s0  }
0x18: {  	s0 =	sld [smem:$0x3F9C];
	_ =	swait.ge [sflag:s4], $0x0  }
0x19: {  	s7 =	sld [smem:$0x3F9D]  }
0x1a: {  	s8 =	sadd.s32 $0xFFFFE003, lr  }
0x1b: {  	s9 =	sadd.s32 $0xFFFFFEF7, lr;
	s5 =	simm.s32 $0xFFFFFFFF;
	p2 =	slt.u32 s8, $0xFFFFF086  }
0x1c: {  	p1 =	slt.u32 s9, $0xF7A;
	s5 =	simm.s32 @!p2 $0x0  }
0x1d: {  	s5 =	simm.s32 @p1 $0x1;
	p0 =	seq.s32 s7, s2  }
0x1e: {  	s7 =	smul.u32 @!p0 $0xF7A, s2;
	p2 =	seq.s32 @!p0 s5, $0x0  }
0x1f: {  	s9 =	smul.u32 $0xF7A, s1;
	s8 =	simm.s32 @!p0 $0x1BF5;
	p2 =	por !p2, p0  }
0x20: {  	[sflag:s8] =	ssyncset.s32 @!p0 $0xFFFFF086;
	s6 =	sadd.s32 @!p0 s3, s7;
	s7 =	simm.s32 @!p0 $0x108  }
0x21: {  	s3 =	sadd.s32 s3, s9;
	s6 =	sadd.s32 @!p0 $0x88, s6;
	s7 =	simm.s32 @p2 $0x1082  }
0x22: {  	[simem:s7], [sflag:s8] =	dma.local @!p0 [hbm:s6], $0xF7A  }
0x23: {  	s9 =	sor.u32 $0xD0000000, s2;
	s6 =	simm.s32 $0x108;
	_ =	swait.ge @!p0 [sflag:s8], $0x0  }
0x24: {  	s3 =	sadd.s32 $0x88, s3;
	s6 =	simm.s32 @!p1 $0x1082;
	[sflag:s4] =	ssyncset.s32 $0xFFFFF086  }
0x25: {  	[simem:s6], [sflag:s4] =	dma.local [hbm:s3], $0xF7A  }
0x26: {  	[smem:$0x3F9D] =	sst s1;
	(tag) =	ssettag s2;
	_ =	strace s9  }
0x27: {  	s1 =	sld [smem:$0x3FAD]  }
0x28: {  	s2 =	sld [smem:$0x3FAE]  }
0x29: {  	s4 =	sld [smem:$0x3FB0]  }
0x2a: {  	p0 =	seq.s32 s5, $0x0;
	s5 =	sld [smem:$0x3FB1]  }
0x2b: {  	s6 =	sld [smem:$0x3FB2]  }
0x2c: {  	s7 =	sld [smem:$0x3FB3]  }
0x2d: {  	s3 =	simm.s32 $0x108;
	s8 =	sld [smem:$0x3FB4]  }
0x2e: {  	s3 =	simm.s32 @!p0 $0x1082;
	s9 =	sld [smem:$0x3FB5]  }
0x2f: {  	lr =	sadd.s32 s0, s3;
	s0 =	sld [smem:$0x3FAC]  }
0x30: {  	s3 =	sld [smem:$0x3FAF]  }
0x31: {  	[smem:$0x3FB8] =	sst s10  }
0x32: {  	s10 =	sld [smem:$0x3FB6];
	_ =	sdelay $0x3  }
0x33: {  	p0 =	seq.s32 s10, $0x1;
	s10 =	sld [smem:$0x3FB8];
	_ =	sdelay $0x3  }
0x34: {  	[smem:$0x3FB8] =	sst s10  }
0x35: {  	s10 =	sld [smem:$0x3FB7];
	_ =	sdelay $0x3  }
0x36: {  	p1 =	seq.s32 s10, $0x1;
	s10 =	sld [smem:$0x3FB8];
	_ =	sdelay $0x3  }
0x37: {  	[smem:$0x3FB8] =	sst s10  }
0x38: {  	s10 =	sld [smem:$0x3FB9]  }
0x39: {  	_ = 	snop;
	(pc) =	sbr.ind lr, $3  }
0x3a: {  	_ = 	snop  }
0x3b: {  	_ = 	snop  }
0x3c: {  	p2 =	seq.s32 s10, $0x1;
	s10 =	sld [smem:$0x3FB8]  }
0x3d: {  	_ =	shalt  }
0x3e: {  	_ =	shalt  }
0x3f: {  	_ =	shalt  }
0x40: {  	_ =	shalt  }
0x41: {  	_ =	shalt  }
0x42: {  	_ =	shalt  }
0x43: {  	_ =	shalt  }
0x44: {  	_ =	shalt  }
0x45: {  	_ =	shalt  }
0x46: {  	_ =	shalt  }
0x47: {  	_ =	shalt  }
0x48: {  	_ =	shalt  }
0x49: {  	_ =	shalt  }
0x4a: {  	_ =	shalt  }
0x4b: {  	_ =	shalt  }
0x4c: {  	_ =	shalt  }
0x4d: {  	_ =	shalt  }
0x4e: {  	_ =	shalt  }
0x4f: {  	_ =	shalt  }
0x50: {  	_ =	shalt  }
0x51: {  	_ =	shalt  }
0x52: {  	_ =	shalt  }
0x53: {  	_ =	shalt  }
0x54: {  	_ =	shalt  }
0x55: {  	_ =	shalt  }
0x56: {  	_ =	shalt  }
0x57: {  	_ =	shalt  }
0x58: {  	_ =	shalt  }
0x59: {  	_ =	shalt  }
0x5a: {  	_ =	shalt  }
0x5b: {  	_ =	shalt  }
0x5c: {  	_ =	shalt  }
0x5d: {  	_ =	shalt  }
0x5e: {  	_ =	shalt  }
0x5f: {  	_ =	shalt  }
0x60: {  	_ =	shalt  }
0x61: {  	_ =	shalt  }
0x62: {  	_ =	shalt  }
0x63: {  	_ =	shalt  }
0x64: {  	_ =	shalt  }
0x65: {  	_ =	shalt  }
0x66: {  	_ =	shalt  }
0x67: {  	_ =	shalt  }
0x68: {  	_ =	shalt  }
0x69: {  	_ =	shalt  }
0x6a: {  	_ =	shalt  }
0x6b: {  	_ =	shalt  }
0x6c: {  	_ =	shalt  }
0x6d: {  	_ =	shalt  }
0x6e: {  	_ =	shalt  }
0x6f: {  	_ =	shalt  }
0x70: {  	_ =	shalt  }
0x71: {  	_ =	shalt  }
0x72: {  	_ =	shalt  }
0x73: {  	_ =	shalt  }
0x74: {  	_ =	shalt  }
0x75: {  	_ =	shalt  }
0x76: {  	_ =	shalt  }
0x77: {  	_ =	shalt  }
0x78: {  	_ =	shalt  }
0x79: {  	_ =	shalt  }
0x7a: {  	_ =	shalt  }
0x7b: {  	_ =	shalt  }
0x7c: {  	_ =	shalt  }
0x7d: {  	_ =	shalt  }
0x7e: {  	_ =	shalt  }
0x7f: {  	_ =	shalt  }
0x80: {  	_ =	shalt  }
0x81: {  	_ =	shalt  }
0x82: {  	_ =	shalt  }
0x83: {  	_ =	shalt  }
0x84: {  	_ =	shalt  }
0x85: {  	_ =	shalt  }
0x86: {  	_ =	shalt  }
0x87: {  	_ =	shalt  }
.Lfunc_end0:
.L_simem_size_0:
called_computation_lowered:
.L_overlay_start_0:
0x88: {  	s2 =	sld [smem:$0x3FD9]  }
0x89: {  	s3 =	sld [smem:$0x3FFE];
	_ =	sdelay $0x1  }
0x8a: {  	s1 =	srdreg.scid  }
0x8b: {  	s0 =	sand.u32 $0x1, s1  }
0x8c: {  	s17 =	sshll.u32 s0, $0xA;
	s2 =	sadd.s32 s3, s2  }
0x8d: {  	s2 =	sadd.s32 s2, s17  }
0x8e: {  	[smem:$0x3FC4] =	sst s2  }
0x8f: {  	_ = 	snop  }
0x90: {  	s2 =	sld [smem:$0x3FD0];
	(tm) =	ssettm $0x1  }
0x91: {  	s18 =	sld [smem:$0x3FFB];
	_ =	sdelay $0x3  }
0x92: {  	_ =	strace s18  }
0x93: {  	s3 =	sld [smem:$0x3FFC];
	_ =	sdelay $0x3  }
0x94: {  	_ =	strace s3  }
0x95: {  	s3 =	sld [smem:$0x3FFD];
	_ =	sdelay $0x3  }
0x96: {  	_ =	strace s3  }
0x97: {  	_ =	strace $0x8FFFFFFF  }
0x98: {  	s19 =	sld [smem:$0x3FDB];
	_ =	sdelay $0x1  }
0x99: {  	s4 =	simm.s32 $_scs_section_size  }
0x9a: {  	s5 =	simm.s32 $_size__tile_overlayer_lowered;
	s6 =	simm.s32 $_tile_overlayer_lowered  }
0x9b: {  	s22 =	simm.s32 $0x1BFF;
	s21 =	sshll.u32 s6, $0x1;
	s3 =	sadd.s32 s4, s19  }
0x9c: {  	s7 =	simm.s32 $0x0;
	s20 =	sshll.u32 s5, $0x1;
	s5 =	sadd.s32 s21, s3  }
0x9d: {  	[timem:s7], [sflag:s22] =	dma.local [hbm:s5], s20  }
0x9e: {  	_ =	swait.ge [sflag:s22], s20  }
0x9f: {  	s4 =	ssub.s32 $0x0, s20;
	[sflag:s22] =	ssyncset.done $0x0  }
0xa0: {  	[sflag:s22] =	ssyncadd.s32 s4;
	_ =	sdelay $0x1  }
0xa1: {  	s23 =	simm.s32 $0x1B8B  }
0xa2: {  	_ =	swait.ge [sflag:s23], $0x1  }
0xa3: {  	[sflag:s23] =	ssyncset.done $0x0  }
0xa4: {  	s25 =	simm.s32 $0x1B8E;
	s24 =	sld [smem:$0x3FFE];
	[sflag:s23] =	ssyncadd.s32 $0xFFFFFFFF  }
0xa5: {  	s26 =	simm.s32 $execute0_lowered;
	[smem:$0x3FD2] =	sst s25  }
0xa6: {  	s5 =	sshll.u32 s26, $0x1;
	_ =	strace $0x80000046;
	[dreg:$0x1] =	wrdreg $0xFFFFFFFF  }
0xa7: {  	s28 =	simm.s32 $_size_execute0_lowered;
	s3 =	sadd.s32 s3, s5;
	[dreg:$0x0] =	wrdreg $0x0  }
0xa8: {  	s5 =	sshll.u32 s28, $0x1;
	[dreg:$0x2] =	wrdreg s3  }
0xa9: {  	[dreg:$0x3] =	wrdreg s5  }
0xaa: {  	[dreg:$0x4] =	wrdreg $0xC0  }
0xab: {  	_ =	task [dreg:s7], $0x5FFFF  }
0xac: {  	[dreg:$0x1] =	wrdreg $0xFFFFFFFF  }
0xad: {  	[dreg:$0x0] =	wrdreg $0x60  }
0xae: {  	[dreg:$0x2] =	wrdreg s24  }
0xaf: {  	[dreg:$0x3] =	wrdreg s2  }
0xb0: {  	[dreg:$0x4] =	wrdreg $0x90000  }
0xb1: {  	[dreg:$0x5] =	wrdreg $0x9  }
0xb2: {  	_ =	task.clear_ibuf [dreg:s7], $0x6FFFF;
	_ =	strace $0x90000046  }
0xb3: {  	s29 =	simm.s32 $0x9;
	_ =	strace $0x80000048  }
0xb4: {  	_ =	swait.ge [sflag:s29], $0x1  }
0xb5: {  	[sflag:s29] =	ssyncadd.s32 $0xFFFFFFFF  }
0xb6: {  	_ =	strace $0x90000048  }
0xb7: {  	_ =	sfence  }
0xb8: {  	s30 =	sld [smem:$0x0];
	_ =	sdelay $0x2  }
0xb9: {  	s31 =	sshll.u32 s1, $0xD;
	s1 =	sshrl.u32 s1, $0x2  }
0xba: {  	s3 =	sand.u32 $0x4000, s31;
	s1 =	sadd.s32 s1, s30  }
0xbb: {  	s0 =	sor.u32 s3, s0;
	s1 =	sshll.u32 s1, $0x11  }
0xbc: {  	s0 =	sor.u32 s1, s0  }
0xbd: {  	s0 =	sadd.s32 $0x8F2B, s0  }
0xbe: {  	[sflag:s0] =	ssyncadd.remote.s32 $0x1  }
0xbf: {  	_ =	sfence.sel $0xFFFF  }
0xc0: {  	[dreg:$0x0] =	wrdreg $0xFFFFFFFF;
	(pc) =	sbr.abs _section_cstart, $3  }
0xc1: {  	[dreg:$0x1] =	wrdreg $0xFFFFFFFF  }
0xc2: {  	_ =	task.clear_ibuf [dreg:s7], $0x2FFFF;
	_ =	strace $0x9FFFFFFF  }
0xc3: {  	(tm) =	ssettm $0x7FFFFFFF  }
tec
execute0_lowered:
.L_overlay_start_1:
0x0: {  	(tag) =	ssettag $0x1  }
0x1: {  	s0 =	rddreg [dreg:$0x0]  }
0x2: {  	s6 =	rddreg [dreg:$0x1]  }
0x3: {  	s1 =	rddreg [dreg:$0x2];
	s2 =	simm.s32 $0x0  }
0x4: {  	s4 =	srdreg.scid;
	s17 =	simm.s32 $0x2;
	s18 =	simm.s32 $0x2000  }
0x5: {  	s19 =	simm.s32 $0x50;
	s20 =	simm.s32 $0x6800;
	s28 =	simm.s32 $0x2180  }
0x6: {  	s29 =	simm.s32 $0x1;
	[smem:$0x7FF] =	sst s2;
	s4 =	sand.u32 $0x1, s4  }
0x7: {  	s30 =	simm.s32 $0x0;
	s2 =	stileid.u32;
	s8 =	smul.u32 $0x138800, s4  }
0x8: {  	s5 =	sshll.u32 s4, $0xE;
	s7 =	sshll.u32 s2, $0xA;
	s22 =	smul.u32 $0x1F400, s2  }
0x9: {  	s4 =	ssub.s32 $0x2, s4;
	_ =	strace $0x80000047;
	s25 =	smul.u32 $0x7D000, s2  }
0xa: {  	s10 =	smul.u32 $0xA000, s2;
	s16 =	sor.u32 $0x70, s2;
	p1 =	sgt.u32 s2, $0x9  }
0xb: {  	s5 =	sor.u32 s7, s5;
	s23 =	sshrl.u32 s4, $0x1;
	s14 =	smul.u32 $0xA000, s16  }
0xc: {  	p0 =	sgt.u32 s16, $0x7D;
	s16 =	simm.s32 $0x4000;
	s0 =	sadd.s32 s5, s0  }
0xd: {  	s9 =	ssub.s32 s4, s23;
	s24 =	sadd.s32 s22, s8;
	s26 =	sshrl.u32 s25, $0x2  }
0xe: {  	s31 =	sshrl.u32 s10, $0x2;
	s22 =	simm.s32 $0x2080;
	s23 =	simm.s32 $0x100  }
0xf: {  	s4 =	sadd.s32 $0x8E00, s0;
	s8 =	sshrl.u32 s24, $0x3;
	s5 =	sadd.s32 $0xE00, s0  }
0x10: {  	s0 =	sadd.s32 s26, s1;
	s7 =	smax.u32 s9, $0x1;
	s15 =	sshrl.u32 s14, $0x2  }
0x11: {  	s24 =	simm.s32 $0x2100;
	s26 =	simm.s32 $0x180;
	s6 =	sadd.s32 s6, s8  }
0x12: {  	s8 =	sadd.s32 s31, s1;
	s15 =	sadd.s32 s15, s1;
	s25 =	sshrl.u32 @!p1 s0, $0x3  }
0x13: {  	v0 =	vimm.f32 $0.0e+00;
	vm0 =	vcmask $0x300;
	s9 =	sadd.s32 $0x28000, s8;
	s10 =	sadd.s32 $0x50000, s8;
	s11 =	sadd.s32 $0x78000, s8  }
0x14: {  	v1 =	vsel vm0, $0x3F800000, v0;
	s12 =	sadd.s32 $0xA0000, s8;
	s13 =	sadd.s32 $0xC8000, s8;
	s14 =	sadd.s32 $0xF0000, s8  }
.LBB2_1:
0x15: {  	s31 =	simm.s32 $0x40;
	s0 =	simm.s32 $0x0  }
.LBB2_2:
0x16: {  	p2 =	sne.s32 s31, $0x9FC0;
	[tilespmem:s0+$0x4000] =	vst v0;
	s3 =	smov.u32 s31;
	s31 =	sadd.s32 $0x40, s31  }
.Ltmp0:
0x17: {  	[tilespmem:s0+$0x6800] =	vst v0;
	(pc) =	sbr.rel @p2 .LBB2_2-.Ltmp0, $2  }
0x18: {  	_ =	sdelay $0x2  }
0x19: {  	s0 =	sshra.s32 s3, $0x2  }
0x1a: {  	[tilespmem:s0+$0x4000] =	vst v0  }
0x1b: {  	[tilespmem:s0+$0x6800] =	vst v0  }
0x1c: {  	[spmem:s8] =	stream.linear.scatter [tilespmem:s16], [sflag:$0x2], $0x2800, $0x38;
	[tilespmem:$0x1CB00] =	vst v63  }
0x1d: {  	_ =	swait.ge [sflag:s17], $0x2800  }
0x1e: {  	[sflag:s17] =	ssyncset.done $0x0  }
0x1f: {  	[sflag:s17] =	ssyncadd.s32 $0xFFFFD800  }
0x20: {  	[spmem:s9] =	stream.linear.scatter [tilespmem:s16], [sflag:$0x2], $0x2800, $0x38;
	[tilespmem:$0x1CB00] =	vst v63  }
0x21: {  	_ =	swait.ge [sflag:s17], $0x2800  }
0x22: {  	[sflag:s17] =	ssyncset.done $0x0  }
0x23: {  	[sflag:s17] =	ssyncadd.s32 $0xFFFFD800  }
0x24: {  	[spmem:s10] =	stream.linear.scatter [tilespmem:s16], [sflag:$0x2], $0x2800, $0x38;
	[tilespmem:$0x1CB00] =	vst v63  }
0x25: {  	_ =	swait.ge [sflag:s17], $0x2800  }
0x26: {  	[sflag:s17] =	ssyncset.done $0x0  }
0x27: {  	[sflag:s17] =	ssyncadd.s32 $0xFFFFD800  }
0x28: {  	[spmem:s11] =	stream.linear.scatter [tilespmem:s16], [sflag:$0x2], $0x2800, $0x38;
	[tilespmem:$0x1CB00] =	vst v63  }
0x29: {  	_ =	swait.ge [sflag:s17], $0x2800  }
0x2a: {  	[sflag:s17] =	ssyncset.done $0x0  }
0x2b: {  	[sflag:s17] =	ssyncadd.s32 $0xFFFFD800  }
0x2c: {  	[spmem:s12] =	stream.linear.scatter [tilespmem:s16], [sflag:$0x2], $0x2800, $0x38;
	[tilespmem:$0x1CB00] =	vst v63  }
0x2d: {  	_ =	swait.ge [sflag:s17], $0x2800  }
0x2e: {  	[sflag:s17] =	ssyncset.done $0x0  }
0x2f: {  	[sflag:s17] =	ssyncadd.s32 $0xFFFFD800  }
0x30: {  	[spmem:s13] =	stream.linear.scatter [tilespmem:s16], [sflag:$0x2], $0x2800, $0x38;
	[tilespmem:$0x1CB00] =	vst v63  }
0x31: {  	_ =	swait.ge [sflag:s17], $0x2800  }
0x32: {  	[sflag:s17] =	ssyncset.done $0x0  }
0x33: {  	[sflag:s17] =	ssyncadd.s32 $0xFFFFD800  }
0x34: {  	[spmem:s14] =	stream.linear.scatter [tilespmem:s16], [sflag:$0x2], $0x2800, $0x38;
	[tilespmem:$0x1CB00] =	vst v63  }
0x35: {  	_ =	swait.ge [sflag:s17], $0x2800  }
0x36: {  	[sflag:s17] =	ssyncset.done $0x0  }
0x37: {  	s0 =	simm.s32 @!p0 $0x4000;
	[sflag:s17] =	ssyncadd.s32 $0xFFFFD800  }
0x38: {  	[spmem:s15] =	stream.linear.scatter @!p0 [tilespmem:s0], [sflag:$0x2], $0x2800, $0x38;
	[tilespmem:$0x1CB00] =	vst v63  }
0x39: {  	s0 =	simm.s32 @!p0 $0x2  }
0x3a: {  	_ =	swait.ge @!p0 [sflag:s0], $0x2800  }
0x3b: {  	[sflag:s0] =	ssyncset.done @!p0 $0x0  }
0x3c: {  	s21 =	simm.s32 $0x0;
	[sflag:s0] =	ssyncadd.s32 @!p0 $0xFFFFD800  }
0x3d: {  	[tilespmem:s21], [sflag:$0x2] =	stream.linear.gather [hbm4b:s4+s21], $0x2000, $0x38;
	[tilespmem:$0x1CB00] =	vst v63  }
0x3e: {  	_ =	swait.ge [sflag:s17], $0x2000  }
0x3f: {  	[sflag:s17] =	ssyncset.done $0x0  }
0x40: {  	[sflag:s17] =	ssyncadd.s32 $0xFFFFE000  }
0x41: {  	[tilespmem:s18], [sflag:$0x2] =	stream.linear.gather [hbm4b:s5+s21], $0x2000, $0x38;
	[tilespmem:$0x1CB00] =	vst v63  }
0x42: {  	_ =	swait.ge [sflag:s17], $0x2000  }
0x43: {  	[sflag:s17] =	ssyncset.done $0x0  }
0x44: {  	s31 =	simm.s32 $0x200;
	s0 =	simm.s32 $0x0;
	[sflag:s17] =	ssyncadd.s32 $0xFFFFE000  }
.LBB2_4:
0x45: {  	p2 =	sne.s32 s31, $0x9E00;
	[tilespmem:s0+$0x4000] =	vst v1;
	s3 =	smov.u32 s31;
	s31 =	sadd.s32 $0x200, s31  }
.Ltmp1:
0x46: {  	[tilespmem:s0+$0x6810] =	vst v1;
	(pc) =	sbr.rel @p2 .LBB2_4-.Ltmp1, $2  }
0x47: {  	_ =	sdelay $0x2  }
0x48: {  	s0 =	sshra.s32 s3, $0x2  }
0x49: {  	[tilespmem:s0+$0x4000] =	vst v1  }
0x4a: {  	[tilespmem:s0+$0x6810] =	vst v1  }
0x4b: {  	s3 =	simm.s32 $0x0;
	[bflag:$0x0] =	sbarrier.arrive $0xFFFF  }
0x4c: {  	[spmem:s1] =	stream.indirect.scatter.add.f32 [tilespmem:s16], [sflag:$0x1], $0x80, s3, s19, $0xb8;
	[tilespmem:$0x1CB00] =	vst v63  }
0x4d: {  	_ = 	snop  }
0x4e: {  	[spmem:s1] =	stream.indirect.scatter.add.f32 [tilespmem:s20], [sflag:$0x1], $0x80, s18, s19, $0xb8;
	[tilespmem:$0x1CB00] =	vst v63  }
0x4f: {  	s21 =	simm.s32 $0x80  }
0x50: {  	[spmem:s1] =	stream.indirect.scatter.add.f32 [tilespmem:s16], [sflag:$0x1], $0x80, s21, s19, $0xb8;
	[tilespmem:$0x1CB00] =	vst v63  }
0x51: {  	_ = 	snop  }
0x52: {  	[spmem:s1] =	stream.indirect.scatter.add.f32 [tilespmem:s20], [sflag:$0x1], $0x80, s22, s19, $0xb8;
	[tilespmem:$0x1CB00] =	vst v63  }
0x53: {  	_ = 	snop  }
0x54: {  	[spmem:s1] =	stream.indirect.scatter.add.f32 [tilespmem:s16], [sflag:$0x1], $0x80, s23, s19, $0xb8;
	[tilespmem:$0x1CB00] =	vst v63  }
0x55: {  	_ = 	snop  }
0x56: {  	[spmem:s1] =	stream.indirect.scatter.add.f32 [tilespmem:s20], [sflag:$0x1], $0x80, s24, s19, $0xb8;
	[tilespmem:$0x1CB00] =	vst v63  }
0x57: {  	_ = 	snop  }
0x58: {  	[spmem:s1] =	stream.indirect.scatter.add.f32 [tilespmem:s16], [sflag:$0x1], $0x80, s26, s19, $0xb8;
	[tilespmem:$0x1CB00] =	vst v63  }
0x59: {  	_ = 	snop  }
0x5a: {  	[spmem:s1] =	stream.indirect.scatter.add.f32 [tilespmem:s20], [sflag:$0x1], $0x80, s28, s19, $0xb8;
	[tilespmem:$0x1CB00] =	vst v63  }
0x5b: {  	s3 =	simm.s32 $0x200  }
0x5c: {  	[spmem:s1] =	stream.indirect.scatter.add.f32 [tilespmem:s16], [sflag:$0x1], $0x80, s3, s19, $0xb8;
	[tilespmem:$0x1CB00] =	vst v63  }
0x5d: {  	s21 =	simm.s32 $0x2200  }
0x5e: {  	[spmem:s1] =	stream.indirect.scatter.add.f32 [tilespmem:s20], [sflag:$0x1], $0x80, s21, s19, $0xb8;
	[tilespmem:$0x1CB00] =	vst v63  }
0x5f: {  	_ =	swait.ge [sflag:s29], $0x2800  }
0x60: {  	[sflag:s29] =	ssyncset.done $0x0  }
0x61: {  	[sflag:s29] =	ssyncadd.s32 $0xFFFFD800  }
0x62: {  	_ =	swait.ge [sflag:s29], $0x2800  }
0x63: {  	s31 =	simm.s32 $0xA00;
	s0 =	simm.s32 $0xC00;
	[sflag:s29] =	ssyncset.done $0x0  }
.LBB2_6:
0x64: {  	s3 =	sshra.s32 s31, $0x2  }
0x65: {  	[sflag:s29] =	ssyncadd.s32 $0xFFFFD800;
	s31 =	smov.u32 s0;
	s21 =	sadd.s32 $0x200, s0  }
0x66: {  	[spmem:s1] =	stream.indirect.scatter.add.f32 [tilespmem:s16], [sflag:$0x1], $0x80, s3, s19, $0xb8;
	[tilespmem:$0x1CB00] =	vst v63  }
0x67: {  	p2 =	sne.s32 s0, $0x7E00;
	s0 =	sadd.s32 $0x2000, s3  }
0x68: {  	[spmem:s1] =	stream.indirect.scatter.add.f32 [tilespmem:s20], [sflag:$0x1], $0x80, s0, s19, $0xb8;
	[tilespmem:$0x1CB00] =	vst v63  }
.Ltmp2:
0x69: {  	_ =	swait.ge [sflag:s29], $0x2800;
	(pc) =	sbr.rel @p2 .LBB2_6-.Ltmp2, $4  }
0x6a: {  	[sflag:s29] =	ssyncset.done $0x0  }
0x6b: {  	[sflag:s29] =	ssyncadd.s32 $0xFFFFD800  }
0x6c: {  	_ =	swait.ge [sflag:s29], $0x2800  }
0x6d: {  	s0 =	smov.u32 s21;
	[sflag:s29] =	ssyncset.done $0x0  }
0x6e: {  	s0 =	sshra.s32 s31, $0x2;
	[sflag:s29] =	ssyncadd.s32 $0xFFFFD800  }
0x6f: {  	[spmem:s1] =	stream.indirect.scatter.add.f32 [tilespmem:s16], [sflag:$0x1], $0x80, s0, s19, $0xb8;
	[tilespmem:$0x1CB00] =	vst v63  }
0x70: {  	s0 =	sadd.s32 $0x2000, s0  }
0x71: {  	[spmem:s1] =	stream.indirect.scatter.add.f32 [tilespmem:s20], [sflag:$0x1], $0x80, s0, s19, $0xb8;
	[tilespmem:$0x1CB00] =	vst v63  }
0x72: {  	_ =	swait.ge [sflag:s29], $0x2800  }
0x73: {  	[sflag:s29] =	ssyncset.done $0x0  }
0x74: {  	[sflag:s29] =	ssyncadd.s32 $0xFFFFD800  }
0x75: {  	_ =	swait.ge [sflag:s29], $0x2800  }
0x76: {  	[sflag:s29] =	ssyncset.done $0x0  }
0x77: {  	[sflag:s29] =	ssyncadd.s32 $0xFFFFD800  }
0x78: {  	_ =	swait.ge [sflag:s29], $0x2800  }
0x79: {  	[sflag:s29] =	ssyncset.done $0x0  }
0x7a: {  	[sflag:s29] =	ssyncadd.s32 $0xFFFFD800  }
0x7b: {  	_ =	swait.ge [sflag:s29], $0x2800  }
0x7c: {  	[sflag:s29] =	ssyncset.done $0x0  }
0x7d: {  	[sflag:s29] =	ssyncadd.s32 $0xFFFFD800  }
0x7e: {  	_ =	swait.ge [sflag:s29], $0x2800  }
0x7f: {  	[sflag:s29] =	ssyncset.done $0x0  }
0x80: {  	[sflag:s29] =	ssyncadd.s32 $0xFFFFD800  }
0x81: {  	_ =	swait.ge [sflag:s29], $0x2800  }
0x82: {  	[sflag:s29] =	ssyncset.done $0x0  }
0x83: {  	[sflag:s29] =	ssyncadd.s32 $0xFFFFD800  }
0x84: {  	_ =	swait.ge [sflag:s29], $0x2800  }
0x85: {  	[sflag:s29] =	ssyncset.done $0x0  }
0x86: {  	[sflag:s29] =	ssyncadd.s32 $0xFFFFD800  }
0x87: {  	_ =	swait.ge [sflag:s29], $0x2800  }
0x88: {  	[sflag:s29] =	ssyncset.done $0x0  }
0x89: {  	[sflag:s29] =	ssyncadd.s32 $0xFFFFD800  }
0x8a: {  	_ =	swait.ge [sflag:s29], $0x2800  }
0x8b: {  	[sflag:s29] =	ssyncset.done $0x0  }
0x8c: {  	[sflag:s29] =	ssyncadd.s32 $0xFFFFD800  }
0x8d: {  	_ =	swait.ge [sflag:s29], $0x2800  }
0x8e: {  	[sflag:s29] =	ssyncset.done $0x0  }
0x8f: {  	s30 =	sadd.s32 $0x1, s30;
	s0 =	sshll.u32 @!p1 s2, $0x6;
	[sflag:s29] =	ssyncadd.s32 $0xFFFFD800  }
0x90: {  	p2 =	sne.s32 s30, s7;
	s0 =	sor.u32 @!p1 $0x1C02, s0;
	[bflag:$0x0] =	sbarrier.arrive $0xFFFF  }
0x91: {  	[hbm:s6], [sflag:s0] =	dma.local @!p1 [spmem:s25], $0x3E80  }
.Ltmp3:
0x92: {  	_ = 	snop;
	(pc) =	sbr.rel @p2 .LBB2_1-.Ltmp3, $4  }
0x93: {  	s0 =	simm.s32 @!p1 $0x2  }
0x94: {  	_ =	swait.ge @!p1 [sflag:s0], $0x3E80  }
0x95: {  	[sflag:s0] =	ssyncset.done @!p1 $0x0  }
0x96: {  	[sflag:s0] =	ssyncadd.s32 @!p1 $0xFFFFC180  }
0x97: {  	_ =	sfence.sel $0x180000  }
0x98: {  	[bflag:$0x0] =	sbarrier.arrive $0xFFFF  }
0x99: {  	_ =	strace $0x90000047  }
0x9a: {  	[bflag:$0x2] =	sbarrier.arrive $0xFFFF  }
0x9b: {  	p0 =	sne.s32 s2, $0x0;
	s0 =	rddreg [dreg:$0x3]  }
0x9c: {  	s0 =	sadd.s32 @!p0 $0x100000, s0  }
0x9d: {  	[sflag:s0] =	ssyncadd.tile.s32 @!p0 $0x1;
	_ =	shalt  }
.Lfunc_end2:
_tile_overlayer_lowered:
.L_overlay_start_2:
0x9e: {  	(tag) =	ssettag $0x2  }
0x9f: {  	s0 =	rddreg [dreg:$0x0];
	s2 =	stileid.u32  }
0xa0: {  	s1 =	rddreg [dreg:$0x1];
	p0 =	sne.s32 s2, $0x0  }
0xa1: {  	s3 =	rddreg [dreg:$0x2];
	[bflag:$0x3] =	sbarrier.arrive $0xFFFF;
	s2 =	simm.s32 @!p0 $0x1C02  }
0xa2: {  	[timem:s3], [sflag:s2] =	dma.local @!p0 [hbm:s0], s1  }
0xa3: {  	s0 =	simm.s32 @!p0 $0x2  }
0xa4: {  	_ =	swait.ge @!p0 [sflag:s0], s1  }
0xa5: {  	s1 =	ssub.s32 @!p0 $0x0, s1;
	[sflag:s0] =	ssyncset.done @!p0 $0x0  }
0xa6: {  	[sflag:s0] =	ssyncadd.s32 @!p0 s1  }
0xa7: {  	[bflag:$0x3] =	sbarrier.arrive $0xFFFF  }
0xa8: {  	_ =	shalt  }

// kernel: kernel.9.cloned.1.call-start
scs
__scs_entry_jumppad:
0x0: {  	(pc) =	sbr.rel $0x88, $3  }
0x1: {  	(tag) =	ssettag $0x0;
	lr =	simm.s32 $0x1  }
0x2: {  	[smem:$0x3F9D] =	sst lr;
	_ =	strace $0xD0000000  }
0x3: {  	_ = 	snop  }
0x4: {  	_ = 	snop  }
0x5: {  	_ = 	snop  }
0x6: {  	_ = 	snop  }
0x7: {  	_ = 	snop  }
__scs_overlays_trampoline_lowered:
0x8: {  	[smem:$0x3FAC] =	sst s0  }
0x9: {  	[smem:$0x3FAD] =	sst s1  }
0xa: {  	[smem:$0x3FAE] =	sst s2  }
0xb: {  	[smem:$0x3FAF] =	sst s3  }
0xc: {  	[smem:$0x3FB0] =	sst s4  }
0xd: {  	[smem:$0x3FB1] =	sst s5  }
0xe: {  	[smem:$0x3FB2] =	sst s6  }
0xf: {  	[smem:$0x3FB3] =	sst s7  }
0x10: {  	[smem:$0x3FB4] =	sst s8  }
0x11: {  	[smem:$0x3FB5] =	sst s9;
	s0 =	simm.s32 @!p0 $0x0  }
0x12: {  	s1 =	sld [smem:$0x3F9B];
	s0 =	simm.s32 @p0 $0x1  }
0x13: {  	[smem:$0x3FB6] =	sst s0;
	s0 =	simm.s32 @!p1 $0x0  }
0x14: {  	s2 =	sld [smem:$0x3F9A];
	s0 =	simm.s32 @p1 $0x1  }
0x15: {  	[smem:$0x3FB7] =	sst s0;
	s0 =	simm.s32 @!p2 $0x0  }
0x16: {  	s3 =	sld [smem:$0x3FDB];
	s0 =	simm.s32 @p2 $0x1  }
0x17: {  	s4 =	simm.s32 $0x1BF5;
	[smem:$0x3FB9] =	sst s0  }
0x18: {  	s0 =	sld [smem:$0x3F9C];
	_ =	swait.ge [sflag:s4], $0x0  }
0x19: {  	s7 =	sld [smem:$0x3F9D]  }
0x1a: {  	s8 =	sadd.s32 $0xFFFFE003, lr  }
0x1b: {  	s9 =	sadd.s32 $0xFFFFFEF7, lr;
	s5 =	simm.s32 $0xFFFFFFFF;
	p2 =	slt.u32 s8, $0xFFFFF086  }
0x1c: {  	p1 =	slt.u32 s9, $0xF7A;
	s5 =	simm.s32 @!p2 $0x0  }
0x1d: {  	s5 =	simm.s32 @p1 $0x1;
	p0 =	seq.s32 s7, s2  }
0x1e: {  	s7 =	smul.u32 @!p0 $0xF7A, s2;
	p2 =	seq.s32 @!p0 s5, $0x0  }
0x1f: {  	s9 =	smul.u32 $0xF7A, s1;
	s8 =	simm.s32 @!p0 $0x1BF5;
	p2 =	por !p2, p0  }
0x20: {  	[sflag:s8] =	ssyncset.s32 @!p0 $0xFFFFF086;
	s6 =	sadd.s32 @!p0 s3, s7;
	s7 =	simm.s32 @!p0 $0x108  }
0x21: {  	s3 =	sadd.s32 s3, s9;
	s6 =	sadd.s32 @!p0 $0x88, s6;
	s7 =	simm.s32 @p2 $0x1082  }
0x22: {  	[simem:s7], [sflag:s8] =	dma.local @!p0 [hbm:s6], $0xF7A  }
0x23: {  	s9 =	sor.u32 $0xD0000000, s2;
	s6 =	simm.s32 $0x108;
	_ =	swait.ge @!p0 [sflag:s8], $0x0  }
0x24: {  	s3 =	sadd.s32 $0x88, s3;
	s6 =	simm.s32 @!p1 $0x1082;
	[sflag:s4] =	ssyncset.s32 $0xFFFFF086  }
0x25: {  	[simem:s6], [sflag:s4] =	dma.local [hbm:s3], $0xF7A  }
0x26: {  	[smem:$0x3F9D] =	sst s1;
	(tag) =	ssettag s2;
	_ =	strace s9  }
0x27: {  	s1 =	sld [smem:$0x3FAD]  }
0x28: {  	s2 =	sld [smem:$0x3FAE]  }
0x29: {  	s4 =	sld [smem:$0x3FB0]  }
0x2a: {  	p0 =	seq.s32 s5, $0x0;
	s5 =	sld [smem:$0x3FB1]  }
0x2b: {  	s6 =	sld [smem:$0x3FB2]  }
0x2c: {  	s7 =	sld [smem:$0x3FB3]  }
0x2d: {  	s3 =	simm.s32 $0x108;
	s8 =	sld [smem:$0x3FB4]  }
0x2e: {  	s3 =	simm.s32 @!p0 $0x1082;
	s9 =	sld [smem:$0x3FB5]  }
0x2f: {  	lr =	sadd.s32 s0, s3;
	s0 =	sld [smem:$0x3FAC]  }
0x30: {  	s3 =	sld [smem:$0x3FAF]  }
0x31: {  	[smem:$0x3FB8] =	sst s10  }
0x32: {  	s10 =	sld [smem:$0x3FB6];
	_ =	sdelay $0x3  }
0x33: {  	p0 =	seq.s32 s10, $0x1;
	s10 =	sld [smem:$0x3FB8];
	_ =	sdelay $0x3  }
0x34: {  	[smem:$0x3FB8] =	sst s10  }
0x35: {  	s10 =	sld [smem:$0x3FB7];
	_ =	sdelay $0x3  }
0x36: {  	p1 =	seq.s32 s10, $0x1;
	s10 =	sld [smem:$0x3FB8];
	_ =	sdelay $0x3  }
0x37: {  	[smem:$0x3FB8] =	sst s10  }
0x38: {  	s10 =	sld [smem:$0x3FB9]  }
0x39: {  	_ = 	snop;
	(pc) =	sbr.ind lr, $3  }
0x3a: {  	_ = 	snop  }
0x3b: {  	_ = 	snop  }
0x3c: {  	p2 =	seq.s32 s10, $0x1;
	s10 =	sld [smem:$0x3FB8]  }
0x3d: {  	_ =	shalt  }
0x3e: {  	_ =	shalt  }
0x3f: {  	_ =	shalt  }
0x40: {  	_ =	shalt  }
0x41: {  	_ =	shalt  }
0x42: {  	_ =	shalt  }
0x43: {  	_ =	shalt  }
0x44: {  	_ =	shalt  }
0x45: {  	_ =	shalt  }
0x46: {  	_ =	shalt  }
0x47: {  	_ =	shalt  }
0x48: {  	_ =	shalt  }
0x49: {  	_ =	shalt  }
0x4a: {  	_ =	shalt  }
0x4b: {  	_ =	shalt  }
0x4c: {  	_ =	shalt  }
0x4d: {  	_ =	shalt  }
0x4e: {  	_ =	shalt  }
0x4f: {  	_ =	shalt  }
0x50: {  	_ =	shalt  }
0x51: {  	_ =	shalt  }
0x52: {  	_ =	shalt  }
0x53: {  	_ =	shalt  }
0x54: {  	_ =	shalt  }
0x55: {  	_ =	shalt  }
0x56: {  	_ =	shalt  }
0x57: {  	_ =	shalt  }
0x58: {  	_ =	shalt  }
0x59: {  	_ =	shalt  }
0x5a: {  	_ =	shalt  }
0x5b: {  	_ =	shalt  }
0x5c: {  	_ =	shalt  }
0x5d: {  	_ =	shalt  }
0x5e: {  	_ =	shalt  }
0x5f: {  	_ =	shalt  }
0x60: {  	_ =	shalt  }
0x61: {  	_ =	shalt  }
0x62: {  	_ =	shalt  }
0x63: {  	_ =	shalt  }
0x64: {  	_ =	shalt  }
0x65: {  	_ =	shalt  }
0x66: {  	_ =	shalt  }
0x67: {  	_ =	shalt  }
0x68: {  	_ =	shalt  }
0x69: {  	_ =	shalt  }
0x6a: {  	_ =	shalt  }
0x6b: {  	_ =	shalt  }
0x6c: {  	_ =	shalt  }
0x6d: {  	_ =	shalt  }
0x6e: {  	_ =	shalt  }
0x6f: {  	_ =	shalt  }
0x70: {  	_ =	shalt  }
0x71: {  	_ =	shalt  }
0x72: {  	_ =	shalt  }
0x73: {  	_ =	shalt  }
0x74: {  	_ =	shalt  }
0x75: {  	_ =	shalt  }
0x76: {  	_ =	shalt  }
0x77: {  	_ =	shalt  }
0x78: {  	_ =	shalt  }
0x79: {  	_ =	shalt  }
0x7a: {  	_ =	shalt  }
0x7b: {  	_ =	shalt  }
0x7c: {  	_ =	shalt  }
0x7d: {  	_ =	shalt  }
0x7e: {  	_ =	shalt  }
0x7f: {  	_ =	shalt  }
0x80: {  	_ =	shalt  }
0x81: {  	_ =	shalt  }
0x82: {  	_ =	shalt  }
0x83: {  	_ =	shalt  }
0x84: {  	_ =	shalt  }
0x85: {  	_ =	shalt  }
0x86: {  	_ =	shalt  }
0x87: {  	_ =	shalt  }
.Lfunc_end0:
.L_simem_size_0:
called_computation.1_lowered:
.L_overlay_start_0:
0x88: {  	s2 =	sld [smem:$0x3FD9]  }
0x89: {  	s3 =	sld [smem:$0x3FFE];
	_ =	sdelay $0x1  }
0x8a: {  	s1 =	srdreg.scid  }
0x8b: {  	s0 =	sand.u32 $0x1, s1  }
0x8c: {  	s17 =	sshll.u32 s0, $0xA;
	s2 =	sadd.s32 s3, s2  }
0x8d: {  	s2 =	sadd.s32 s2, s17  }
0x8e: {  	[smem:$0x3FC4] =	sst s2  }
0x8f: {  	_ = 	snop  }
0x90: {  	s2 =	sld [smem:$0x3FD0];
	(tm) =	ssettm $0x1  }
0x91: {  	s18 =	sld [smem:$0x3FFB];
	_ =	sdelay $0x3  }
0x92: {  	_ =	strace s18  }
0x93: {  	s3 =	sld [smem:$0x3FFC];
	_ =	sdelay $0x3  }
0x94: {  	_ =	strace s3  }
0x95: {  	s3 =	sld [smem:$0x3FFD];
	_ =	sdelay $0x3  }
0x96: {  	_ =	strace s3  }
0x97: {  	_ =	strace $0x8FFFFFFF  }
0x98: {  	s19 =	sld [smem:$0x3FDB];
	_ =	sdelay $0x1  }
0x99: {  	s4 =	simm.s32 $_scs_section_size  }
0x9a: {  	s5 =	simm.s32 $_size__tile_overlayer_lowered;
	s6 =	simm.s32 $_tile_overlayer_lowered  }
0x9b: {  	s22 =	simm.s32 $0x1BFF;
	s21 =	sshll.u32 s6, $0x1;
	s3 =	sadd.s32 s4, s19  }
0x9c: {  	s7 =	simm.s32 $0x0;
	s20 =	sshll.u32 s5, $0x1;
	s5 =	sadd.s32 s21, s3  }
0x9d: {  	[timem:s7], [sflag:s22] =	dma.local [hbm:s5], s20  }
0x9e: {  	_ =	swait.ge [sflag:s22], s20  }
0x9f: {  	s4 =	ssub.s32 $0x0, s20;
	[sflag:s22] =	ssyncset.done $0x0  }
0xa0: {  	[sflag:s22] =	ssyncadd.s32 s4;
	_ =	sdelay $0x1  }
0xa1: {  	s23 =	simm.s32 $0x1B8B  }
0xa2: {  	_ =	swait.ge [sflag:s23], $0x1  }
0xa3: {  	[sflag:s23] =	ssyncset.done $0x0  }
0xa4: {  	s25 =	simm.s32 $0x1B8E;
	s24 =	sld [smem:$0x3FFE];
	[sflag:s23] =	ssyncadd.s32 $0xFFFFFFFF  }
0xa5: {  	s26 =	simm.s32 $execute0_lowered;
	[smem:$0x3FD2] =	sst s25  }
0xa6: {  	s5 =	sshll.u32 s26, $0x1;
	_ =	strace $0x80000049;
	[dreg:$0x1] =	wrdreg $0xFFFFFFFF  }
0xa7: {  	s28 =	simm.s32 $_size_execute0_lowered;
	s3 =	sadd.s32 s3, s5;
	[dreg:$0x0] =	wrdreg $0x0  }
0xa8: {  	s5 =	sshll.u32 s28, $0x1;
	[dreg:$0x2] =	wrdreg s3  }
0xa9: {  	[dreg:$0x3] =	wrdreg s5  }
0xaa: {  	[dreg:$0x4] =	wrdreg $0xC0  }
0xab: {  	_ =	task [dreg:s7], $0x5FFFF  }
0xac: {  	[dreg:$0x1] =	wrdreg $0xFFFFFFFF  }
0xad: {  	[dreg:$0x0] =	wrdreg $0x60  }
0xae: {  	[dreg:$0x2] =	wrdreg s24  }
0xaf: {  	[dreg:$0x3] =	wrdreg s2  }
0xb0: {  	[dreg:$0x4] =	wrdreg $0xB8000  }
0xb1: {  	[dreg:$0x5] =	wrdreg $0x9  }
0xb2: {  	_ =	task.clear_ibuf [dreg:s7], $0x6FFFF;
	_ =	strace $0x90000049  }
0xb3: {  	s29 =	simm.s32 $0x9;
	_ =	strace $0x8000004B  }
0xb4: {  	_ =	swait.ge [sflag:s29], $0x1  }
0xb5: {  	[sflag:s29] =	ssyncadd.s32 $0xFFFFFFFF  }
0xb6: {  	_ =	strace $0x9000004B  }
0xb7: {  	_ =	sfence  }
0xb8: {  	s30 =	sld [smem:$0x0];
	_ =	sdelay $0x2  }
0xb9: {  	s31 =	sshll.u32 s1, $0xD;
	s1 =	sshrl.u32 s1, $0x2  }
0xba: {  	s3 =	sand.u32 $0x4000, s31;
	s1 =	sadd.s32 s1, s30  }
0xbb: {  	s0 =	sor.u32 s3, s0;
	s1 =	sshll.u32 s1, $0x11  }
0xbc: {  	s0 =	sor.u32 s1, s0  }
0xbd: {  	s0 =	sadd.s32 $0x8F2B, s0  }
0xbe: {  	[sflag:s0] =	ssyncadd.remote.s32 $0x1  }
0xbf: {  	_ =	sfence.sel $0xFFFF  }
0xc0: {  	[dreg:$0x0] =	wrdreg $0xFFFFFFFF;
	(pc) =	sbr.abs _section_cstart, $3  }
0xc1: {  	[dreg:$0x1] =	wrdreg $0xFFFFFFFF  }
0xc2: {  	_ =	task.clear_ibuf [dreg:s7], $0x2FFFF;
	_ =	strace $0x9FFFFFFF  }
0xc3: {  	(tm) =	ssettm $0x7FFFFFFF  }
tec
execute0_lowered:
.L_overlay_start_1:
0x0: {  	(tag) =	ssettag $0x1  }
0x1: {  	s0 =	rddreg [dreg:$0x0]  }
0x2: {  	s5 =	rddreg [dreg:$0x1]  }
0x3: {  	s1 =	rddreg [dreg:$0x2]  }
0x4: {  	s2 =	simm.s32 $0x0;
	s3 =	srdreg.scid;
	s12 =	stileid.u32  }
0x5: {  	s28 =	simm.s32 $0x1;
	s29 =	simm.s32 $0x100;
	s30 =	simm.s32 $0x9000  }
0x6: {  	s31 =	simm.s32 $0x2;
	[smem:$0x7FF] =	sst s2;
	s6 =	sand.u32 $0x1, s3  }
0x7: {  	s3 =	sadd.s32 $0x40000, s0;
	s4 =	sadd.s32 $0x18E00, s0;
	s10 =	smul.u32 $0x1F400, s12  }
0x8: {  	s8 =	sadd.s32 $0x10E00, s0;
	s0 =	sadd.s32 $0xE00, s0;
	s13 =	smul.u32 $0x7D000, s12  }
0x9: {  	s25 =	sshll.u32 s12, $0xB;
	s14 =	smul.u32 $0xA000, s12;
	s18 =	sor.u32 $0x70, s12  }
0xa: {  	p2 =	sgt.u32 s12, $0x9;
	s12 =	simm.s32 $0x6;
	_ =	strace $0x8000004A  }
0xb: {  	s7 =	ssub.s32 $0x2, s6;
	s24 =	smul.u32 $0x138800, s6;
	p0 =	seq.s32 s6, $0x1  }
0xc: {  	s11 =	sadd.s32 s8, s25;
	s26 =	sadd.s32 s0, s25;
	s6 =	sor.u32 $0x400, s25  }
0xd: {  	s21 =	smul.u32 $0xA000, s18;
	p1 =	sgt.u32 s18, $0x7D;
	[dreg:$0x4] =	wrdreg s11  }
0xe: {  	s9 =	sshrl.u32 s7, $0x1;
	[dreg:$0x5] =	wrdreg s26;
	s8 =	sadd.s32 s8, s6  }
0xf: {  	s0 =	sadd.s32 s0, s6;
	s16 =	sshrl.u32 s13, $0x2;
	s17 =	sshrl.u32 s14, $0x2  }
0x10: {  	s13 =	simm.s32 $0x3F80;
	s14 =	simm.s32 $0x0;
	[dreg:$0x6] =	wrdreg s8  }
0x11: {  	s7 =	ssub.s32 s7, s9;
	s9 =	sadd.s32 s10, s24;
	[dreg:$0x7] =	wrdreg s0  }
0x12: {  	s11 =	sadd.s32 s17, s1;
	s6 =	sshrl.u32 s21, $0x2;
	s19 =	smax.u32 s7, $0x1  }
0x13: {  	s21 =	simm.s32 $0x7;
	s20 =	sadd.s32 $0x28000, s11;
	[dreg:$0x9] =	wrdreg s19  }
0x14: {  	s8 =	simm.s32 $0x2100;
	s22 =	sadd.s32 $0x50000, s11;
	[dreg:$0xa] =	wrdreg s20  }
0x15: {  	s10 =	simm.s32 $0x200;
	s23 =	sadd.s32 $0x78000, s11;
	[dreg:$0xb] =	wrdreg s22  }
0x16: {  	s15 =	sshrl.u32 s9, $0x3;
	s24 =	sadd.s32 $0xA0000, s11;
	[dreg:$0xc] =	wrdreg s23  }
0x17: {  	s25 =	sadd.s32 $0xC8000, s11;
	s26 =	sadd.s32 $0xF0000, s11;
	[dreg:$0xd] =	wrdreg s24  }
0x18: {  	s7 =	simm.s32 $0x3;
	s9 =	simm.s32 $0x5;
	[dreg:$0xe] =	wrdreg s25  }
.Ltmp0:
0x19: {  	s0 =	sadd.s32 s5, s15;
	[dreg:$0xf] =	wrdreg s26;
	(pc) =	sbr.rel .LBB2_1-.Ltmp0, $4  }
0x1a: {  	s19 =	sadd.s32 s6, s1;
	s20 =	simm.s32 $0x4000;
	s22 =	simm.s32 $0x2000  }
0x1b: {  	s23 =	simm.s32 $0x50;
	s24 =	simm.s32 $0x80;
	s26 =	simm.s32 $0x6800  }
0x1c: {  	s5 =	simm.s32 $0x4;
	[dreg:$0x8] =	wrdreg s0;
	s0 =	sadd.s32 s16, s1  }
0x1d: {  	v0 =	vimm.f32 $0.0e+00;
	s6 =	simm.s32 $0x180;
	s25 =	sshrl.u32 @!p2 s0, $0x3;
	s0 =	simm.s32 $0x2080  }
.LBB2_16:
0x1e: {  	_ =	swait.ge [sflag:s28], $0x2800  }
0x1f: {  	[sflag:s28] =	ssyncset.done $0x0  }
0x20: {  	[sflag:s28] =	ssyncadd.s32 $0xFFFFD800  }
0x21: {  	[spmem:s1] =	stream.indirect.scatter.add.f32 [tilespmem:s20], [sflag:$0x4], $0x80, s13, s23, $0xb8;
	[tilespmem:$0x1F300] =	vst v63  }
0x22: {  	_ =	swait.ge [sflag:s5], $0x2800  }
0x23: {  	[sflag:s5] =	ssyncset.done $0x0  }
0x24: {  	[sflag:s5] =	ssyncadd.s32 $0xFFFFD800  }
0x25: {  	_ =	swait.ge [sflag:s9], $0x2800  }
0x26: {  	[sflag:s9] =	ssyncset.done $0x0  }
0x27: {  	[sflag:s9] =	ssyncadd.s32 $0xFFFFD800  }
0x28: {  	_ =	swait.ge [sflag:s12], $0x2800  }
0x29: {  	[sflag:s12] =	ssyncset.done $0x0  }
0x2a: {  	s15 =	stileid.u32;
	[sflag:s12] =	ssyncadd.s32 $0xFFFFD800  }
0x2b: {  	s15 =	sshll.u32 @!p2 s15, $0x6;
	[bflag:$0x0] =	sbarrier.arrive $0xFFFF  }
0x2c: {  	s15 =	sor.u32 @!p2 $0x1C07, s15;
	s16 =	rddreg [dreg:$0x8]  }
0x2d: {  	[hbm:s16], [sflag:s15] =	dma.local @!p2 [spmem:s25], $0x3E80  }
0x2e: {  	s15 =	simm.s32 @!p2 $0x7  }
0x2f: {  	_ =	swait.ge @!p2 [sflag:s15], $0x3E80  }
0x30: {  	s14 =	sadd.s32 $0x1, s14;
	s18 =	rddreg [dreg:$0x9]  }
0x31: {  	p3 =	sne.s32 s14, s18  }
.Ltmp1:
0x32: {  	_ = 	snop;
	(pc) =	sbr.rel @!p3 .LBB2_17-.Ltmp1, $3  }
0x33: {  	_ =	sdelay $0x1  }
0x34: {  	[sflag:s15] =	ssyncset.done @!p2 $0x0  }
0x35: {  	[sflag:s15] =	ssyncadd.s32 @!p2 $0xFFFFC180  }
.LBB2_1:
0x36: {  	s15 =	sand.u32 $0xFE00, s2  }
0x37: {  	s16 =	sand.u32 $0x70, s2;
	s17 =	sshrl.u32 s15, $0x2  }
0x38: {  	s15 =	simm.s32 $0x40;
	s17 =	sor.u32 s16, s17;
	s16 =	simm.s32 $0x0  }
.LBB2_2:
0x39: {  	p3 =	sne.s32 s15, $0x9FC0  }
0x3a: {  	[tilespmem:s17+$0x4000] =	vst v0;
	s16 =	sadd.s32 $0x10, s16;
	s17 =	smov.u32 s15;
	s15 =	sadd.s32 $0x40, s15  }
.Ltmp2:
0x3b: {  	(pc) =	sbr.rel @p3 .LBB2_2-.Ltmp2, $4  }
0x3c: {  	_ = 	snop  }
0x3d: {  	s17 =	sand.u32 $0xFE00, s17  }
0x3e: {  	s18 =	sand.u32 $0x70, s16;
	s17 =	sshrl.u32 s17, $0x2  }
0x3f: {  	s17 =	sor.u32 s18, s17  }
0x40: {  	[tilespmem:s17+$0x4000] =	vst v0  }
0x41: {  	[spmem:s11] =	stream.linear.scatter [tilespmem:s20], [sflag:$0x7], $0x2800, $0x38;
	[tilespmem:$0x1F300] =	vst v63  }
0x42: {  	_ =	swait.ge [sflag:s21], $0x2800  }
0x43: {  	[sflag:s21] =	ssyncset.done $0x0  }
0x44: {  	s15 =	rddreg [dreg:$0xa];
	[sflag:s21] =	ssyncadd.s32 $0xFFFFD800  }
0x45: {  	[spmem:s15] =	stream.linear.scatter [tilespmem:s20], [sflag:$0x7], $0x2800, $0x38;
	[tilespmem:$0x1F300] =	vst v63  }
0x46: {  	_ =	swait.ge [sflag:s21], $0x2800  }
0x47: {  	[sflag:s21] =	ssyncset.done $0x0  }
0x48: {  	s18 =	rddreg [dreg:$0xb];
	[sflag:s21] =	ssyncadd.s32 $0xFFFFD800  }
0x49: {  	[spmem:s18] =	stream.linear.scatter [tilespmem:s20], [sflag:$0x7], $0x2800, $0x38;
	[tilespmem:$0x1F300] =	vst v63  }
0x4a: {  	_ =	swait.ge [sflag:s21], $0x2800  }
0x4b: {  	[sflag:s21] =	ssyncset.done $0x0  }
0x4c: {  	s16 =	rddreg [dreg:$0xc];
	[sflag:s21] =	ssyncadd.s32 $0xFFFFD800  }
0x4d: {  	[spmem:s16] =	stream.linear.scatter [tilespmem:s20], [sflag:$0x7], $0x2800, $0x38;
	[tilespmem:$0x1F300] =	vst v63  }
0x4e: {  	_ =	swait.ge [sflag:s21], $0x2800  }
0x4f: {  	[sflag:s21] =	ssyncset.done $0x0  }
0x50: {  	s17 =	rddreg [dreg:$0xd];
	[sflag:s21] =	ssyncadd.s32 $0xFFFFD800  }
0x51: {  	[spmem:s17] =	stream.linear.scatter [tilespmem:s20], [sflag:$0x7], $0x2800, $0x38;
	[tilespmem:$0x1F300] =	vst v63  }
0x52: {  	_ =	swait.ge [sflag:s21], $0x2800  }
0x53: {  	[sflag:s21] =	ssyncset.done $0x0  }
0x54: {  	s18 =	rddreg [dreg:$0xe];
	[sflag:s21] =	ssyncadd.s32 $0xFFFFD800  }
0x55: {  	[spmem:s18] =	stream.linear.scatter [tilespmem:s20], [sflag:$0x7], $0x2800, $0x38;
	[tilespmem:$0x1F300] =	vst v63  }
0x56: {  	_ =	swait.ge [sflag:s21], $0x2800  }
0x57: {  	[sflag:s21] =	ssyncset.done $0x0  }
0x58: {  	s16 =	rddreg [dreg:$0xf];
	[sflag:s21] =	ssyncadd.s32 $0xFFFFD800  }
0x59: {  	[spmem:s16] =	stream.linear.scatter [tilespmem:s20], [sflag:$0x7], $0x2800, $0x38;
	[tilespmem:$0x1F300] =	vst v63  }
0x5a: {  	_ =	swait.ge [sflag:s21], $0x2800  }
0x5b: {  	[sflag:s21] =	ssyncset.done $0x0  }
0x5c: {  	s15 =	simm.s32 @!p1 $0x4000;
	[sflag:s21] =	ssyncadd.s32 $0xFFFFD800  }
0x5d: {  	[spmem:s19] =	stream.linear.scatter @!p1 [tilespmem:s15], [sflag:$0x7], $0x2800, $0x38;
	[tilespmem:$0x1F300] =	vst v63  }
0x5e: {  	s15 =	simm.s32 @!p1 $0x7  }
0x5f: {  	_ =	swait.ge @!p1 [sflag:s15], $0x2800  }
0x60: {  	[sflag:s15] =	ssyncset.done @!p1 $0x0  }
0x61: {  	[sflag:s15] =	ssyncadd.s32 @!p1 $0xFFFFD800  }
0x62: {  	[bflag:$0x0] =	sbarrier.arrive $0xFFFF  }
0x63: {  	s17 =	rddreg [dreg:$0x4]  }
0x64: {  	[tilespmem:s2], [sflag:$0x7] =	stream.linear.gather [hbm4b:s17+s2], $0x2000, $0x38;
	[tilespmem:$0x1F300] =	vst v63  }
0x65: {  	_ =	swait.ge [sflag:s21], $0x2000  }
0x66: {  	[sflag:s21] =	ssyncset.done $0x0  }
.Ltmp3:
0x67: {  	s18 =	rddreg [dreg:$0x5];
	[sflag:s21] =	ssyncadd.s32 $0xFFFFE000;
	(pc) =	sbr.rel @!p0 .LBB2_4-.Ltmp3, $4  }
0x68: {  	[tilespmem:s22], [sflag:$0x7] =	stream.linear.gather [hbm4b:s18+s2], $0x2000, $0x38;
	[tilespmem:$0x1F300] =	vst v63  }
0x69: {  	_ =	swait.ge [sflag:s21], $0x2000  }
0x6a: {  	[sflag:s21] =	ssyncset.done $0x0  }
0x6b: {  	s15 =	simm.s32 $0x0;
	[sflag:s21] =	ssyncadd.s32 $0xFFFFE000  }
0x6c: {  	[tilespmem:s20], [sflag:$0x1] =	stream.indirect.gather [hbm4b:s4+s23], $0x80, s15, s23, $0xb8;
	[tilespmem:$0x1F300] =	vst v63  }
0x6d: {  	_ = 	snop  }
0x6e: {  	[tilespmem:s26], [sflag:$0x2] =	stream.indirect.gather [hbm4b:s4+s23], $0x80, s24, s23, $0xb8;
	[tilespmem:$0x1F300] =	vst v63  }
0x6f: {  	_ =	swait.ge [sflag:s28], $0x2800  }
0x70: {  	[sflag:s28] =	ssyncset.done $0x0  }
0x71: {  	[sflag:s28] =	ssyncadd.s32 $0xFFFFD800  }
0x72: {  	[spmem:s1] =	stream.indirect.scatter.add.f32 [tilespmem:s20], [sflag:$0x4], $0x80, s22, s23, $0xb8;
	[tilespmem:$0x1F300] =	vst v63  }
0x73: {  	_ = 	snop  }
0x74: {  	[tilespmem:s30], [sflag:$0x3] =	stream.indirect.gather [hbm4b:s4+s23], $0x80, s29, s23, $0xb8;
	[tilespmem:$0x1F300] =	vst v63  }
0x75: {  	_ =	swait.ge [sflag:s31], $0x2800  }
0x76: {  	[sflag:s31] =	ssyncset.done $0x0  }
0x77: {  	[sflag:s31] =	ssyncadd.s32 $0xFFFFD800  }
0x78: {  	[spmem:s1] =	stream.indirect.scatter.add.f32 [tilespmem:s26], [sflag:$0x5], $0x80, s0, s23, $0xb8;
	[tilespmem:$0x1F300] =	vst v63  }
0x79: {  	_ =	swait.ge [sflag:s5], $0x2800  }
0x7a: {  	[sflag:s5] =	ssyncset.done $0x0  }
0x7b: {  	[sflag:s5] =	ssyncadd.s32 $0xFFFFD800  }
0x7c: {  	[tilespmem:s20], [sflag:$0x1] =	stream.indirect.gather [hbm4b:s4+s23], $0x80, s6, s23, $0xb8;
	[tilespmem:$0x1F300] =	vst v63  }
0x7d: {  	_ =	swait.ge [sflag:s7], $0x2800  }
0x7e: {  	[sflag:s7] =	ssyncset.done $0x0  }
0x7f: {  	[sflag:s7] =	ssyncadd.s32 $0xFFFFD800  }
0x80: {  	[spmem:s1] =	stream.indirect.scatter.add.f32 [tilespmem:s30], [sflag:$0x6], $0x80, s8, s23, $0xb8;
	[tilespmem:$0x1F300] =	vst v63  }
0x81: {  	_ =	swait.ge [sflag:s9], $0x2800  }
0x82: {  	[sflag:s9] =	ssyncset.done $0x0  }
0x83: {  	[sflag:s9] =	ssyncadd.s32 $0xFFFFD800  }
0x84: {  	[tilespmem:s26], [sflag:$0x2] =	stream.indirect.gather [hbm4b:s4+s23], $0x80, s10, s23, $0xb8;
	[tilespmem:$0x1F300] =	vst v63  }
.LBB2_11:
0x85: {  	_ =	swait.ge [sflag:s28], $0x2800  }
0x86: {  	s16 =	sshra.s32 s15, $0x2;
	[sflag:s28] =	ssyncset.done $0x0  }
0x87: {  	s17 =	sadd.s32 $0x2180, s16;
	[sflag:s28] =	ssyncadd.s32 $0xFFFFD800  }
0x88: {  	[spmem:s1] =	stream.indirect.scatter.add.f32 [tilespmem:s20], [sflag:$0x4], $0x80, s17, s23, $0xb8;
	[tilespmem:$0x1F300] =	vst v63  }
0x89: {  	_ =	swait.ge [sflag:s12], $0x2800  }
0x8a: {  	[sflag:s12] =	ssyncset.done $0x0  }
0x8b: {  	s18 =	sadd.s32 $0x280, s16;
	[sflag:s12] =	ssyncadd.s32 $0xFFFFD800  }
0x8c: {  	[tilespmem:s30], [sflag:$0x3] =	stream.indirect.gather [hbm4b:s4+s23], $0x80, s18, s23, $0xb8;
	[tilespmem:$0x1F300] =	vst v63  }
0x8d: {  	_ =	swait.ge [sflag:s31], $0x2800  }
0x8e: {  	[sflag:s31] =	ssyncset.done $0x0  }
0x8f: {  	s18 =	sadd.s32 $0x2200, s16;
	[sflag:s31] =	ssyncadd.s32 $0xFFFFD800  }
0x90: {  	[spmem:s1] =	stream.indirect.scatter.add.f32 [tilespmem:s26], [sflag:$0x5], $0x80, s18, s23, $0xb8;
	[tilespmem:$0x1F300] =	vst v63  }
0x91: {  	_ =	swait.ge [sflag:s5], $0x2800  }
0x92: {  	[sflag:s5] =	ssyncset.done $0x0  }
0x93: {  	p3 =	seq.s32 s15, $0x7200;
	s18 =	sadd.s32 $0x300, s16;
	[sflag:s5] =	ssyncadd.s32 $0xFFFFD800  }
0x94: {  	[tilespmem:s20], [sflag:$0x1] =	stream.indirect.gather [hbm4b:s4+s23], $0x80, s18, s23, $0xb8;
	[tilespmem:$0x1F300] =	vst v63  }
.Ltmp4:
0x95: {  	_ = 	snop;
	(pc) =	sbr.rel @p3 .LBB2_13-.Ltmp4, $4  }
0x96: {  	_ =	swait.ge [sflag:s7], $0x2800  }
0x97: {  	[sflag:s7] =	ssyncset.done $0x0  }
0x98: {  	s18 =	sadd.s32 $0x2280, s16;
	[sflag:s7] =	ssyncadd.s32 $0xFFFFD800  }
0x99: {  	[spmem:s1] =	stream.indirect.scatter.add.f32 [tilespmem:s30], [sflag:$0x6], $0x80, s18, s23, $0xb8;
	[tilespmem:$0x1F300] =	vst v63  }
.Ltmp5:
0x9a: {  	(pc) =	sbr.rel .LBB2_11-.Ltmp5, $4  }
0x9b: {  	_ =	swait.ge [sflag:s9], $0x2800  }
0x9c: {  	[sflag:s9] =	ssyncset.done $0x0  }
0x9d: {  	s16 =	sadd.s32 $0x380, s16;
	s15 =	sadd.s32 $0x600, s15;
	[sflag:s9] =	ssyncadd.s32 $0xFFFFD800  }
0x9e: {  	[tilespmem:s26], [sflag:$0x2] =	stream.indirect.gather [hbm4b:s4+s23], $0x80, s16, s23, $0xb8;
	[tilespmem:$0x1F300] =	vst v63  }
.LBB2_4:
0x9f: {  	[tilespmem:s20], [sflag:$0x1] =	stream.indirect.gather [hbm4b:s3+s23], $0x80, s15, s23, $0xb8;
	[tilespmem:$0x1F300] =	vst v63  }
0xa0: {  	_ = 	snop  }
0xa1: {  	[tilespmem:s26], [sflag:$0x2] =	stream.indirect.gather [hbm4b:s3+s23], $0x80, s24, s23, $0xb8;
	[tilespmem:$0x1F300] =	vst v63  }
0xa2: {  	_ =	swait.ge [sflag:s28], $0x2800  }
0xa3: {  	[sflag:s28] =	ssyncset.done $0x0  }
0xa4: {  	[sflag:s28] =	ssyncadd.s32 $0xFFFFD800  }
0xa5: {  	[spmem:s1] =	stream.indirect.scatter.add.f32 [tilespmem:s20], [sflag:$0x4], $0x80, s22, s23, $0xb8;
	[tilespmem:$0x1F300] =	vst v63  }
0xa6: {  	_ = 	snop  }
0xa7: {  	[tilespmem:s30], [sflag:$0x3] =	stream.indirect.gather [hbm4b:s3+s23], $0x80, s29, s23, $0xb8;
	[tilespmem:$0x1F300] =	vst v63  }
0xa8: {  	_ =	swait.ge [sflag:s31], $0x2800  }
0xa9: {  	[sflag:s31] =	ssyncset.done $0x0  }
0xaa: {  	[sflag:s31] =	ssyncadd.s32 $0xFFFFD800  }
0xab: {  	[spmem:s1] =	stream.indirect.scatter.add.f32 [tilespmem:s26], [sflag:$0x5], $0x80, s0, s23, $0xb8;
	[tilespmem:$0x1F300] =	vst v63  }
0xac: {  	_ =	swait.ge [sflag:s5], $0x2800  }
0xad: {  	[sflag:s5] =	ssyncset.done $0x0  }
0xae: {  	[sflag:s5] =	ssyncadd.s32 $0xFFFFD800  }
0xaf: {  	[tilespmem:s20], [sflag:$0x1] =	stream.indirect.gather [hbm4b:s3+s23], $0x80, s6, s23, $0xb8;
	[tilespmem:$0x1F300] =	vst v63  }
0xb0: {  	_ =	swait.ge [sflag:s7], $0x2800  }
0xb1: {  	[sflag:s7] =	ssyncset.done $0x0  }
0xb2: {  	[sflag:s7] =	ssyncadd.s32 $0xFFFFD800  }
0xb3: {  	[spmem:s1] =	stream.indirect.scatter.add.f32 [tilespmem:s30], [sflag:$0x6], $0x80, s8, s23, $0xb8;
	[tilespmem:$0x1F300] =	vst v63  }
0xb4: {  	_ =	swait.ge [sflag:s9], $0x2800  }
0xb5: {  	[sflag:s9] =	ssyncset.done $0x0  }
0xb6: {  	[sflag:s9] =	ssyncadd.s32 $0xFFFFD800  }
0xb7: {  	[tilespmem:s26], [sflag:$0x2] =	stream.indirect.gather [hbm4b:s3+s23], $0x80, s10, s23, $0xb8;
	[tilespmem:$0x1F300] =	vst v63  }
.LBB2_5:
0xb8: {  	_ =	swait.ge [sflag:s28], $0x2800  }
0xb9: {  	s16 =	sshra.s32 s15, $0x2;
	[sflag:s28] =	ssyncset.done $0x0  }
0xba: {  	s17 =	sadd.s32 $0x2180, s16;
	[sflag:s28] =	ssyncadd.s32 $0xFFFFD800  }
0xbb: {  	[spmem:s1] =	stream.indirect.scatter.add.f32 [tilespmem:s20], [sflag:$0x4], $0x80, s17, s23, $0xb8;
	[tilespmem:$0x1F300] =	vst v63  }
0xbc: {  	_ =	swait.ge [sflag:s12], $0x2800  }
0xbd: {  	[sflag:s12] =	ssyncset.done $0x0  }
0xbe: {  	s18 =	sadd.s32 $0x280, s16;
	[sflag:s12] =	ssyncadd.s32 $0xFFFFD800  }
0xbf: {  	[tilespmem:s30], [sflag:$0x3] =	stream.indirect.gather [hbm4b:s3+s23], $0x80, s18, s23, $0xb8;
	[tilespmem:$0x1F300] =	vst v63  }
0xc0: {  	_ =	swait.ge [sflag:s31], $0x2800  }
0xc1: {  	[sflag:s31] =	ssyncset.done $0x0  }
0xc2: {  	s18 =	sadd.s32 $0x2200, s16;
	[sflag:s31] =	ssyncadd.s32 $0xFFFFD800  }
0xc3: {  	[spmem:s1] =	stream.indirect.scatter.add.f32 [tilespmem:s26], [sflag:$0x5], $0x80, s18, s23, $0xb8;
	[tilespmem:$0x1F300] =	vst v63  }
0xc4: {  	_ =	swait.ge [sflag:s5], $0x2800  }
0xc5: {  	[sflag:s5] =	ssyncset.done $0x0  }
0xc6: {  	p3 =	seq.s32 s15, $0x7200;
	s18 =	sadd.s32 $0x300, s16;
	[sflag:s5] =	ssyncadd.s32 $0xFFFFD800  }
0xc7: {  	[tilespmem:s20], [sflag:$0x1] =	stream.indirect.gather [hbm4b:s3+s23], $0x80, s18, s23, $0xb8;
	[tilespmem:$0x1F300] =	vst v63  }
.Ltmp6:
0xc8: {  	_ = 	snop;
	(pc) =	sbr.rel @p3 .LBB2_7-.Ltmp6, $4  }
0xc9: {  	_ =	swait.ge [sflag:s7], $0x2800  }
0xca: {  	[sflag:s7] =	ssyncset.done $0x0  }
0xcb: {  	s18 =	sadd.s32 $0x2280, s16;
	[sflag:s7] =	ssyncadd.s32 $0xFFFFD800  }
0xcc: {  	[spmem:s1] =	stream.indirect.scatter.add.f32 [tilespmem:s30], [sflag:$0x6], $0x80, s18, s23, $0xb8;
	[tilespmem:$0x1F300] =	vst v63  }
.Ltmp7:
0xcd: {  	(pc) =	sbr.rel .LBB2_5-.Ltmp7, $4  }
0xce: {  	_ =	swait.ge [sflag:s9], $0x2800  }
0xcf: {  	[sflag:s9] =	ssyncset.done $0x0  }
0xd0: {  	s16 =	sadd.s32 $0x380, s16;
	s15 =	sadd.s32 $0x600, s15;
	[sflag:s9] =	ssyncadd.s32 $0xFFFFD800  }
0xd1: {  	[tilespmem:s26], [sflag:$0x2] =	stream.indirect.gather [hbm4b:s3+s23], $0x80, s16, s23, $0xb8;
	[tilespmem:$0x1F300] =	vst v63  }
.LBB2_13:
0xd2: {  	_ =	swait.ge [sflag:s28], $0x2800  }
0xd3: {  	[sflag:s28] =	ssyncset.done $0x0  }
0xd4: {  	[sflag:s28] =	ssyncadd.s32 $0xFFFFD800  }
0xd5: {  	[spmem:s1] =	stream.indirect.scatter.add.f32 [tilespmem:s20], [sflag:$0x4], $0x80, s13, s23, $0xb8;
	[tilespmem:$0x1F300] =	vst v63  }
0xd6: {  	_ =	swait.ge [sflag:s5], $0x2800  }
0xd7: {  	[sflag:s5] =	ssyncset.done $0x0  }
0xd8: {  	[sflag:s5] =	ssyncadd.s32 $0xFFFFD800  }
0xd9: {  	_ =	swait.ge [sflag:s9], $0x2800  }
0xda: {  	[sflag:s9] =	ssyncset.done $0x0  }
0xdb: {  	[sflag:s9] =	ssyncadd.s32 $0xFFFFD800  }
0xdc: {  	_ =	swait.ge [sflag:s12], $0x2800  }
0xdd: {  	[sflag:s12] =	ssyncset.done $0x0  }
0xde: {  	s15 =	simm.s32 $0x0;
	s16 =	rddreg [dreg:$0x6];
	[sflag:s12] =	ssyncadd.s32 $0xFFFFD800  }
0xdf: {  	[tilespmem:s15], [sflag:$0x7] =	stream.linear.gather [hbm4b:s16+s15], $0x2000, $0x38;
	[tilespmem:$0x1F300] =	vst v63  }
0xe0: {  	_ =	swait.ge [sflag:s21], $0x2000  }
0xe1: {  	[sflag:s21] =	ssyncset.done $0x0  }
0xe2: {  	s18 =	rddreg [dreg:$0x7];
	[sflag:s21] =	ssyncadd.s32 $0xFFFFE000  }
0xe3: {  	[tilespmem:s22], [sflag:$0x7] =	stream.linear.gather [hbm4b:s18+s15], $0x2000, $0x38;
	[tilespmem:$0x1F300] =	vst v63  }
0xe4: {  	_ =	swait.ge [sflag:s21], $0x2000  }
0xe5: {  	[sflag:s21] =	ssyncset.done $0x0  }
0xe6: {  	[sflag:s21] =	ssyncadd.s32 $0xFFFFE000  }
0xe7: {  	[tilespmem:s20], [sflag:$0x1] =	stream.indirect.gather [hbm4b:s4+s23], $0x80, s15, s23, $0xb8;
	[tilespmem:$0x1F300] =	vst v63  }
0xe8: {  	_ = 	snop  }
0xe9: {  	[tilespmem:s26], [sflag:$0x2] =	stream.indirect.gather [hbm4b:s4+s23], $0x80, s24, s23, $0xb8;
	[tilespmem:$0x1F300] =	vst v63  }
0xea: {  	_ =	swait.ge [sflag:s28], $0x2800  }
0xeb: {  	[sflag:s28] =	ssyncset.done $0x0  }
0xec: {  	[sflag:s28] =	ssyncadd.s32 $0xFFFFD800  }
0xed: {  	[spmem:s1] =	stream.indirect.scatter.add.f32 [tilespmem:s20], [sflag:$0x4], $0x80, s22, s23, $0xb8;
	[tilespmem:$0x1F300] =	vst v63  }
0xee: {  	_ = 	snop  }
0xef: {  	[tilespmem:s30], [sflag:$0x3] =	stream.indirect.gather [hbm4b:s4+s23], $0x80, s29, s23, $0xb8;
	[tilespmem:$0x1F300] =	vst v63  }
0xf0: {  	_ =	swait.ge [sflag:s31], $0x2800  }
0xf1: {  	[sflag:s31] =	ssyncset.done $0x0  }
0xf2: {  	[sflag:s31] =	ssyncadd.s32 $0xFFFFD800  }
0xf3: {  	[spmem:s1] =	stream.indirect.scatter.add.f32 [tilespmem:s26], [sflag:$0x5], $0x80, s0, s23, $0xb8;
	[tilespmem:$0x1F300] =	vst v63  }
0xf4: {  	_ =	swait.ge [sflag:s5], $0x2800  }
0xf5: {  	[sflag:s5] =	ssyncset.done $0x0  }
0xf6: {  	[sflag:s5] =	ssyncadd.s32 $0xFFFFD800  }
0xf7: {  	[tilespmem:s20], [sflag:$0x1] =	stream.indirect.gather [hbm4b:s4+s23], $0x80, s6, s23, $0xb8;
	[tilespmem:$0x1F300] =	vst v63  }
0xf8: {  	_ =	swait.ge [sflag:s7], $0x2800  }
0xf9: {  	[sflag:s7] =	ssyncset.done $0x0  }
0xfa: {  	[sflag:s7] =	ssyncadd.s32 $0xFFFFD800  }
0xfb: {  	[spmem:s1] =	stream.indirect.scatter.add.f32 [tilespmem:s30], [sflag:$0x6], $0x80, s8, s23, $0xb8;
	[tilespmem:$0x1F300] =	vst v63  }
0xfc: {  	_ =	swait.ge [sflag:s9], $0x2800  }
0xfd: {  	[sflag:s9] =	ssyncset.done $0x0  }
0xfe: {  	[sflag:s9] =	ssyncadd.s32 $0xFFFFD800  }
0xff: {  	[tilespmem:s26], [sflag:$0x2] =	stream.indirect.gather [hbm4b:s4+s23], $0x80, s10, s23, $0xb8;
	[tilespmem:$0x1F300] =	vst v63  }
.LBB2_14:
0x100: {  	_ =	swait.ge [sflag:s28], $0x2800  }
0x101: {  	s16 =	sshra.s32 s15, $0x2;
	[sflag:s28] =	ssyncset.done $0x0  }
0x102: {  	s17 =	sadd.s32 $0x2180, s16;
	[sflag:s28] =	ssyncadd.s32 $0xFFFFD800  }
0x103: {  	[spmem:s1] =	stream.indirect.scatter.add.f32 [tilespmem:s20], [sflag:$0x4], $0x80, s17, s23, $0xb8;
	[tilespmem:$0x1F300] =	vst v63  }
0x104: {  	_ =	swait.ge [sflag:s12], $0x2800  }
0x105: {  	[sflag:s12] =	ssyncset.done $0x0  }
0x106: {  	s18 =	sadd.s32 $0x280, s16;
	[sflag:s12] =	ssyncadd.s32 $0xFFFFD800  }
0x107: {  	[tilespmem:s30], [sflag:$0x3] =	stream.indirect.gather [hbm4b:s4+s23], $0x80, s18, s23, $0xb8;
	[tilespmem:$0x1F300] =	vst v63  }
0x108: {  	_ =	swait.ge [sflag:s31], $0x2800  }
0x109: {  	[sflag:s31] =	ssyncset.done $0x0  }
0x10a: {  	s18 =	sadd.s32 $0x2200, s16;
	[sflag:s31] =	ssyncadd.s32 $0xFFFFD800  }
0x10b: {  	[spmem:s1] =	stream.indirect.scatter.add.f32 [tilespmem:s26], [sflag:$0x5], $0x80, s18, s23, $0xb8;
	[tilespmem:$0x1F300] =	vst v63  }
0x10c: {  	_ =	swait.ge [sflag:s5], $0x2800  }
0x10d: {  	[sflag:s5] =	ssyncset.done $0x0  }
0x10e: {  	p3 =	seq.s32 s15, $0x7200;
	s18 =	sadd.s32 $0x300, s16;
	[sflag:s5] =	ssyncadd.s32 $0xFFFFD800  }
0x10f: {  	[tilespmem:s20], [sflag:$0x1] =	stream.indirect.gather [hbm4b:s4+s23], $0x80, s18, s23, $0xb8;
	[tilespmem:$0x1F300] =	vst v63  }
.Ltmp8:
0x110: {  	_ = 	snop;
	(pc) =	sbr.rel @p3 .LBB2_16-.Ltmp8, $4  }
0x111: {  	_ =	swait.ge [sflag:s7], $0x2800  }
0x112: {  	[sflag:s7] =	ssyncset.done $0x0  }
0x113: {  	s18 =	sadd.s32 $0x2280, s16;
	[sflag:s7] =	ssyncadd.s32 $0xFFFFD800  }
0x114: {  	[spmem:s1] =	stream.indirect.scatter.add.f32 [tilespmem:s30], [sflag:$0x6], $0x80, s18, s23, $0xb8;
	[tilespmem:$0x1F300] =	vst v63  }
.Ltmp9:
0x115: {  	(pc) =	sbr.rel .LBB2_14-.Ltmp9, $4  }
0x116: {  	_ =	swait.ge [sflag:s9], $0x2800  }
0x117: {  	[sflag:s9] =	ssyncset.done $0x0  }
0x118: {  	s16 =	sadd.s32 $0x380, s16;
	s15 =	sadd.s32 $0x600, s15;
	[sflag:s9] =	ssyncadd.s32 $0xFFFFD800  }
0x119: {  	[tilespmem:s26], [sflag:$0x2] =	stream.indirect.gather [hbm4b:s4+s23], $0x80, s16, s23, $0xb8;
	[tilespmem:$0x1F300] =	vst v63  }
.LBB2_7:
0x11a: {  	_ =	swait.ge [sflag:s28], $0x2800  }
0x11b: {  	[sflag:s28] =	ssyncset.done $0x0  }
0x11c: {  	[sflag:s28] =	ssyncadd.s32 $0xFFFFD800  }
0x11d: {  	[spmem:s1] =	stream.indirect.scatter.add.f32 [tilespmem:s20], [sflag:$0x4], $0x80, s13, s23, $0xb8;
	[tilespmem:$0x1F300] =	vst v63  }
0x11e: {  	_ =	swait.ge [sflag:s5], $0x2800  }
0x11f: {  	[sflag:s5] =	ssyncset.done $0x0  }
0x120: {  	[sflag:s5] =	ssyncadd.s32 $0xFFFFD800  }
0x121: {  	_ =	swait.ge [sflag:s9], $0x2800  }
0x122: {  	[sflag:s9] =	ssyncset.done $0x0  }
0x123: {  	[sflag:s9] =	ssyncadd.s32 $0xFFFFD800  }
0x124: {  	_ =	swait.ge [sflag:s12], $0x2800  }
0x125: {  	[sflag:s12] =	ssyncset.done $0x0  }
0x126: {  	s15 =	simm.s32 $0x0;
	s16 =	rddreg [dreg:$0x6];
	[sflag:s12] =	ssyncadd.s32 $0xFFFFD800  }
0x127: {  	[tilespmem:s15], [sflag:$0x7] =	stream.linear.gather [hbm4b:s16+s15], $0x2000, $0x38;
	[tilespmem:$0x1F300] =	vst v63  }
0x128: {  	_ =	swait.ge [sflag:s21], $0x2000  }
0x129: {  	[sflag:s21] =	ssyncset.done $0x0  }
0x12a: {  	s18 =	rddreg [dreg:$0x7];
	[sflag:s21] =	ssyncadd.s32 $0xFFFFE000  }
0x12b: {  	[tilespmem:s22], [sflag:$0x7] =	stream.linear.gather [hbm4b:s18+s15], $0x2000, $0x38;
	[tilespmem:$0x1F300] =	vst v63  }
0x12c: {  	_ =	swait.ge [sflag:s21], $0x2000  }
0x12d: {  	[sflag:s21] =	ssyncset.done $0x0  }
0x12e: {  	[sflag:s21] =	ssyncadd.s32 $0xFFFFE000  }
0x12f: {  	[tilespmem:s20], [sflag:$0x1] =	stream.indirect.gather [hbm4b:s3+s23], $0x80, s15, s23, $0xb8;
	[tilespmem:$0x1F300] =	vst v63  }
0x130: {  	_ = 	snop  }
0x131: {  	[tilespmem:s26], [sflag:$0x2] =	stream.indirect.gather [hbm4b:s3+s23], $0x80, s24, s23, $0xb8;
	[tilespmem:$0x1F300] =	vst v63  }
0x132: {  	_ =	swait.ge [sflag:s28], $0x2800  }
0x133: {  	[sflag:s28] =	ssyncset.done $0x0  }
0x134: {  	[sflag:s28] =	ssyncadd.s32 $0xFFFFD800  }
0x135: {  	[spmem:s1] =	stream.indirect.scatter.add.f32 [tilespmem:s20], [sflag:$0x4], $0x80, s22, s23, $0xb8;
	[tilespmem:$0x1F300] =	vst v63  }
0x136: {  	_ = 	snop  }
0x137: {  	[tilespmem:s30], [sflag:$0x3] =	stream.indirect.gather [hbm4b:s3+s23], $0x80, s29, s23, $0xb8;
	[tilespmem:$0x1F300] =	vst v63  }
0x138: {  	_ =	swait.ge [sflag:s31], $0x2800  }
0x139: {  	[sflag:s31] =	ssyncset.done $0x0  }
0x13a: {  	[sflag:s31] =	ssyncadd.s32 $0xFFFFD800  }
0x13b: {  	[spmem:s1] =	stream.indirect.scatter.add.f32 [tilespmem:s26], [sflag:$0x5], $0x80, s0, s23, $0xb8;
	[tilespmem:$0x1F300] =	vst v63  }
0x13c: {  	_ =	swait.ge [sflag:s5], $0x2800  }
0x13d: {  	[sflag:s5] =	ssyncset.done $0x0  }
0x13e: {  	[sflag:s5] =	ssyncadd.s32 $0xFFFFD800  }
0x13f: {  	[tilespmem:s20], [sflag:$0x1] =	stream.indirect.gather [hbm4b:s3+s23], $0x80, s6, s23, $0xb8;
	[tilespmem:$0x1F300] =	vst v63  }
0x140: {  	_ =	swait.ge [sflag:s7], $0x2800  }
0x141: {  	[sflag:s7] =	ssyncset.done $0x0  }
0x142: {  	[sflag:s7] =	ssyncadd.s32 $0xFFFFD800  }
0x143: {  	[spmem:s1] =	stream.indirect.scatter.add.f32 [tilespmem:s30], [sflag:$0x6], $0x80, s8, s23, $0xb8;
	[tilespmem:$0x1F300] =	vst v63  }
0x144: {  	_ =	swait.ge [sflag:s9], $0x2800  }
0x145: {  	[sflag:s9] =	ssyncset.done $0x0  }
0x146: {  	[sflag:s9] =	ssyncadd.s32 $0xFFFFD800  }
0x147: {  	[tilespmem:s26], [sflag:$0x2] =	stream.indirect.gather [hbm4b:s3+s23], $0x80, s10, s23, $0xb8;
	[tilespmem:$0x1F300] =	vst v63  }
.LBB2_8:
0x148: {  	_ =	swait.ge [sflag:s28], $0x2800  }
0x149: {  	s16 =	sshra.s32 s15, $0x2;
	[sflag:s28] =	ssyncset.done $0x0  }
0x14a: {  	s17 =	sadd.s32 $0x2180, s16;
	[sflag:s28] =	ssyncadd.s32 $0xFFFFD800  }
0x14b: {  	[spmem:s1] =	stream.indirect.scatter.add.f32 [tilespmem:s20], [sflag:$0x4], $0x80, s17, s23, $0xb8;
	[tilespmem:$0x1F300] =	vst v63  }
0x14c: {  	_ =	swait.ge [sflag:s12], $0x2800  }
0x14d: {  	[sflag:s12] =	ssyncset.done $0x0  }
0x14e: {  	s18 =	sadd.s32 $0x280, s16;
	[sflag:s12] =	ssyncadd.s32 $0xFFFFD800  }
0x14f: {  	[tilespmem:s30], [sflag:$0x3] =	stream.indirect.gather [hbm4b:s3+s23], $0x80, s18, s23, $0xb8;
	[tilespmem:$0x1F300] =	vst v63  }
0x150: {  	_ =	swait.ge [sflag:s31], $0x2800  }
0x151: {  	[sflag:s31] =	ssyncset.done $0x0  }
0x152: {  	s18 =	sadd.s32 $0x2200, s16;
	[sflag:s31] =	ssyncadd.s32 $0xFFFFD800  }
0x153: {  	[spmem:s1] =	stream.indirect.scatter.add.f32 [tilespmem:s26], [sflag:$0x5], $0x80, s18, s23, $0xb8;
	[tilespmem:$0x1F300] =	vst v63  }
0x154: {  	_ =	swait.ge [sflag:s5], $0x2800  }
0x155: {  	[sflag:s5] =	ssyncset.done $0x0  }
0x156: {  	p3 =	seq.s32 s15, $0x7200;
	s18 =	sadd.s32 $0x300, s16;
	[sflag:s5] =	ssyncadd.s32 $0xFFFFD800  }
0x157: {  	[tilespmem:s20], [sflag:$0x1] =	stream.indirect.gather [hbm4b:s3+s23], $0x80, s18, s23, $0xb8;
	[tilespmem:$0x1F300] =	vst v63  }
.Ltmp10:
0x158: {  	_ = 	snop;
	(pc) =	sbr.rel @p3 .LBB2_16-.Ltmp10, $4  }
0x159: {  	_ =	swait.ge [sflag:s7], $0x2800  }
0x15a: {  	[sflag:s7] =	ssyncset.done $0x0  }
0x15b: {  	s18 =	sadd.s32 $0x2280, s16;
	[sflag:s7] =	ssyncadd.s32 $0xFFFFD800  }
0x15c: {  	[spmem:s1] =	stream.indirect.scatter.add.f32 [tilespmem:s30], [sflag:$0x6], $0x80, s18, s23, $0xb8;
	[tilespmem:$0x1F300] =	vst v63  }
.Ltmp11:
0x15d: {  	(pc) =	sbr.rel .LBB2_8-.Ltmp11, $4  }
0x15e: {  	_ =	swait.ge [sflag:s9], $0x2800  }
0x15f: {  	[sflag:s9] =	ssyncset.done $0x0  }
0x160: {  	s16 =	sadd.s32 $0x380, s16;
	s15 =	sadd.s32 $0x600, s15;
	[sflag:s9] =	ssyncadd.s32 $0xFFFFD800  }
0x161: {  	[tilespmem:s26], [sflag:$0x2] =	stream.indirect.gather [hbm4b:s3+s23], $0x80, s16, s23, $0xb8;
	[tilespmem:$0x1F300] =	vst v63  }
.LBB2_17:
0x162: {  	_ =	sfence.sel $0x180000  }
0x163: {  	[bflag:$0x0] =	sbarrier.arrive $0xFFFF  }
0x164: {  	_ =	strace $0x9000004A  }
0x165: {  	s0 =	stileid.u32;
	[bflag:$0x2] =	sbarrier.arrive $0xFFFF  }
0x166: {  	p0 =	sne.s32 s0, $0x0;
	s0 =	rddreg [dreg:$0x3]  }
0x167: {  	s0 =	sadd.s32 @!p0 $0x100000, s0  }
0x168: {  	[sflag:s0] =	ssyncadd.tile.s32 @!p0 $0x1;
	_ =	shalt  }
.Lfunc_end2:
_tile_overlayer_lowered:
.L_overlay_start_2:
0x169: {  	(tag) =	ssettag $0x2  }
0x16a: {  	s0 =	rddreg [dreg:$0x0];
	s2 =	stileid.u32  }
0x16b: {  	s1 =	rddreg [dreg:$0x1];
	p0 =	sne.s32 s2, $0x0  }
0x16c: {  	s3 =	rddreg [dreg:$0x2];
	[bflag:$0x3] =	sbarrier.arrive $0xFFFF;
	s2 =	simm.s32 @!p0 $0x1C07  }
0x16d: {  	[timem:s3], [sflag:s2] =	dma.local @!p0 [hbm:s0], s1  }
0x16e: {  	s0 =	simm.s32 @!p0 $0x7  }
0x16f: {  	_ =	swait.ge @!p0 [sflag:s0], s1  }
0x170: {  	s1 =	ssub.s32 @!p0 $0x0, s1;
	[sflag:s0] =	ssyncset.done @!p0 $0x0  }
0x171: {  	[sflag:s0] =	ssyncadd.s32 @!p0 s1  }
0x172: {  	[bflag:$0x3] =	sbarrier.arrive $0xFFFF  }
0x173: {  	_ =	shalt  }

</sc_bundles>
